<compile_context>
chip_gen: v7x
topology: tpu7x:2x2x1
jax: 0.10.2.dev20260603
libtpu: 0.0.44.dev20260713+nightly
codegen_flags: <defaults>
</compile_context>

<pallas_src>
import functools

import jax
import jax.numpy as jnp
from jax import lax
from jax.experimental import pallas as pl
from jax.experimental.pallas import tpu as pltpu
from jax.experimental.pallas import tpu_sc as plsc

N = 10000
E = 320000
D = 128
H = 32

NC = 2
NS = 16
NW = NC * NS
EPW = E // NW
BLK = 80
NBLK = EPW // BLK
NCHUNK = BLK // 16
GSUB = 80
NGS = BLK // GSUB
NPAD = NW * 320
NR = 320
BIG = 1 << 30


def _tc_tables(emb_ref, wcat_ref, g_ref):
    g_ref[...] = jnp.dot(emb_ref[...].astype(jnp.bfloat16),
                         wcat_ref[...].astype(jnp.bfloat16),
                         preferred_element_type=jnp.float32)


def _sc_edges(src_hbm, dst_hbm, g_hbm, cst_hbm,
              scores_hbm, wall_hbm, call_hbm,
              src_v, dst_v, g1r, g2r, st, sc_v, win_v, cmp_v, cst_v, sem):
    wid = lax.axis_index("s") * NC + lax.axis_index("c")
    iota = lax.iota(jnp.int32, 16)

    pltpu.sync_copy(cst_hbm, cst_v)

    def init_body(i, carry):
        win_v[pl.ds(i * 16, 16)] = jnp.full((16,), -1, jnp.int32)
        cmp_v[pl.ds(i * 16, 16)] = jnp.full((16,), 0, jnp.int32)
        return carry
    lax.fori_loop(0, NPAD // 16, init_body, 0)

    b2v = cst_v[pl.ds(2 * H, 16)]
    b1c = [cst_v[pl.ds(0, 16)], cst_v[pl.ds(16, 16)]]
    w2c = [cst_v[pl.ds(H, 16)], cst_v[pl.ds(H + 16, 16)]]
    b1e = [b1c[j // 16][j % 16] for j in range(H)]
    w2e = [w2c[j // 16][j % 16] for j in range(H)]

    def block_body(b, carry):
        base = pl.multiple_of(wid * EPW + b * BLK, 8)
        pltpu.sync_copy(src_hbm.at[pl.ds(base, BLK)], src_v)
        pltpu.sync_copy(dst_hbm.at[pl.ds(base, BLK)], dst_v)
        descs = []
        for g in range(NGS):
            sl = pl.ds(g * GSUB, GSUB)
            descs.append(pltpu.async_copy(g_hbm.at[src_v.at[sl]], g1r.at[sl], sem))
            descs.append(pltpu.async_copy(g_hbm.at[dst_v.at[sl]], g2r.at[sl], sem))
        for dsc in descs:
            dsc.wait()


        def chunk_body(c, carry):
            eoff = c * 16
            idxbase = iota * 16
            for l in range(16):
                e = eoff + l
                for half in range(2):
                    srow = (g1r[e, pl.ds(half * 16, 16)]
                            + g2r[e, pl.ds(H + half * 16, 16)])
                    plsc.store_scatter(st, [idxbase + (half * 256 + l)], srow)
            acc = b2v
            for j in range(H):
                featj = st[pl.ds(j * 16, 16)]
                hj = jnp.maximum(featj + b1e[j], 0.0)
                u = plsc.bitcast(hj, jnp.int32)
                u = lax.bitwise_and(
                    u + 0x7FFF + lax.bitwise_and(
                        lax.shift_right_logical(u, 16), 1),
                    jnp.int32(-65536))
                acc = acc + plsc.bitcast(u, jnp.float32) * w2e[j]
            score = 1.0 / (1.0 + jnp.exp(-acc))
            sc_v[pl.ds(eoff, 16)] = score
            valid = acc > 0.0

            srcc = src_v[pl.ds(eoff, 16)]
            dstc = dst_v[pl.ds(eoff, 16)]
            for phase in range(2):
                nid = srcc if phase == 0 else dstc
                other = dstc if phase == 0 else srcc
                key = jnp.where(valid, nid * 16 + iota, BIG)
                ksort = lax.sort(key)
                sidx = lax.shift_right_arithmetic(ksort, 4)
                lorig = lax.bitwise_and(ksort, 15)
                nxt = ksort.at[jnp.minimum(iota + 1, 15)].get(
                    mode="promise_in_bounds")
                keep = jnp.logical_or(
                    sidx != lax.shift_right_arithmetic(nxt, 4), iota == 15)
                m = jnp.logical_and(keep, ksort < BIG)
                sidx = jnp.where(m, sidx, 0)
                prio = base + eoff + lorig + phase * E
                old = plsc.load_gather(win_v, [sidx], mask=m)
                wins = jnp.logical_and(m, prio > old)
                plsc.store_scatter(win_v, [sidx], prio, mask=wins)
                othv = other.at[lorig].get(mode="promise_in_bounds")
                plsc.store_scatter(cmp_v, [sidx], othv, mask=wins)
            return carry
        lax.fori_loop(0, NCHUNK, chunk_body, 0)
        pltpu.sync_copy(sc_v, scores_hbm.at[pl.ds(base, BLK)])
        return carry
    lax.fori_loop(0, NBLK, block_body, 0)

    wbase = pl.multiple_of(wid * NPAD, 8)
    pltpu.sync_copy(win_v, wall_hbm.at[pl.ds(wbase, NPAD)])
    pltpu.sync_copy(cmp_v, call_hbm.at[pl.ds(wbase, NPAD)])


def _sc_nodes(wall_hbm, call_hbm, g_hbm, rb_hbm,
              hr_hbm, wm_hbm,
              wtmp, ctmp, wbest_v, cbest_v, av, bv, g1r, g2r, hrv, rb_v, sem):
    wid = lax.axis_index("s") * NC + lax.axis_index("c")
    lo = pl.multiple_of(wid * NR, 8)
    iota = lax.iota(jnp.int32, 16)

    pltpu.sync_copy(rb_hbm, rb_v)

    def init_body(c, carry):
        off = pl.ds(c * 16, 16)
        wbest_v[off] = jnp.full((16,), -1, jnp.int32)
        cbest_v[off] = jnp.full((16,), 0, jnp.int32)
        return carry
    lax.fori_loop(0, NR // 16, init_body, 0)

    def t_body(t, carry):
        soff = pl.multiple_of(t * NPAD + lo, 8)
        pltpu.sync_copy(wall_hbm.at[pl.ds(soff, NR)], wtmp)
        pltpu.sync_copy(call_hbm.at[pl.ds(soff, NR)], ctmp)

        def c_body(c, carry2):
            off = pl.ds(c * 16, 16)
            wb = wbest_v[off]
            wt = wtmp[off]
            better = wt > wb
            wbest_v[off] = jnp.where(better, wt, wb)
            cbest_v[off] = jnp.where(better, ctmp[off], cbest_v[off])
            return carry2
        lax.fori_loop(0, NR // 16, c_body, 0)
        return carry
    lax.fori_loop(0, NW, t_body, 0)

    def ab_body(c, carry):
        off = pl.ds(c * 16, 16)
        wb = wbest_v[off]
        cb = cbest_v[off]
        has = wb >= 0
        isdst = wb >= E
        v = lo + c * 16 + iota
        av[off] = jnp.where(has, jnp.where(isdst, cb, v), 0)
        bv[off] = jnp.where(has, jnp.where(isdst, v, cb), 0)
        return carry
    lax.fori_loop(0, NR // 16, ab_body, 0)

    for g in range(NR // GSUB):
        sl = pl.ds(g * GSUB, GSUB)
        d1 = pltpu.async_copy(g_hbm.at[av.at[sl]], g1r, sem)
        d2 = pltpu.async_copy(g_hbm.at[bv.at[sl]], g2r, sem)
        d1.wait()
        d2.wait()

        def hr_body(r, carry):
            for half in range(2):
                off = pl.ds(half * 16, 16)
                x = (g1r[r, pl.ds(2 * H + half * 16, 16)]
                     + g2r[r, pl.ds(3 * H + half * 16, 16)] + rb_v[off])
                hrv[g * GSUB + r, off] = jnp.maximum(x, 0.0)
            return carry
        lax.fori_loop(0, GSUB, hr_body, 0)

    pltpu.sync_copy(hrv, hr_hbm.at[pl.ds(lo, NR)])
    pltpu.sync_copy(wbest_v, wm_hbm.at[pl.ds(lo, NR)])


def _tc_finish(emb_ref, hr_ref, wm_ref, r2t_ref, rb2_ref, out_ref):
    res = jnp.dot(hr_ref[...].astype(jnp.bfloat16),
                  r2t_ref[...].astype(jnp.bfloat16),
                  preferred_element_type=jnp.float32) + rb2_ref[...]
    cond = wm_ref[...] >= 0
    emb = emb_ref[...]
    out_ref[...] = jnp.where(cond, (emb + res) * 0.5, emb)


def kernel(embeddings, edge_index, W1, b1, W2, b2, R1, Rb1, R2, Rb2):
    f32 = jnp.float32
    src = edge_index[0]
    dst = edge_index[1]
    wcat = jnp.concatenate(
        [W1[:, :D].T, W1[:, D:].T, R1[:, :D].T, R1[:, D:].T], axis=1)
    uw = jax.lax.bitcast_convert_type(W2[0], jnp.int32)
    uw = (uw + 0x7FFF + ((uw >> 16) & 1)) & jnp.int32(-65536)
    w2r = jax.lax.bitcast_convert_type(uw, f32)
    cst = jnp.concatenate([b1, w2r, jnp.full((16,), b2[0], f32)])

    gtab = pl.pallas_call(
        _tc_tables,
        out_shape=jax.ShapeDtypeStruct((N, 4 * H), f32),
    )(embeddings, wcat)

    mesh = plsc.VectorSubcoreMesh(
        core_axis_name="c", subcore_axis_name="s",
        num_cores=NC, num_subcores=NS)

    sc_params = pltpu.CompilerParams(needs_layout_passes=False)
    edges_k = pl.kernel(
        _sc_edges,
        compiler_params=sc_params,
        out_type=[
            jax.ShapeDtypeStruct((E,), f32),
            jax.ShapeDtypeStruct((NW * NPAD,), jnp.int32),
            jax.ShapeDtypeStruct((NW * NPAD,), jnp.int32),
        ],
        mesh=mesh,
        scratch_types=[
            pltpu.VMEM((BLK,), jnp.int32),
            pltpu.VMEM((BLK,), jnp.int32),
            pltpu.VMEM((BLK, 4 * H), f32),
            pltpu.VMEM((BLK, 4 * H), f32),
            pltpu.VMEM((H * 16,), f32),
            pltpu.VMEM((BLK,), f32),
            pltpu.VMEM((NPAD,), jnp.int32),
            pltpu.VMEM((NPAD,), jnp.int32),
            pltpu.VMEM((2 * H + 16,), f32),
            pltpu.SemaphoreType.DMA,
        ],
    )
    scores, wall, callarr = edges_k(src, dst, gtab, cst)

    nodes_k = pl.kernel(
        _sc_nodes,
        compiler_params=sc_params,
        out_type=[
            jax.ShapeDtypeStruct((NPAD, H), f32),
            jax.ShapeDtypeStruct((NPAD,), jnp.int32),
        ],
        mesh=mesh,
        scratch_types=[
            pltpu.VMEM((NR,), jnp.int32),
            pltpu.VMEM((NR,), jnp.int32),
            pltpu.VMEM((NR,), jnp.int32),
            pltpu.VMEM((NR,), jnp.int32),
            pltpu.VMEM((NR,), jnp.int32),
            pltpu.VMEM((NR,), jnp.int32),
            pltpu.VMEM((GSUB, 4 * H), f32),
            pltpu.VMEM((GSUB, 4 * H), f32),
            pltpu.VMEM((NR, H), f32),
            pltpu.VMEM((H,), f32),
            pltpu.SemaphoreType.DMA,
        ],
    )
    hr, wm = nodes_k(wall, callarr, gtab, Rb1)

    resolved = pl.pallas_call(
        _tc_finish,
        out_shape=jax.ShapeDtypeStruct((N, D), f32),
    )(embeddings, hr[:N], wm[:N].reshape(N, 1), R2.T, Rb2.reshape(1, D))

    return resolved, scores

# --- scband reference (transcript-rebuilt; emitter-appended) ---
"""Pipeline reference for scband-contradiction-detector-47502338294426 (READ-ONLY COPY).

The authoritative reference and input builder live on the scoring server;
editing this copy changes nothing except your own understanding.
"""

import jax, jax.numpy as jnp
import numpy as np

N_NODES = 10000
N_EDGES = 320000
D = 128
H = 32


def setup_inputs(seed: int = 0) -> dict:
    key = jax.random.key(seed)
    ks = jax.random.split(key, 12)
    embeddings = jax.random.normal(ks[0], (N_NODES, D), dtype=jnp.float32)
    edge_index = jax.random.randint(ks[1], (2, N_EDGES), 0, N_NODES, dtype=jnp.int32)
    s1 = 1.0 / np.sqrt(2 * D)
    s2 = 1.0 / np.sqrt(H)
    W1 = jax.random.uniform(ks[2], (H, 2 * D), jnp.float32, -s1, s1)
    b1 = jax.random.uniform(ks[3], (H,), jnp.float32, -s1, s1)
    W2 = jax.random.uniform(ks[4], (1, H), jnp.float32, -s2, s2)
    b2 = jax.random.uniform(ks[5], (1,), jnp.float32, -s2, s2)
    R1 = jax.random.uniform(ks[6], (H, 2 * D), jnp.float32, -s1, s1)
    Rb1 = jax.random.uniform(ks[7], (H,), jnp.float32, -s1, s1)
    R2 = jax.random.uniform(ks[8], (D, H), jnp.float32, -s2, s2)
    Rb2 = jax.random.uniform(ks[9], (D,), jnp.float32, -s2, s2)
    return {"embeddings": embeddings, "edge_index": edge_index,
            "W1": W1, "b1": b1, "W2": W2, "b2": b2,
            "R1": R1, "Rb1": Rb1, "R2": R2, "Rb2": Rb2}


def reference(embeddings, edge_index, W1, b1, W2, b2, R1, Rb1, R2, Rb2):
    src = edge_index[0]
    dst = edge_index[1]
    # Gather endpoint features and form pairs (vectorized version of the per-edge loop)
    pair = jnp.concatenate([jnp.take(embeddings, src, axis=0),
                            jnp.take(embeddings, dst, axis=0)], axis=1)  # [E, 2D]
    # contradiction_detector: Linear -> ReLU -> Linear -> Sigmoid
    h = jax.nn.relu(pair @ W1.T + b1)
    scores = jax.nn.sigmoid(h @ W2.T + b2)[:, 0]  # [E]
    mask = scores > 0.5
    # resolver: Linear -> ReLU -> Linear (same math; computed for all edges, applied where masked)
    hr = jax.nn.relu(pair @ R1.T + Rb1)
    res = hr @ R2.T + Rb2  # [E, D]
    new_src = (jnp.take(embeddings, src, axis=0) + res) * 0.5
    new_dst = (jnp.take(embeddings, dst, axis=0) + res) * 0.5
    n = embeddings.shape[0]
    idx_src = jnp.where(mask, src, n)  # out-of-range -> dropped
    idx_dst = jnp.where(mask, dst, n)
    resolved = embeddings
    resolved = resolved.at[idx_src].set(new_src, mode="drop")
    resolved = resolved.at[idx_dst].set(new_dst, mode="drop")
    return resolved, scores

if __name__ == "__main__":
    import jax
    _d = setup_inputs()
    print(jax.jit(kernel)(*tuple(_d.values())))

</pallas_src>

<mosaic_0001>
#map = affine_map<(d0, d1) -> (0)>
#map1 = affine_map<(d0, d1) -> (0, 0)>
module attributes {stable_mosaic.version = 14 : i64} {
  func.func @_sc_nodes(%arg0: i32, %arg1: i32, %arg2: memref<327680xi32, #tpu.memory_space<hbm>>, %arg3: memref<327680xi32, #tpu.memory_space<hbm>>, %arg4: memref<10000x128xf32, #tpu.memory_space<hbm>>, %arg5: memref<32xf32, #tpu.memory_space<hbm>>, %arg6: memref<10240x32xf32, #tpu.memory_space<hbm>>, %arg7: memref<10240xi32, #tpu.memory_space<hbm>>, %arg8: memref<320xi32, #tpu.memory_space<vmem>>, %arg9: memref<320xi32, #tpu.memory_space<vmem>>, %arg10: memref<320xi32, #tpu.memory_space<vmem>>, %arg11: memref<320xi32, #tpu.memory_space<vmem>>, %arg12: memref<320xi32, #tpu.memory_space<vmem>>, %arg13: memref<320xi32, #tpu.memory_space<vmem>>, %arg14: memref<80x128xf32, #tpu.memory_space<vmem>>, %arg15: memref<80x128xf32, #tpu.memory_space<vmem>>, %arg16: memref<320x32xf32, #tpu.memory_space<vmem>>, %arg17: memref<32xf32, #tpu.memory_space<vmem>>, %arg18: memref<!tpu.dma_semaphore, #tpu.memory_space<semaphore_mem>>) attributes {dimension_semantics = [#tpu.dimension_semantics<core_parallel>, #tpu.dimension_semantics<subcore_parallel>], iteration_bounds = array<i64: 2, 16>, scalar_prefetch = 0 : i64, scratch_operands = 11 : i64, tpu.core_type = #tpu.core_type<sc_vector_subcore>, window_params = [{transform_indices = #map}, {transform_indices = #map}, {transform_indices = #map1}, {transform_indices = #map}, {transform_indices = #map1}, {transform_indices = #map}]} {
    %mul3A = arith.constant 2 : i32
    %mul3A_0 = arith.muli %arg1, %mul3A : i32
    %add3A = arith.addi %mul3A_0, %arg0 : i32
    %mul3A_1 = arith.constant 320 : i32
    %mul3A_2 = arith.muli %add3A, %mul3A_1 : i32
    %multiple_of3A = tpu.assume_multiple %mul3A_2, 8 : i32
    %iota3A = tpu.iota {dimensions = array<i32: 0>} : vector<16xi32>
    "tpu.region"() ({
      %run_scoped3A = tpu.sem_alloc : memref<!tpu.dma_semaphore, #tpu.memory_space<semaphore_mem>>
      tpu.enqueue_dma source(%arg5 : memref<32xf32, #tpu.memory_space<hbm>>) target(%arg17 : memref<32xf32, #tpu.memory_space<vmem>>) target_semaphore(%run_scoped3A : memref<!tpu.dma_semaphore, #tpu.memory_space<semaphore_mem>>)
      tpu.wait_dma2 semaphore(%run_scoped3A : memref<!tpu.dma_semaphore, #tpu.memory_space<semaphore_mem>>) src(%arg5 : memref<32xf32, #tpu.memory_space<hbm>>) dst(%arg17 : memref<32xf32, #tpu.memory_space<vmem>>)
      tpu.yield
    }) : () -> ()
    %scan3A = arith.constant 0 : i32
    %scan3A_3 = arith.constant 0 : i32
    %scan3A_4 = arith.constant 20 : i32
    %scan3A_5 = arith.addi %scan3A_3, %scan3A_4 : i32
    %scan3A_6 = arith.constant 1 : i32
    scf.for %scan3A_122 = %scan3A_3 to %scan3A_5 step %scan3A_6  : i32 {
      %mul3A_123 = arith.constant 16 : i32
      %mul3A_124 = arith.muli %scan3A_122, %mul3A_123 : i32
      %broadcast_in_dim3A = arith.constant -1 : i32
      %broadcast_in_dim3A_125 = vector.broadcast %broadcast_in_dim3A : i32 to vector<16xi32>
      %swap3A = arith.index_cast %mul3A_124 : i32 to index
      %swap3A_126 = tpu.vector_load %arg10[%swap3A] {strides = array<i32>} : memref<320xi32, #tpu.memory_space<vmem>>, vector<16xi32>,
      tpu.vector_store %arg10[%swap3A], %broadcast_in_dim3A_125 {strides = array<i32>} : memref<320xi32, #tpu.memory_space<vmem>>, vector<16xi32>,
      %broadcast_in_dim3A_127 = arith.constant 0 : i32
      %broadcast_in_dim3A_128 = vector.broadcast %broadcast_in_dim3A_127 : i32 to vector<16xi32>
      %swap3A_129 = arith.index_cast %mul3A_124 : i32 to index
      %swap3A_130 = tpu.vector_load %arg11[%swap3A_129] {strides = array<i32>} : memref<320xi32, #tpu.memory_space<vmem>>, vector<16xi32>,
      tpu.vector_store %arg11[%swap3A_129], %broadcast_in_dim3A_128 {strides = array<i32>} : memref<320xi32, #tpu.memory_space<vmem>>, vector<16xi32>,
    }
    %scan3A_7 = arith.constant 20 : i32
    %scan3A_8 = arith.constant 0 : i32
    %scan3A_9 = arith.constant 0 : i32
    %scan3A_10 = arith.constant 32 : i32
    %scan3A_11 = arith.addi %scan3A_9, %scan3A_10 : i32
    %scan3A_12 = arith.constant 1 : i32
    scf.for %scan3A_122 = %scan3A_9 to %scan3A_11 step %scan3A_12  : i32 {
      %mul3A_123 = arith.constant 10240 : i32
      %mul3A_124 = arith.muli %scan3A_122, %mul3A_123 : i32
      %add3A_125 = arith.addi %mul3A_124, %multiple_of3A : i32
      %multiple_of3A_126 = tpu.assume_multiple %add3A_125, 8 : i32
      "tpu.region"() ({
        %run_scoped3A = tpu.sem_alloc : memref<!tpu.dma_semaphore, #tpu.memory_space<semaphore_mem>>
        %dma_start3A_133 = tpu.memref_slice %arg2[%multiple_of3A_126] : memref<327680xi32, #tpu.memory_space<hbm>> -> memref<320xi32, #tpu.memory_space<hbm>>
        %dma_start3A_134 = tpu.memref_slice %arg2[%multiple_of3A_126] : memref<327680xi32, #tpu.memory_space<hbm>> -> memref<320xi32, #tpu.memory_space<hbm>>
        tpu.enqueue_dma source(%dma_start3A_134 : memref<320xi32, #tpu.memory_space<hbm>>) target(%arg8 : memref<320xi32, #tpu.memory_space<vmem>>) target_semaphore(%run_scoped3A : memref<!tpu.dma_semaphore, #tpu.memory_space<semaphore_mem>>)
        %dma_wait3A_135 = tpu.memref_slice %arg2[%multiple_of3A_126] : memref<327680xi32, #tpu.memory_space<hbm>> -> memref<320xi32, #tpu.memory_space<hbm>>
        %dma_wait3A_136 = tpu.memref_slice %arg2[%multiple_of3A_126] : memref<327680xi32, #tpu.memory_space<hbm>> -> memref<320xi32, #tpu.memory_space<hbm>>
        tpu.wait_dma2 semaphore(%run_scoped3A : memref<!tpu.dma_semaphore, #tpu.memory_space<semaphore_mem>>) src(%dma_wait3A_136 : memref<320xi32, #tpu.memory_space<hbm>>) dst(%arg8 : memref<320xi32, #tpu.memory_space<vmem>>)
        tpu.yield
      }) : () -> ()
      "tpu.region"() ({
        %run_scoped3A = tpu.sem_alloc : memref<!tpu.dma_semaphore, #tpu.memory_space<semaphore_mem>>
        %dma_start3A_133 = tpu.memref_slice %arg3[%multiple_of3A_126] : memref<327680xi32, #tpu.memory_space<hbm>> -> memref<320xi32, #tpu.memory_space<hbm>>
        %dma_start3A_134 = tpu.memref_slice %arg3[%multiple_of3A_126] : memref<327680xi32, #tpu.memory_space<hbm>> -> memref<320xi32, #tpu.memory_space<hbm>>
        tpu.enqueue_dma source(%dma_start3A_134 : memref<320xi32, #tpu.memory_space<hbm>>) target(%arg9 : memref<320xi32, #tpu.memory_space<vmem>>) target_semaphore(%run_scoped3A : memref<!tpu.dma_semaphore, #tpu.memory_space<semaphore_mem>>)
        %dma_wait3A_135 = tpu.memref_slice %arg3[%multiple_of3A_126] : memref<327680xi32, #tpu.memory_space<hbm>> -> memref<320xi32, #tpu.memory_space<hbm>>
        %dma_wait3A_136 = tpu.memref_slice %arg3[%multiple_of3A_126] : memref<327680xi32, #tpu.memory_space<hbm>> -> memref<320xi32, #tpu.memory_space<hbm>>
        tpu.wait_dma2 semaphore(%run_scoped3A : memref<!tpu.dma_semaphore, #tpu.memory_space<semaphore_mem>>) src(%dma_wait3A_136 : memref<320xi32, #tpu.memory_space<hbm>>) dst(%arg9 : memref<320xi32, #tpu.memory_space<vmem>>)
        tpu.yield
      }) : () -> ()
      %scan3A_127 = arith.constant 0 : i32
      %scan3A_128 = arith.constant 0 : i32
      %scan3A_129 = arith.constant 20 : i32
      %scan3A_130 = arith.addi %scan3A_128, %scan3A_129 : i32
      %scan3A_131 = arith.constant 1 : i32
      scf.for %scan3A_133 = %scan3A_128 to %scan3A_130 step %scan3A_131  : i32 {
        %mul3A_134 = arith.constant 16 : i32
        %mul3A_135 = arith.muli %scan3A_133, %mul3A_134 : i32
        %get3A = arith.index_cast %mul3A_135 : i32 to index
        %get3A_136 = tpu.vector_load %arg10[%get3A] {strides = array<i32>} : memref<320xi32, #tpu.memory_space<vmem>>, vector<16xi32>,
        %get3A_137 = arith.index_cast %mul3A_135 : i32 to index
        %get3A_138 = tpu.vector_load %arg8[%get3A_137] {strides = array<i32>} : memref<320xi32, #tpu.memory_space<vmem>>, vector<16xi32>,
        %gt3A = arith.cmpi sgt, %get3A_138, %get3A_136 : vector<16xi32>
        %select_n3A = arith.select %gt3A, %get3A_138, %get3A_136 : vector<16xi1>, vector<16xi32>
        %swap3A = arith.index_cast %mul3A_135 : i32 to index
        %swap3A_139 = tpu.vector_load %arg10[%swap3A] {strides = array<i32>} : memref<320xi32, #tpu.memory_space<vmem>>, vector<16xi32>,
        tpu.vector_store %arg10[%swap3A], %select_n3A {strides = array<i32>} : memref<320xi32, #tpu.memory_space<vmem>>, vector<16xi32>,
        %get3A_140 = arith.index_cast %mul3A_135 : i32 to index
        %get3A_141 = tpu.vector_load %arg9[%get3A_140] {strides = array<i32>} : memref<320xi32, #tpu.memory_space<vmem>>, vector<16xi32>,
        %get3A_142 = arith.index_cast %mul3A_135 : i32 to index
        %get3A_143 = tpu.vector_load %arg11[%get3A_142] {strides = array<i32>} : memref<320xi32, #tpu.memory_space<vmem>>, vector<16xi32>,
        %select_n3A_144 = arith.select %gt3A, %get3A_141, %get3A_143 : vector<16xi1>, vector<16xi32>
        %swap3A_145 = arith.index_cast %mul3A_135 : i32 to index
        %swap3A_146 = tpu.vector_load %arg11[%swap3A_145] {strides = array<i32>} : memref<320xi32, #tpu.memory_space<vmem>>, vector<16xi32>,
        tpu.vector_store %arg11[%swap3A_145], %select_n3A_144 {strides = array<i32>} : memref<320xi32, #tpu.memory_space<vmem>>, vector<16xi32>,
      }
      %scan3A_132 = arith.constant 20 : i32
    }
    %scan3A_13 = arith.constant 32 : i32
    %scan3A_14 = arith.constant 0 : i32
    %scan3A_15 = arith.constant 0 : i32
    %scan3A_16 = arith.constant 20 : i32
    %scan3A_17 = arith.addi %scan3A_15, %scan3A_16 : i32
    %scan3A_18 = arith.constant 1 : i32
    scf.for %scan3A_122 = %scan3A_15 to %scan3A_17 step %scan3A_18  : i32 {
      %mul3A_123 = arith.constant 16 : i32
      %mul3A_124 = arith.muli %scan3A_122, %mul3A_123 : i32
      %get3A = arith.index_cast %mul3A_124 : i32 to index
      %get3A_125 = tpu.vector_load %arg10[%get3A] {strides = array<i32>} : memref<320xi32, #tpu.memory_space<vmem>>, vector<16xi32>,
      %get3A_126 = arith.index_cast %mul3A_124 : i32 to index
      %get3A_127 = tpu.vector_load %arg11[%get3A_126] {strides = array<i32>} : memref<320xi32, #tpu.memory_space<vmem>>, vector<16xi32>,
      %ge3A = arith.constant 0 : i32
      %ge3A_128 = vector.broadcast %ge3A : i32 to vector<16xi32>
      %ge3A_129 = arith.cmpi sge, %get3A_125, %ge3A_128 : vector<16xi32>
      %ge3A_130 = arith.constant 320000 : i32
      %ge3A_131 = vector.broadcast %ge3A_130 : i32 to vector<16xi32>
      %ge3A_132 = arith.cmpi sge, %get3A_125, %ge3A_131 : vector<16xi32>
      %mul3A_133 = arith.constant 16 : i32
      %mul3A_134 = arith.muli %scan3A_122, %mul3A_133 : i32
      %add3A_135 = arith.addi %multiple_of3A, %mul3A_134 : i32
      %add3A_136 = vector.broadcast %add3A_135 : i32 to vector<16xi32>
      %add3A_137 = arith.addi %add3A_136, %iota3A : vector<16xi32>
      %select_n3A = arith.select %ge3A_132, %get3A_127, %add3A_137 : vector<16xi1>, vector<16xi32>
      %jit3A = arith.constant 0 : i32
      %broadcast_in_dim3A = vector.broadcast %jit3A : i32 to vector<16xi32>
      %select_n3A_138 = arith.select %ge3A_129, %select_n3A, %broadcast_in_dim3A : vector<16xi1>, vector<16xi32>
      %swap3A = arith.index_cast %mul3A_124 : i32 to index
      %swap3A_139 = tpu.vector_load %arg12[%swap3A] {strides = array<i32>} : memref<320xi32, #tpu.memory_space<vmem>>, vector<16xi32>,
      tpu.vector_store %arg12[%swap3A], %select_n3A_138 {strides = array<i32>} : memref<320xi32, #tpu.memory_space<vmem>>, vector<16xi32>,
      %select_n3A_140 = arith.select %ge3A_132, %add3A_137, %get3A_127 : vector<16xi1>, vector<16xi32>
      %jit3A_141 = arith.constant 0 : i32
      %broadcast_in_dim3A_142 = vector.broadcast %jit3A_141 : i32 to vector<16xi32>
      %select_n3A_143 = arith.select %ge3A_129, %select_n3A_140, %broadcast_in_dim3A_142 : vector<16xi1>, vector<16xi32>
      %swap3A_144 = arith.index_cast %mul3A_124 : i32 to index
      %swap3A_145 = tpu.vector_load %arg13[%swap3A_144] {strides = array<i32>} : memref<320xi32, #tpu.memory_space<vmem>>, vector<16xi32>,
      tpu.vector_store %arg13[%swap3A_144], %select_n3A_143 {strides = array<i32>} : memref<320xi32, #tpu.memory_space<vmem>>, vector<16xi32>,
    }
    %scan3A_19 = arith.constant 20 : i32
    %dma_start3A = arith.constant 0 : i32
    %dma_start3A_20 = tpu.memref_slice %arg12[%dma_start3A] : memref<320xi32, #tpu.memory_space<vmem>> -> memref<80xi32, #tpu.memory_space<vmem>>
    %dma_start3A_21 = arith.constant 0 : i32
    %dma_start3A_22 = arith.constant 0 : i32
    %dma_start3A_23 = tpu.memref_slice %arg4[%dma_start3A_21, %dma_start3A_22] : memref<10000x128xf32, #tpu.memory_space<hbm>> -> memref<10000x128xf32, #tpu.memory_space<hbm>>
    tpu.enqueue_indirect_dma source(%dma_start3A_23 : memref<10000x128xf32, #tpu.memory_space<hbm>>) target(%arg14 : memref<80x128xf32, #tpu.memory_space<vmem>>) offsets(%dma_start3A_20 : memref<80xi32, #tpu.memory_space<vmem>>) semaphore(%arg18 : memref<!tpu.dma_semaphore, #tpu.memory_space<semaphore_mem>>)
    %dma_start3A_24 = arith.constant 0 : i32
    %dma_start3A_25 = tpu.memref_slice %arg13[%dma_start3A_24] : memref<320xi32, #tpu.memory_space<vmem>> -> memref<80xi32, #tpu.memory_space<vmem>>
    %dma_start3A_26 = arith.constant 0 : i32
    %dma_start3A_27 = arith.constant 0 : i32
    %dma_start3A_28 = tpu.memref_slice %arg4[%dma_start3A_26, %dma_start3A_27] : memref<10000x128xf32, #tpu.memory_space<hbm>> -> memref<10000x128xf32, #tpu.memory_space<hbm>>
    tpu.enqueue_indirect_dma source(%dma_start3A_28 : memref<10000x128xf32, #tpu.memory_space<hbm>>) target(%arg15 : memref<80x128xf32, #tpu.memory_space<vmem>>) offsets(%dma_start3A_25 : memref<80xi32, #tpu.memory_space<vmem>>) semaphore(%arg18 : memref<!tpu.dma_semaphore, #tpu.memory_space<semaphore_mem>>)
    %dma_wait3A = arith.constant 0 : i32
    %dma_wait3A_29 = tpu.memref_slice %arg12[%dma_wait3A] : memref<320xi32, #tpu.memory_space<vmem>> -> memref<80xi32, #tpu.memory_space<vmem>>
    %dma_wait3A_30 = arith.constant 0 : i32
    %dma_wait3A_31 = arith.constant 0 : i32
    %dma_wait3A_32 = tpu.memref_slice %arg4[%dma_wait3A_30, %dma_wait3A_31] : memref<10000x128xf32, #tpu.memory_space<hbm>> -> memref<10000x128xf32, #tpu.memory_space<hbm>>
    tpu.wait_indirect_dma semaphore(%arg18 : memref<!tpu.dma_semaphore, #tpu.memory_space<semaphore_mem>>) src(%dma_wait3A_32 : memref<10000x128xf32, #tpu.memory_space<hbm>>) dst(%arg14 : memref<80x128xf32, #tpu.memory_space<vmem>>)
    %dma_wait3A_33 = arith.constant 0 : i32
    %dma_wait3A_34 = tpu.memref_slice %arg13[%dma_wait3A_33] : memref<320xi32, #tpu.memory_space<vmem>> -> memref<80xi32, #tpu.memory_space<vmem>>
    %dma_wait3A_35 = arith.constant 0 : i32
    %dma_wait3A_36 = arith.constant 0 : i32
    %dma_wait3A_37 = tpu.memref_slice %arg4[%dma_wait3A_35, %dma_wait3A_36] : memref<10000x128xf32, #tpu.memory_space<hbm>> -> memref<10000x128xf32, #tpu.memory_space<hbm>>
    tpu.wait_indirect_dma semaphore(%arg18 : memref<!tpu.dma_semaphore, #tpu.memory_space<semaphore_mem>>) src(%dma_wait3A_37 : memref<10000x128xf32, #tpu.memory_space<hbm>>) dst(%arg15 : memref<80x128xf32, #tpu.memory_space<vmem>>)
    %scan3A_38 = arith.constant 0 : i32
    %scan3A_39 = arith.constant 0 : i32
    %scan3A_40 = arith.constant 80 : i32
    %scan3A_41 = arith.addi %scan3A_39, %scan3A_40 : i32
    %scan3A_42 = arith.constant 1 : i32
    scf.for %scan3A_122 = %scan3A_39 to %scan3A_41 step %scan3A_42  : i32 {
      %get3A = arith.index_cast %scan3A_122 : i32 to index
      %get3A_123 = arith.constant 64 : index
      %get3A_124 = tpu.vector_load %arg14[%get3A, %get3A_123] {strides = array<i32>} : memref<80x128xf32, #tpu.memory_space<vmem>>, vector<16xf32>,
      %get3A_125 = arith.index_cast %scan3A_122 : i32 to index
      %get3A_126 = arith.constant 96 : index
      %get3A_127 = tpu.vector_load %arg15[%get3A_125, %get3A_126] {strides = array<i32>} : memref<80x128xf32, #tpu.memory_space<vmem>>, vector<16xf32>,
      %add3A_128 = arith.addf %get3A_124, %get3A_127 : vector<16xf32>
      %get3A_129 = arith.constant 0 : index
      %get3A_130 = tpu.vector_load %arg17[%get3A_129] {strides = array<i32>} : memref<32xf32, #tpu.memory_space<vmem>>, vector<16xf32>,
      %add3A_131 = arith.addf %add3A_128, %get3A_130 : vector<16xf32>
      %max3A = arith.constant 0.000000e+00 : f32
      %max3A_132 = vector.broadcast %max3A : f32 to vector<16xf32>
      %max3A_133 = arith.maximumf %add3A_131, %max3A_132 : vector<16xf32>
      %add3A_134 = arith.constant 0 : i32
      %add3A_135 = arith.addi %add3A_134, %scan3A_122 : i32
      %swap3A = arith.index_cast %add3A_135 : i32 to index
      %swap3A_136 = arith.constant 0 : index
      %swap3A_137 = tpu.vector_load %arg16[%swap3A, %swap3A_136] {strides = array<i32>} : memref<320x32xf32, #tpu.memory_space<vmem>>, vector<16xf32>,
      tpu.vector_store %arg16[%swap3A, %swap3A_136], %max3A_133 {strides = array<i32>} : memref<320x32xf32, #tpu.memory_space<vmem>>, vector<16xf32>,
      %get3A_138 = arith.index_cast %scan3A_122 : i32 to index
      %get3A_139 = arith.constant 80 : index
      %get3A_140 = tpu.vector_load %arg14[%get3A_138, %get3A_139] {strides = array<i32>} : memref<80x128xf32, #tpu.memory_space<vmem>>, vector<16xf32>,
      %get3A_141 = arith.index_cast %scan3A_122 : i32 to index
      %get3A_142 = arith.constant 112 : index
      %get3A_143 = tpu.vector_load %arg15[%get3A_141, %get3A_142] {strides = array<i32>} : memref<80x128xf32, #tpu.memory_space<vmem>>, vector<16xf32>,
      %add3A_144 = arith.addf %get3A_140, %get3A_143 : vector<16xf32>
      %get3A_145 = arith.constant 16 : index
      %get3A_146 = tpu.vector_load %arg17[%get3A_145] {strides = array<i32>} : memref<32xf32, #tpu.memory_space<vmem>>, vector<16xf32>,
      %add3A_147 = arith.addf %add3A_144, %get3A_146 : vector<16xf32>
      %max3A_148 = arith.constant 0.000000e+00 : f32
      %max3A_149 = vector.broadcast %max3A_148 : f32 to vector<16xf32>
      %max3A_150 = arith.maximumf %add3A_147, %max3A_149 : vector<16xf32>
      %add3A_151 = arith.constant 0 : i32
      %add3A_152 = arith.addi %add3A_151, %scan3A_122 : i32
      %swap3A_153 = arith.index_cast %add3A_152 : i32 to index
      %swap3A_154 = arith.constant 16 : index
      %swap3A_155 = tpu.vector_load %arg16[%swap3A_153, %swap3A_154] {strides = array<i32>} : memref<320x32xf32, #tpu.memory_space<vmem>>, vector<16xf32>,
      tpu.vector_store %arg16[%swap3A_153, %swap3A_154], %max3A_150 {strides = array<i32>} : memref<320x32xf32, #tpu.memory_space<vmem>>, vector<16xf32>,
    }
    %scan3A_43 = arith.constant 80 : i32
    %dma_start3A_44 = arith.constant 80 : i32
    %dma_start3A_45 = tpu.memref_slice %arg12[%dma_start3A_44] : memref<320xi32, #tpu.memory_space<vmem>> -> memref<80xi32, #tpu.memory_space<vmem>>
    %dma_start3A_46 = arith.constant 0 : i32
    %dma_start3A_47 = arith.constant 0 : i32
    %dma_start3A_48 = tpu.memref_slice %arg4[%dma_start3A_46, %dma_start3A_47] : memref<10000x128xf32, #tpu.memory_space<hbm>> -> memref<10000x128xf32, #tpu.memory_space<hbm>>
    tpu.enqueue_indirect_dma source(%dma_start3A_48 : memref<10000x128xf32, #tpu.memory_space<hbm>>) target(%arg14 : memref<80x128xf32, #tpu.memory_space<vmem>>) offsets(%dma_start3A_45 : memref<80xi32, #tpu.memory_space<vmem>>) semaphore(%arg18 : memref<!tpu.dma_semaphore, #tpu.memory_space<semaphore_mem>>)
    %dma_start3A_49 = arith.constant 80 : i32
    %dma_start3A_50 = tpu.memref_slice %arg13[%dma_start3A_49] : memref<320xi32, #tpu.memory_space<vmem>> -> memref<80xi32, #tpu.memory_space<vmem>>
    %dma_start3A_51 = arith.constant 0 : i32
    %dma_start3A_52 = arith.constant 0 : i32
    %dma_start3A_53 = tpu.memref_slice %arg4[%dma_start3A_51, %dma_start3A_52] : memref<10000x128xf32, #tpu.memory_space<hbm>> -> memref<10000x128xf32, #tpu.memory_space<hbm>>
    tpu.enqueue_indirect_dma source(%dma_start3A_53 : memref<10000x128xf32, #tpu.memory_space<hbm>>) target(%arg15 : memref<80x128xf32, #tpu.memory_space<vmem>>) offsets(%dma_start3A_50 : memref<80xi32, #tpu.memory_space<vmem>>) semaphore(%arg18 : memref<!tpu.dma_semaphore, #tpu.memory_space<semaphore_mem>>)
    %dma_wait3A_54 = arith.constant 80 : i32
    %dma_wait3A_55 = tpu.memref_slice %arg12[%dma_wait3A_54] : memref<320xi32, #tpu.memory_space<vmem>> -> memref<80xi32, #tpu.memory_space<vmem>>
    %dma_wait3A_56 = arith.constant 0 : i32
    %dma_wait3A_57 = arith.constant 0 : i32
    %dma_wait3A_58 = tpu.memref_slice %arg4[%dma_wait3A_56, %dma_wait3A_57] : memref<10000x128xf32, #tpu.memory_space<hbm>> -> memref<10000x128xf32, #tpu.memory_space<hbm>>
    tpu.wait_indirect_dma semaphore(%arg18 : memref<!tpu.dma_semaphore, #tpu.memory_space<semaphore_mem>>) src(%dma_wait3A_58 : memref<10000x128xf32, #tpu.memory_space<hbm>>) dst(%arg14 : memref<80x128xf32, #tpu.memory_space<vmem>>)
    %dma_wait3A_59 = arith.constant 80 : i32
    %dma_wait3A_60 = tpu.memref_slice %arg13[%dma_wait3A_59] : memref<320xi32, #tpu.memory_space<vmem>> -> memref<80xi32, #tpu.memory_space<vmem>>
    %dma_wait3A_61 = arith.constant 0 : i32
    %dma_wait3A_62 = arith.constant 0 : i32
    %dma_wait3A_63 = tpu.memref_slice %arg4[%dma_wait3A_61, %dma_wait3A_62] : memref<10000x128xf32, #tpu.memory_space<hbm>> -> memref<10000x128xf32, #tpu.memory_space<hbm>>
    tpu.wait_indirect_dma semaphore(%arg18 : memref<!tpu.dma_semaphore, #tpu.memory_space<semaphore_mem>>) src(%dma_wait3A_63 : memref<10000x128xf32, #tpu.memory_space<hbm>>) dst(%arg15 : memref<80x128xf32, #tpu.memory_space<vmem>>)
    %scan3A_64 = arith.constant 0 : i32
    %scan3A_65 = arith.constant 0 : i32
    %scan3A_66 = arith.constant 80 : i32
    %scan3A_67 = arith.addi %scan3A_65, %scan3A_66 : i32
    %scan3A_68 = arith.constant 1 : i32
    scf.for %scan3A_122 = %scan3A_65 to %scan3A_67 step %scan3A_68  : i32 {
      %get3A = arith.index_cast %scan3A_122 : i32 to index
      %get3A_123 = arith.constant 64 : index
      %get3A_124 = tpu.vector_load %arg14[%get3A, %get3A_123] {strides = array<i32>} : memref<80x128xf32, #tpu.memory_space<vmem>>, vector<16xf32>,
      %get3A_125 = arith.index_cast %scan3A_122 : i32 to index
      %get3A_126 = arith.constant 96 : index
      %get3A_127 = tpu.vector_load %arg15[%get3A_125, %get3A_126] {strides = array<i32>} : memref<80x128xf32, #tpu.memory_space<vmem>>, vector<16xf32>,
      %add3A_128 = arith.addf %get3A_124, %get3A_127 : vector<16xf32>
      %get3A_129 = arith.constant 0 : index
      %get3A_130 = tpu.vector_load %arg17[%get3A_129] {strides = array<i32>} : memref<32xf32, #tpu.memory_space<vmem>>, vector<16xf32>,
      %add3A_131 = arith.addf %add3A_128, %get3A_130 : vector<16xf32>
      %max3A = arith.constant 0.000000e+00 : f32
      %max3A_132 = vector.broadcast %max3A : f32 to vector<16xf32>
      %max3A_133 = arith.maximumf %add3A_131, %max3A_132 : vector<16xf32>
      %add3A_134 = arith.constant 80 : i32
      %add3A_135 = arith.addi %add3A_134, %scan3A_122 : i32
      %swap3A = arith.index_cast %add3A_135 : i32 to index
      %swap3A_136 = arith.constant 0 : index
      %swap3A_137 = tpu.vector_load %arg16[%swap3A, %swap3A_136] {strides = array<i32>} : memref<320x32xf32, #tpu.memory_space<vmem>>, vector<16xf32>,
      tpu.vector_store %arg16[%swap3A, %swap3A_136], %max3A_133 {strides = array<i32>} : memref<320x32xf32, #tpu.memory_space<vmem>>, vector<16xf32>,
      %get3A_138 = arith.index_cast %scan3A_122 : i32 to index
      %get3A_139 = arith.constant 80 : index
      %get3A_140 = tpu.vector_load %arg14[%get3A_138, %get3A_139] {strides = array<i32>} : memref<80x128xf32, #tpu.memory_space<vmem>>, vector<16xf32>,
      %get3A_141 = arith.index_cast %scan3A_122 : i32 to index
      %get3A_142 = arith.constant 112 : index
      %get3A_143 = tpu.vector_load %arg15[%get3A_141, %get3A_142] {strides = array<i32>} : memref<80x128xf32, #tpu.memory_space<vmem>>, vector<16xf32>,
      %add3A_144 = arith.addf %get3A_140, %get3A_143 : vector<16xf32>
      %get3A_145 = arith.constant 16 : index
      %get3A_146 = tpu.vector_load %arg17[%get3A_145] {strides = array<i32>} : memref<32xf32, #tpu.memory_space<vmem>>, vector<16xf32>,
      %add3A_147 = arith.addf %add3A_144, %get3A_146 : vector<16xf32>
      %max3A_148 = arith.constant 0.000000e+00 : f32
      %max3A_149 = vector.broadcast %max3A_148 : f32 to vector<16xf32>
      %max3A_150 = arith.maximumf %add3A_147, %max3A_149 : vector<16xf32>
      %add3A_151 = arith.constant 80 : i32
      %add3A_152 = arith.addi %add3A_151, %scan3A_122 : i32
      %swap3A_153 = arith.index_cast %add3A_152 : i32 to index
      %swap3A_154 = arith.constant 16 : index
      %swap3A_155 = tpu.vector_load %arg16[%swap3A_153, %swap3A_154] {strides = array<i32>} : memref<320x32xf32, #tpu.memory_space<vmem>>, vector<16xf32>,
      tpu.vector_store %arg16[%swap3A_153, %swap3A_154], %max3A_150 {strides = array<i32>} : memref<320x32xf32, #tpu.memory_space<vmem>>, vector<16xf32>,
    }
    %scan3A_69 = arith.constant 80 : i32
    %dma_start3A_70 = arith.constant 160 : i32
    %dma_start3A_71 = tpu.memref_slice %arg12[%dma_start3A_70] : memref<320xi32, #tpu.memory_space<vmem>> -> memref<80xi32, #tpu.memory_space<vmem>>
    %dma_start3A_72 = arith.constant 0 : i32
    %dma_start3A_73 = arith.constant 0 : i32
    %dma_start3A_74 = tpu.memref_slice %arg4[%dma_start3A_72, %dma_start3A_73] : memref<10000x128xf32, #tpu.memory_space<hbm>> -> memref<10000x128xf32, #tpu.memory_space<hbm>>
    tpu.enqueue_indirect_dma source(%dma_start3A_74 : memref<10000x128xf32, #tpu.memory_space<hbm>>) target(%arg14 : memref<80x128xf32, #tpu.memory_space<vmem>>) offsets(%dma_start3A_71 : memref<80xi32, #tpu.memory_space<vmem>>) semaphore(%arg18 : memref<!tpu.dma_semaphore, #tpu.memory_space<semaphore_mem>>)
    %dma_start3A_75 = arith.constant 160 : i32
    %dma_start3A_76 = tpu.memref_slice %arg13[%dma_start3A_75] : memref<320xi32, #tpu.memory_space<vmem>> -> memref<80xi32, #tpu.memory_space<vmem>>
    %dma_start3A_77 = arith.constant 0 : i32
    %dma_start3A_78 = arith.constant 0 : i32
    %dma_start3A_79 = tpu.memref_slice %arg4[%dma_start3A_77, %dma_start3A_78] : memref<10000x128xf32, #tpu.memory_space<hbm>> -> memref<10000x128xf32, #tpu.memory_space<hbm>>
    tpu.enqueue_indirect_dma source(%dma_start3A_79 : memref<10000x128xf32, #tpu.memory_space<hbm>>) target(%arg15 : memref<80x128xf32, #tpu.memory_space<vmem>>) offsets(%dma_start3A_76 : memref<80xi32, #tpu.memory_space<vmem>>) semaphore(%arg18 : memref<!tpu.dma_semaphore, #tpu.memory_space<semaphore_mem>>)
    %dma_wait3A_80 = arith.constant 160 : i32
    %dma_wait3A_81 = tpu.memref_slice %arg12[%dma_wait3A_80] : memref<320xi32, #tpu.memory_space<vmem>> -> memref<80xi32, #tpu.memory_space<vmem>>
    %dma_wait3A_82 = arith.constant 0 : i32
    %dma_wait3A_83 = arith.constant 0 : i32
    %dma_wait3A_84 = tpu.memref_slice %arg4[%dma_wait3A_82, %dma_wait3A_83] : memref<10000x128xf32, #tpu.memory_space<hbm>> -> memref<10000x128xf32, #tpu.memory_space<hbm>>
    tpu.wait_indirect_dma semaphore(%arg18 : memref<!tpu.dma_semaphore, #tpu.memory_space<semaphore_mem>>) src(%dma_wait3A_84 : memref<10000x128xf32, #tpu.memory_space<hbm>>) dst(%arg14 : memref<80x128xf32, #tpu.memory_space<vmem>>)
    %dma_wait3A_85 = arith.constant 160 : i32
    %dma_wait3A_86 = tpu.memref_slice %arg13[%dma_wait3A_85] : memref<320xi32, #tpu.memory_space<vmem>> -> memref<80xi32, #tpu.memory_space<vmem>>
    %dma_wait3A_87 = arith.constant 0 : i32
    %dma_wait3A_88 = arith.constant 0 : i32
    %dma_wait3A_89 = tpu.memref_slice %arg4[%dma_wait3A_87, %dma_wait3A_88] : memref<10000x128xf32, #tpu.memory_space<hbm>> -> memref<10000x128xf32, #tpu.memory_space<hbm>>
    tpu.wait_indirect_dma semaphore(%arg18 : memref<!tpu.dma_semaphore, #tpu.memory_space<semaphore_mem>>) src(%dma_wait3A_89 : memref<10000x128xf32, #tpu.memory_space<hbm>>) dst(%arg15 : memref<80x128xf32, #tpu.memory_space<vmem>>)
    %scan3A_90 = arith.constant 0 : i32
    %scan3A_91 = arith.constant 0 : i32
    %scan3A_92 = arith.constant 80 : i32
    %scan3A_93 = arith.addi %scan3A_91, %scan3A_92 : i32
    %scan3A_94 = arith.constant 1 : i32
    scf.for %scan3A_122 = %scan3A_91 to %scan3A_93 step %scan3A_94  : i32 {
      %get3A = arith.index_cast %scan3A_122 : i32 to index
      %get3A_123 = arith.constant 64 : index
      %get3A_124 = tpu.vector_load %arg14[%get3A, %get3A_123] {strides = array<i32>} : memref<80x128xf32, #tpu.memory_space<vmem>>, vector<16xf32>,
      %get3A_125 = arith.index_cast %scan3A_122 : i32 to index
      %get3A_126 = arith.constant 96 : index
      %get3A_127 = tpu.vector_load %arg15[%get3A_125, %get3A_126] {strides = array<i32>} : memref<80x128xf32, #tpu.memory_space<vmem>>, vector<16xf32>,
      %add3A_128 = arith.addf %get3A_124, %get3A_127 : vector<16xf32>
      %get3A_129 = arith.constant 0 : index
      %get3A_130 = tpu.vector_load %arg17[%get3A_129] {strides = array<i32>} : memref<32xf32, #tpu.memory_space<vmem>>, vector<16xf32>,
      %add3A_131 = arith.addf %add3A_128, %get3A_130 : vector<16xf32>
      %max3A = arith.constant 0.000000e+00 : f32
      %max3A_132 = vector.broadcast %max3A : f32 to vector<16xf32>
      %max3A_133 = arith.maximumf %add3A_131, %max3A_132 : vector<16xf32>
      %add3A_134 = arith.constant 160 : i32
      %add3A_135 = arith.addi %add3A_134, %scan3A_122 : i32
      %swap3A = arith.index_cast %add3A_135 : i32 to index
      %swap3A_136 = arith.constant 0 : index
      %swap3A_137 = tpu.vector_load %arg16[%swap3A, %swap3A_136] {strides = array<i32>} : memref<320x32xf32, #tpu.memory_space<vmem>>, vector<16xf32>,
      tpu.vector_store %arg16[%swap3A, %swap3A_136], %max3A_133 {strides = array<i32>} : memref<320x32xf32, #tpu.memory_space<vmem>>, vector<16xf32>,
      %get3A_138 = arith.index_cast %scan3A_122 : i32 to index
      %get3A_139 = arith.constant 80 : index
      %get3A_140 = tpu.vector_load %arg14[%get3A_138, %get3A_139] {strides = array<i32>} : memref<80x128xf32, #tpu.memory_space<vmem>>, vector<16xf32>,
      %get3A_141 = arith.index_cast %scan3A_122 : i32 to index
      %get3A_142 = arith.constant 112 : index
      %get3A_143 = tpu.vector_load %arg15[%get3A_141, %get3A_142] {strides = array<i32>} : memref<80x128xf32, #tpu.memory_space<vmem>>, vector<16xf32>,
      %add3A_144 = arith.addf %get3A_140, %get3A_143 : vector<16xf32>
      %get3A_145 = arith.constant 16 : index
      %get3A_146 = tpu.vector_load %arg17[%get3A_145] {strides = array<i32>} : memref<32xf32, #tpu.memory_space<vmem>>, vector<16xf32>,
      %add3A_147 = arith.addf %add3A_144, %get3A_146 : vector<16xf32>
      %max3A_148 = arith.constant 0.000000e+00 : f32
      %max3A_149 = vector.broadcast %max3A_148 : f32 to vector<16xf32>
      %max3A_150 = arith.maximumf %add3A_147, %max3A_149 : vector<16xf32>
      %add3A_151 = arith.constant 160 : i32
      %add3A_152 = arith.addi %add3A_151, %scan3A_122 : i32
      %swap3A_153 = arith.index_cast %add3A_152 : i32 to index
      %swap3A_154 = arith.constant 16 : index
      %swap3A_155 = tpu.vector_load %arg16[%swap3A_153, %swap3A_154] {strides = array<i32>} : memref<320x32xf32, #tpu.memory_space<vmem>>, vector<16xf32>,
      tpu.vector_store %arg16[%swap3A_153, %swap3A_154], %max3A_150 {strides = array<i32>} : memref<320x32xf32, #tpu.memory_space<vmem>>, vector<16xf32>,
    }
    %scan3A_95 = arith.constant 80 : i32
    %dma_start3A_96 = arith.constant 240 : i32
    %dma_start3A_97 = tpu.memref_slice %arg12[%dma_start3A_96] : memref<320xi32, #tpu.memory_space<vmem>> -> memref<80xi32, #tpu.memory_space<vmem>>
    %dma_start3A_98 = arith.constant 0 : i32
    %dma_start3A_99 = arith.constant 0 : i32
    %dma_start3A_100 = tpu.memref_slice %arg4[%dma_start3A_98, %dma_start3A_99] : memref<10000x128xf32, #tpu.memory_space<hbm>> -> memref<10000x128xf32, #tpu.memory_space<hbm>>
    tpu.enqueue_indirect_dma source(%dma_start3A_100 : memref<10000x128xf32, #tpu.memory_space<hbm>>) target(%arg14 : memref<80x128xf32, #tpu.memory_space<vmem>>) offsets(%dma_start3A_97 : memref<80xi32, #tpu.memory_space<vmem>>) semaphore(%arg18 : memref<!tpu.dma_semaphore, #tpu.memory_space<semaphore_mem>>)
    %dma_start3A_101 = arith.constant 240 : i32
    %dma_start3A_102 = tpu.memref_slice %arg13[%dma_start3A_101] : memref<320xi32, #tpu.memory_space<vmem>> -> memref<80xi32, #tpu.memory_space<vmem>>
    %dma_start3A_103 = arith.constant 0 : i32
    %dma_start3A_104 = arith.constant 0 : i32
    %dma_start3A_105 = tpu.memref_slice %arg4[%dma_start3A_103, %dma_start3A_104] : memref<10000x128xf32, #tpu.memory_space<hbm>> -> memref<10000x128xf32, #tpu.memory_space<hbm>>
    tpu.enqueue_indirect_dma source(%dma_start3A_105 : memref<10000x128xf32, #tpu.memory_space<hbm>>) target(%arg15 : memref<80x128xf32, #tpu.memory_space<vmem>>) offsets(%dma_start3A_102 : memref<80xi32, #tpu.memory_space<vmem>>) semaphore(%arg18 : memref<!tpu.dma_semaphore, #tpu.memory_space<semaphore_mem>>)
    %dma_wait3A_106 = arith.constant 240 : i32
    %dma_wait3A_107 = tpu.memref_slice %arg12[%dma_wait3A_106] : memref<320xi32, #tpu.memory_space<vmem>> -> memref<80xi32, #tpu.memory_space<vmem>>
    %dma_wait3A_108 = arith.constant 0 : i32
    %dma_wait3A_109 = arith.constant 0 : i32
    %dma_wait3A_110 = tpu.memref_slice %arg4[%dma_wait3A_108, %dma_wait3A_109] : memref<10000x128xf32, #tpu.memory_space<hbm>> -> memref<10000x128xf32, #tpu.memory_space<hbm>>
    tpu.wait_indirect_dma semaphore(%arg18 : memref<!tpu.dma_semaphore, #tpu.memory_space<semaphore_mem>>) src(%dma_wait3A_110 : memref<10000x128xf32, #tpu.memory_space<hbm>>) dst(%arg14 : memref<80x128xf32, #tpu.memory_space<vmem>>)
    %dma_wait3A_111 = arith.constant 240 : i32
    %dma_wait3A_112 = tpu.memref_slice %arg13[%dma_wait3A_111] : memref<320xi32, #tpu.memory_space<vmem>> -> memref<80xi32, #tpu.memory_space<vmem>>
    %dma_wait3A_113 = arith.constant 0 : i32
    %dma_wait3A_114 = arith.constant 0 : i32
    %dma_wait3A_115 = tpu.memref_slice %arg4[%dma_wait3A_113, %dma_wait3A_114] : memref<10000x128xf32, #tpu.memory_space<hbm>> -> memref<10000x128xf32, #tpu.memory_space<hbm>>
    tpu.wait_indirect_dma semaphore(%arg18 : memref<!tpu.dma_semaphore, #tpu.memory_space<semaphore_mem>>) src(%dma_wait3A_115 : memref<10000x128xf32, #tpu.memory_space<hbm>>) dst(%arg15 : memref<80x128xf32, #tpu.memory_space<vmem>>)
    %scan3A_116 = arith.constant 0 : i32
    %scan3A_117 = arith.constant 0 : i32
    %scan3A_118 = arith.constant 80 : i32
    %scan3A_119 = arith.addi %scan3A_117, %scan3A_118 : i32
    %scan3A_120 = arith.constant 1 : i32
    scf.for %scan3A_122 = %scan3A_117 to %scan3A_119 step %scan3A_120  : i32 {
      %get3A = arith.index_cast %scan3A_122 : i32 to index
      %get3A_123 = arith.constant 64 : index
      %get3A_124 = tpu.vector_load %arg14[%get3A, %get3A_123] {strides = array<i32>} : memref<80x128xf32, #tpu.memory_space<vmem>>, vector<16xf32>,
      %get3A_125 = arith.index_cast %scan3A_122 : i32 to index
      %get3A_126 = arith.constant 96 : index
      %get3A_127 = tpu.vector_load %arg15[%get3A_125, %get3A_126] {strides = array<i32>} : memref<80x128xf32, #tpu.memory_space<vmem>>, vector<16xf32>,
      %add3A_128 = arith.addf %get3A_124, %get3A_127 : vector<16xf32>
      %get3A_129 = arith.constant 0 : index
      %get3A_130 = tpu.vector_load %arg17[%get3A_129] {strides = array<i32>} : memref<32xf32, #tpu.memory_space<vmem>>, vector<16xf32>,
      %add3A_131 = arith.addf %add3A_128, %get3A_130 : vector<16xf32>
      %max3A = arith.constant 0.000000e+00 : f32
      %max3A_132 = vector.broadcast %max3A : f32 to vector<16xf32>
      %max3A_133 = arith.maximumf %add3A_131, %max3A_132 : vector<16xf32>
      %add3A_134 = arith.constant 240 : i32
      %add3A_135 = arith.addi %add3A_134, %scan3A_122 : i32
      %swap3A = arith.index_cast %add3A_135 : i32 to index
      %swap3A_136 = arith.constant 0 : index
      %swap3A_137 = tpu.vector_load %arg16[%swap3A, %swap3A_136] {strides = array<i32>} : memref<320x32xf32, #tpu.memory_space<vmem>>, vector<16xf32>,
      tpu.vector_store %arg16[%swap3A, %swap3A_136], %max3A_133 {strides = array<i32>} : memref<320x32xf32, #tpu.memory_space<vmem>>, vector<16xf32>,
      %get3A_138 = arith.index_cast %scan3A_122 : i32 to index
      %get3A_139 = arith.constant 80 : index
      %get3A_140 = tpu.vector_load %arg14[%get3A_138, %get3A_139] {strides = array<i32>} : memref<80x128xf32, #tpu.memory_space<vmem>>, vector<16xf32>,
      %get3A_141 = arith.index_cast %scan3A_122 : i32 to index
      %get3A_142 = arith.constant 112 : index
      %get3A_143 = tpu.vector_load %arg15[%get3A_141, %get3A_142] {strides = array<i32>} : memref<80x128xf32, #tpu.memory_space<vmem>>, vector<16xf32>,
      %add3A_144 = arith.addf %get3A_140, %get3A_143 : vector<16xf32>
      %get3A_145 = arith.constant 16 : index
      %get3A_146 = tpu.vector_load %arg17[%get3A_145] {strides = array<i32>} : memref<32xf32, #tpu.memory_space<vmem>>, vector<16xf32>,
      %add3A_147 = arith.addf %add3A_144, %get3A_146 : vector<16xf32>
      %max3A_148 = arith.constant 0.000000e+00 : f32
      %max3A_149 = vector.broadcast %max3A_148 : f32 to vector<16xf32>
      %max3A_150 = arith.maximumf %add3A_147, %max3A_149 : vector<16xf32>
      %add3A_151 = arith.constant 240 : i32
      %add3A_152 = arith.addi %add3A_151, %scan3A_122 : i32
      %swap3A_153 = arith.index_cast %add3A_152 : i32 to index
      %swap3A_154 = arith.constant 16 : index
      %swap3A_155 = tpu.vector_load %arg16[%swap3A_153, %swap3A_154] {strides = array<i32>} : memref<320x32xf32, #tpu.memory_space<vmem>>, vector<16xf32>,
      tpu.vector_store %arg16[%swap3A_153, %swap3A_154], %max3A_150 {strides = array<i32>} : memref<320x32xf32, #tpu.memory_space<vmem>>, vector<16xf32>,
    }
    %scan3A_121 = arith.constant 80 : i32
    "tpu.region"() ({
      %run_scoped3A = tpu.sem_alloc : memref<!tpu.dma_semaphore, #tpu.memory_space<semaphore_mem>>
      %dma_start3A_122 = arith.constant 0 : i32
      %dma_start3A_123 = tpu.memref_slice %arg6[%multiple_of3A, %dma_start3A_122] : memref<10240x32xf32, #tpu.memory_space<hbm>> -> memref<320x32xf32, #tpu.memory_space<hbm>>
      %dma_start3A_124 = arith.constant 0 : i32
      %dma_start3A_125 = tpu.memref_slice %arg6[%multiple_of3A, %dma_start3A_124] : memref<10240x32xf32, #tpu.memory_space<hbm>> -> memref<320x32xf32, #tpu.memory_space<hbm>>
      tpu.enqueue_dma source(%arg16 : memref<320x32xf32, #tpu.memory_space<vmem>>) target(%dma_start3A_125 : memref<320x32xf32, #tpu.memory_space<hbm>>) target_semaphore(%run_scoped3A : memref<!tpu.dma_semaphore, #tpu.memory_space<semaphore_mem>>)
      %dma_wait3A_126 = arith.constant 0 : i32
      %dma_wait3A_127 = tpu.memref_slice %arg6[%multiple_of3A, %dma_wait3A_126] : memref<10240x32xf32, #tpu.memory_space<hbm>> -> memref<320x32xf32, #tpu.memory_space<hbm>>
      %dma_wait3A_128 = arith.constant 0 : i32
      %dma_wait3A_129 = tpu.memref_slice %arg6[%multiple_of3A, %dma_wait3A_128] : memref<10240x32xf32, #tpu.memory_space<hbm>> -> memref<320x32xf32, #tpu.memory_space<hbm>>
      tpu.wait_dma2 semaphore(%run_scoped3A : memref<!tpu.dma_semaphore, #tpu.memory_space<semaphore_mem>>) src(%arg16 : memref<320x32xf32, #tpu.memory_space<vmem>>) dst(%dma_wait3A_129 : memref<320x32xf32, #tpu.memory_space<hbm>>)
      tpu.yield
    }) : () -> ()
    "tpu.region"() ({
      %run_scoped3A = tpu.sem_alloc : memref<!tpu.dma_semaphore, #tpu.memory_space<semaphore_mem>>
      %dma_start3A_122 = tpu.memref_slice %arg7[%multiple_of3A] : memref<10240xi32, #tpu.memory_space<hbm>> -> memref<320xi32, #tpu.memory_space<hbm>>
      %dma_start3A_123 = tpu.memref_slice %arg7[%multiple_of3A] : memref<10240xi32, #tpu.memory_space<hbm>> -> memref<320xi32, #tpu.memory_space<hbm>>
      tpu.enqueue_dma source(%arg10 : memref<320xi32, #tpu.memory_space<vmem>>) target(%dma_start3A_123 : memref<320xi32, #tpu.memory_space<hbm>>) target_semaphore(%run_scoped3A : memref<!tpu.dma_semaphore, #tpu.memory_space<semaphore_mem>>)
      %dma_wait3A_124 = tpu.memref_slice %arg7[%multiple_of3A] : memref<10240xi32, #tpu.memory_space<hbm>> -> memref<320xi32, #tpu.memory_space<hbm>>
      %dma_wait3A_125 = tpu.memref_slice %arg7[%multiple_of3A] : memref<10240xi32, #tpu.memory_space<hbm>> -> memref<320xi32, #tpu.memory_space<hbm>>
      tpu.wait_dma2 semaphore(%run_scoped3A : memref<!tpu.dma_semaphore, #tpu.memory_space<semaphore_mem>>) src(%arg10 : memref<320xi32, #tpu.memory_space<vmem>>) dst(%dma_wait3A_125 : memref<320xi32, #tpu.memory_space<hbm>>)
      tpu.yield
    }) : () -> ()
    return
  }
}

#map = affine_map<(d0, d1) -> (0)>
#map1 = affine_map<(d0, d1) -> (0, 0)>
module attributes {stable_mosaic.version = 14 : i64} {
  func.func @_sc_edges(%arg0: i32, %arg1: i32, %arg2: memref<320000xi32, #tpu.memory_space<hbm>>, %arg3: memref<320000xi32, #tpu.memory_space<hbm>>, %arg4: memref<10000x128xf32, #tpu.memory_space<hbm>>, %arg5: memref<80xf32, #tpu.memory_space<hbm>>, %arg6: memref<320000xf32, #tpu.memory_space<hbm>>, %arg7: memref<327680xi32, #tpu.memory_space<hbm>>, %arg8: memref<327680xi32, #tpu.memory_space<hbm>>, %arg9: memref<80xi32, #tpu.memory_space<vmem>>, %arg10: memref<80xi32, #tpu.memory_space<vmem>>, %arg11: memref<80x128xf32, #tpu.memory_space<vmem>>, %arg12: memref<80x128xf32, #tpu.memory_space<vmem>>, %arg13: memref<512xf32, #tpu.memory_space<vmem>>, %arg14: memref<80xf32, #tpu.memory_space<vmem>>, %arg15: memref<10240xi32, #tpu.memory_space<vmem>>, %arg16: memref<10240xi32, #tpu.memory_space<vmem>>, %arg17: memref<80xf32, #tpu.memory_space<vmem>>, %arg18: memref<!tpu.dma_semaphore, #tpu.memory_space<semaphore_mem>>) attributes {dimension_semantics = [#tpu.dimension_semantics<core_parallel>, #tpu.dimension_semantics<subcore_parallel>], iteration_bounds = array<i64: 2, 16>, scalar_prefetch = 0 : i64, scratch_operands = 10 : i64, tpu.core_type = #tpu.core_type<sc_vector_subcore>, window_params = [{transform_indices = #map}, {transform_indices = #map}, {transform_indices = #map1}, {transform_indices = #map}, {transform_indices = #map}, {transform_indices = #map}, {transform_indices = #map}]} {
    %mul3A = arith.constant 2 : i32
    %mul3A_0 = arith.muli %arg1, %mul3A : i32
    %add3A = arith.addi %mul3A_0, %arg0 : i32
    %iota3A = tpu.iota {dimensions = array<i32: 0>} : vector<16xi32>
    "tpu.region"() ({
      %run_scoped3A = tpu.sem_alloc : memref<!tpu.dma_semaphore, #tpu.memory_space<semaphore_mem>>
      tpu.enqueue_dma source(%arg5 : memref<80xf32, #tpu.memory_space<hbm>>) target(%arg17 : memref<80xf32, #tpu.memory_space<vmem>>) target_semaphore(%run_scoped3A : memref<!tpu.dma_semaphore, #tpu.memory_space<semaphore_mem>>)
      tpu.wait_dma2 semaphore(%run_scoped3A : memref<!tpu.dma_semaphore, #tpu.memory_space<semaphore_mem>>) src(%arg5 : memref<80xf32, #tpu.memory_space<hbm>>) dst(%arg17 : memref<80xf32, #tpu.memory_space<vmem>>)
      tpu.yield
    }) : () -> ()
    %scan3A = arith.constant 0 : i32
    %scan3A_1 = arith.constant 0 : i32
    %scan3A_2 = arith.constant 640 : i32
    %scan3A_3 = arith.addi %scan3A_1, %scan3A_2 : i32
    %scan3A_4 = arith.constant 1 : i32
    scf.for %scan3A_149 = %scan3A_1 to %scan3A_3 step %scan3A_4  : i32 {
      %broadcast_in_dim3A = arith.constant -1 : i32
      %broadcast_in_dim3A_150 = vector.broadcast %broadcast_in_dim3A : i32 to vector<16xi32>
      %mul3A_151 = arith.constant 16 : i32
      %mul3A_152 = arith.muli %scan3A_149, %mul3A_151 : i32
      %swap3A = arith.index_cast %mul3A_152 : i32 to index
      %swap3A_153 = tpu.vector_load %arg15[%swap3A] {strides = array<i32>} : memref<10240xi32, #tpu.memory_space<vmem>>, vector<16xi32>,
      tpu.vector_store %arg15[%swap3A], %broadcast_in_dim3A_150 {strides = array<i32>} : memref<10240xi32, #tpu.memory_space<vmem>>, vector<16xi32>,
      %broadcast_in_dim3A_154 = arith.constant 0 : i32
      %broadcast_in_dim3A_155 = vector.broadcast %broadcast_in_dim3A_154 : i32 to vector<16xi32>
      %mul3A_156 = arith.constant 16 : i32
      %mul3A_157 = arith.muli %scan3A_149, %mul3A_156 : i32
      %swap3A_158 = arith.index_cast %mul3A_157 : i32 to index
      %swap3A_159 = tpu.vector_load %arg16[%swap3A_158] {strides = array<i32>} : memref<10240xi32, #tpu.memory_space<vmem>>, vector<16xi32>,
      tpu.vector_store %arg16[%swap3A_158], %broadcast_in_dim3A_155 {strides = array<i32>} : memref<10240xi32, #tpu.memory_space<vmem>>, vector<16xi32>,
    }
    %scan3A_5 = arith.constant 640 : i32
    %get3A = arith.constant 64 : index
    %get3A_6 = tpu.vector_load %arg17[%get3A] {strides = array<i32>} : memref<80xf32, #tpu.memory_space<vmem>>, vector<16xf32>,
    %get3A_7 = arith.constant 0 : index
    %get3A_8 = tpu.vector_load %arg17[%get3A_7] {strides = array<i32>} : memref<80xf32, #tpu.memory_space<vmem>>, vector<16xf32>,
    %get3A_9 = arith.constant 16 : index
    %get3A_10 = tpu.vector_load %arg17[%get3A_9] {strides = array<i32>} : memref<80xf32, #tpu.memory_space<vmem>>, vector<16xf32>,
    %get3A_11 = arith.constant 32 : index
    %get3A_12 = tpu.vector_load %arg17[%get3A_11] {strides = array<i32>} : memref<80xf32, #tpu.memory_space<vmem>>, vector<16xf32>,
    %get3A_13 = arith.constant 48 : index
    %get3A_14 = tpu.vector_load %arg17[%get3A_13] {strides = array<i32>} : memref<80xf32, #tpu.memory_space<vmem>>, vector<16xf32>,
    %slice3A = vector.extract_strided_slice %get3A_8 {offsets = [0], sizes = [1], strides = [1]} : vector<16xf32> to vector<1xf32>
    %squeeze3A = vector.extract %slice3A[0] : f32 from vector<1xf32>
    %slice3A_15 = vector.extract_strided_slice %get3A_8 {offsets = [1], sizes = [1], strides = [1]} : vector<16xf32> to vector<1xf32>
    %squeeze3A_16 = vector.extract %slice3A_15[0] : f32 from vector<1xf32>
    %slice3A_17 = vector.extract_strided_slice %get3A_8 {offsets = [2], sizes = [1], strides = [1]} : vector<16xf32> to vector<1xf32>
    %squeeze3A_18 = vector.extract %slice3A_17[0] : f32 from vector<1xf32>
    %slice3A_19 = vector.extract_strided_slice %get3A_8 {offsets = [3], sizes = [1], strides = [1]} : vector<16xf32> to vector<1xf32>
    %squeeze3A_20 = vector.extract %slice3A_19[0] : f32 from vector<1xf32>
    %slice3A_21 = vector.extract_strided_slice %get3A_8 {offsets = [4], sizes = [1], strides = [1]} : vector<16xf32> to vector<1xf32>
    %squeeze3A_22 = vector.extract %slice3A_21[0] : f32 from vector<1xf32>
    %slice3A_23 = vector.extract_strided_slice %get3A_8 {offsets = [5], sizes = [1], strides = [1]} : vector<16xf32> to vector<1xf32>
    %squeeze3A_24 = vector.extract %slice3A_23[0] : f32 from vector<1xf32>
    %slice3A_25 = vector.extract_strided_slice %get3A_8 {offsets = [6], sizes = [1], strides = [1]} : vector<16xf32> to vector<1xf32>
    %squeeze3A_26 = vector.extract %slice3A_25[0] : f32 from vector<1xf32>
    %slice3A_27 = vector.extract_strided_slice %get3A_8 {offsets = [7], sizes = [1], strides = [1]} : vector<16xf32> to vector<1xf32>
    %squeeze3A_28 = vector.extract %slice3A_27[0] : f32 from vector<1xf32>
    %slice3A_29 = vector.extract_strided_slice %get3A_8 {offsets = [8], sizes = [1], strides = [1]} : vector<16xf32> to vector<1xf32>
    %squeeze3A_30 = vector.extract %slice3A_29[0] : f32 from vector<1xf32>
    %slice3A_31 = vector.extract_strided_slice %get3A_8 {offsets = [9], sizes = [1], strides = [1]} : vector<16xf32> to vector<1xf32>
    %squeeze3A_32 = vector.extract %slice3A_31[0] : f32 from vector<1xf32>
    %slice3A_33 = vector.extract_strided_slice %get3A_8 {offsets = [10], sizes = [1], strides = [1]} : vector<16xf32> to vector<1xf32>
    %squeeze3A_34 = vector.extract %slice3A_33[0] : f32 from vector<1xf32>
    %slice3A_35 = vector.extract_strided_slice %get3A_8 {offsets = [11], sizes = [1], strides = [1]} : vector<16xf32> to vector<1xf32>
    %squeeze3A_36 = vector.extract %slice3A_35[0] : f32 from vector<1xf32>
    %slice3A_37 = vector.extract_strided_slice %get3A_8 {offsets = [12], sizes = [1], strides = [1]} : vector<16xf32> to vector<1xf32>
    %squeeze3A_38 = vector.extract %slice3A_37[0] : f32 from vector<1xf32>
    %slice3A_39 = vector.extract_strided_slice %get3A_8 {offsets = [13], sizes = [1], strides = [1]} : vector<16xf32> to vector<1xf32>
    %squeeze3A_40 = vector.extract %slice3A_39[0] : f32 from vector<1xf32>
    %slice3A_41 = vector.extract_strided_slice %get3A_8 {offsets = [14], sizes = [1], strides = [1]} : vector<16xf32> to vector<1xf32>
    %squeeze3A_42 = vector.extract %slice3A_41[0] : f32 from vector<1xf32>
    %slice3A_43 = vector.extract_strided_slice %get3A_8 {offsets = [15], sizes = [1], strides = [1]} : vector<16xf32> to vector<1xf32>
    %squeeze3A_44 = vector.extract %slice3A_43[0] : f32 from vector<1xf32>
    %slice3A_45 = vector.extract_strided_slice %get3A_10 {offsets = [0], sizes = [1], strides = [1]} : vector<16xf32> to vector<1xf32>
    %squeeze3A_46 = vector.extract %slice3A_45[0] : f32 from vector<1xf32>
    %slice3A_47 = vector.extract_strided_slice %get3A_10 {offsets = [1], sizes = [1], strides = [1]} : vector<16xf32> to vector<1xf32>
    %squeeze3A_48 = vector.extract %slice3A_47[0] : f32 from vector<1xf32>
    %slice3A_49 = vector.extract_strided_slice %get3A_10 {offsets = [2], sizes = [1], strides = [1]} : vector<16xf32> to vector<1xf32>
    %squeeze3A_50 = vector.extract %slice3A_49[0] : f32 from vector<1xf32>
    %slice3A_51 = vector.extract_strided_slice %get3A_10 {offsets = [3], sizes = [1], strides = [1]} : vector<16xf32> to vector<1xf32>
    %squeeze3A_52 = vector.extract %slice3A_51[0] : f32 from vector<1xf32>
    %slice3A_53 = vector.extract_strided_slice %get3A_10 {offsets = [4], sizes = [1], strides = [1]} : vector<16xf32> to vector<1xf32>
    %squeeze3A_54 = vector.extract %slice3A_53[0] : f32 from vector<1xf32>
    %slice3A_55 = vector.extract_strided_slice %get3A_10 {offsets = [5], sizes = [1], strides = [1]} : vector<16xf32> to vector<1xf32>
    %squeeze3A_56 = vector.extract %slice3A_55[0] : f32 from vector<1xf32>
    %slice3A_57 = vector.extract_strided_slice %get3A_10 {offsets = [6], sizes = [1], strides = [1]} : vector<16xf32> to vector<1xf32>
    %squeeze3A_58 = vector.extract %slice3A_57[0] : f32 from vector<1xf32>
    %slice3A_59 = vector.extract_strided_slice %get3A_10 {offsets = [7], sizes = [1], strides = [1]} : vector<16xf32> to vector<1xf32>
    %squeeze3A_60 = vector.extract %slice3A_59[0] : f32 from vector<1xf32>
    %slice3A_61 = vector.extract_strided_slice %get3A_10 {offsets = [8], sizes = [1], strides = [1]} : vector<16xf32> to vector<1xf32>
    %squeeze3A_62 = vector.extract %slice3A_61[0] : f32 from vector<1xf32>
    %slice3A_63 = vector.extract_strided_slice %get3A_10 {offsets = [9], sizes = [1], strides = [1]} : vector<16xf32> to vector<1xf32>
    %squeeze3A_64 = vector.extract %slice3A_63[0] : f32 from vector<1xf32>
    %slice3A_65 = vector.extract_strided_slice %get3A_10 {offsets = [10], sizes = [1], strides = [1]} : vector<16xf32> to vector<1xf32>
    %squeeze3A_66 = vector.extract %slice3A_65[0] : f32 from vector<1xf32>
    %slice3A_67 = vector.extract_strided_slice %get3A_10 {offsets = [11], sizes = [1], strides = [1]} : vector<16xf32> to vector<1xf32>
    %squeeze3A_68 = vector.extract %slice3A_67[0] : f32 from vector<1xf32>
    %slice3A_69 = vector.extract_strided_slice %get3A_10 {offsets = [12], sizes = [1], strides = [1]} : vector<16xf32> to vector<1xf32>
    %squeeze3A_70 = vector.extract %slice3A_69[0] : f32 from vector<1xf32>
    %slice3A_71 = vector.extract_strided_slice %get3A_10 {offsets = [13], sizes = [1], strides = [1]} : vector<16xf32> to vector<1xf32>
    %squeeze3A_72 = vector.extract %slice3A_71[0] : f32 from vector<1xf32>
    %slice3A_73 = vector.extract_strided_slice %get3A_10 {offsets = [14], sizes = [1], strides = [1]} : vector<16xf32> to vector<1xf32>
    %squeeze3A_74 = vector.extract %slice3A_73[0] : f32 from vector<1xf32>
    %slice3A_75 = vector.extract_strided_slice %get3A_10 {offsets = [15], sizes = [1], strides = [1]} : vector<16xf32> to vector<1xf32>
    %squeeze3A_76 = vector.extract %slice3A_75[0] : f32 from vector<1xf32>
    %slice3A_77 = vector.extract_strided_slice %get3A_12 {offsets = [0], sizes = [1], strides = [1]} : vector<16xf32> to vector<1xf32>
    %squeeze3A_78 = vector.extract %slice3A_77[0] : f32 from vector<1xf32>
    %slice3A_79 = vector.extract_strided_slice %get3A_12 {offsets = [1], sizes = [1], strides = [1]} : vector<16xf32> to vector<1xf32>
    %squeeze3A_80 = vector.extract %slice3A_79[0] : f32 from vector<1xf32>
    %slice3A_81 = vector.extract_strided_slice %get3A_12 {offsets = [2], sizes = [1], strides = [1]} : vector<16xf32> to vector<1xf32>
    %squeeze3A_82 = vector.extract %slice3A_81[0] : f32 from vector<1xf32>
    %slice3A_83 = vector.extract_strided_slice %get3A_12 {offsets = [3], sizes = [1], strides = [1]} : vector<16xf32> to vector<1xf32>
    %squeeze3A_84 = vector.extract %slice3A_83[0] : f32 from vector<1xf32>
    %slice3A_85 = vector.extract_strided_slice %get3A_12 {offsets = [4], sizes = [1], strides = [1]} : vector<16xf32> to vector<1xf32>
    %squeeze3A_86 = vector.extract %slice3A_85[0] : f32 from vector<1xf32>
    %slice3A_87 = vector.extract_strided_slice %get3A_12 {offsets = [5], sizes = [1], strides = [1]} : vector<16xf32> to vector<1xf32>
    %squeeze3A_88 = vector.extract %slice3A_87[0] : f32 from vector<1xf32>
    %slice3A_89 = vector.extract_strided_slice %get3A_12 {offsets = [6], sizes = [1], strides = [1]} : vector<16xf32> to vector<1xf32>
    %squeeze3A_90 = vector.extract %slice3A_89[0] : f32 from vector<1xf32>
    %slice3A_91 = vector.extract_strided_slice %get3A_12 {offsets = [7], sizes = [1], strides = [1]} : vector<16xf32> to vector<1xf32>
    %squeeze3A_92 = vector.extract %slice3A_91[0] : f32 from vector<1xf32>
    %slice3A_93 = vector.extract_strided_slice %get3A_12 {offsets = [8], sizes = [1], strides = [1]} : vector<16xf32> to vector<1xf32>
    %squeeze3A_94 = vector.extract %slice3A_93[0] : f32 from vector<1xf32>
    %slice3A_95 = vector.extract_strided_slice %get3A_12 {offsets = [9], sizes = [1], strides = [1]} : vector<16xf32> to vector<1xf32>
    %squeeze3A_96 = vector.extract %slice3A_95[0] : f32 from vector<1xf32>
    %slice3A_97 = vector.extract_strided_slice %get3A_12 {offsets = [10], sizes = [1], strides = [1]} : vector<16xf32> to vector<1xf32>
    %squeeze3A_98 = vector.extract %slice3A_97[0] : f32 from vector<1xf32>
    %slice3A_99 = vector.extract_strided_slice %get3A_12 {offsets = [11], sizes = [1], strides = [1]} : vector<16xf32> to vector<1xf32>
    %squeeze3A_100 = vector.extract %slice3A_99[0] : f32 from vector<1xf32>
    %slice3A_101 = vector.extract_strided_slice %get3A_12 {offsets = [12], sizes = [1], strides = [1]} : vector<16xf32> to vector<1xf32>
    %squeeze3A_102 = vector.extract %slice3A_101[0] : f32 from vector<1xf32>
    %slice3A_103 = vector.extract_strided_slice %get3A_12 {offsets = [13], sizes = [1], strides = [1]} : vector<16xf32> to vector<1xf32>
    %squeeze3A_104 = vector.extract %slice3A_103[0] : f32 from vector<1xf32>
    %slice3A_105 = vector.extract_strided_slice %get3A_12 {offsets = [14], sizes = [1], strides = [1]} : vector<16xf32> to vector<1xf32>
    %squeeze3A_106 = vector.extract %slice3A_105[0] : f32 from vector<1xf32>
    %slice3A_107 = vector.extract_strided_slice %get3A_12 {offsets = [15], sizes = [1], strides = [1]} : vector<16xf32> to vector<1xf32>
    %squeeze3A_108 = vector.extract %slice3A_107[0] : f32 from vector<1xf32>
    %slice3A_109 = vector.extract_strided_slice %get3A_14 {offsets = [0], sizes = [1], strides = [1]} : vector<16xf32> to vector<1xf32>
    %squeeze3A_110 = vector.extract %slice3A_109[0] : f32 from vector<1xf32>
    %slice3A_111 = vector.extract_strided_slice %get3A_14 {offsets = [1], sizes = [1], strides = [1]} : vector<16xf32> to vector<1xf32>
    %squeeze3A_112 = vector.extract %slice3A_111[0] : f32 from vector<1xf32>
    %slice3A_113 = vector.extract_strided_slice %get3A_14 {offsets = [2], sizes = [1], strides = [1]} : vector<16xf32> to vector<1xf32>
    %squeeze3A_114 = vector.extract %slice3A_113[0] : f32 from vector<1xf32>
    %slice3A_115 = vector.extract_strided_slice %get3A_14 {offsets = [3], sizes = [1], strides = [1]} : vector<16xf32> to vector<1xf32>
    %squeeze3A_116 = vector.extract %slice3A_115[0] : f32 from vector<1xf32>
    %slice3A_117 = vector.extract_strided_slice %get3A_14 {offsets = [4], sizes = [1], strides = [1]} : vector<16xf32> to vector<1xf32>
    %squeeze3A_118 = vector.extract %slice3A_117[0] : f32 from vector<1xf32>
    %slice3A_119 = vector.extract_strided_slice %get3A_14 {offsets = [5], sizes = [1], strides = [1]} : vector<16xf32> to vector<1xf32>
    %squeeze3A_120 = vector.extract %slice3A_119[0] : f32 from vector<1xf32>
    %slice3A_121 = vector.extract_strided_slice %get3A_14 {offsets = [6], sizes = [1], strides = [1]} : vector<16xf32> to vector<1xf32>
    %squeeze3A_122 = vector.extract %slice3A_121[0] : f32 from vector<1xf32>
    %slice3A_123 = vector.extract_strided_slice %get3A_14 {offsets = [7], sizes = [1], strides = [1]} : vector<16xf32> to vector<1xf32>
    %squeeze3A_124 = vector.extract %slice3A_123[0] : f32 from vector<1xf32>
    %slice3A_125 = vector.extract_strided_slice %get3A_14 {offsets = [8], sizes = [1], strides = [1]} : vector<16xf32> to vector<1xf32>
    %squeeze3A_126 = vector.extract %slice3A_125[0] : f32 from vector<1xf32>
    %slice3A_127 = vector.extract_strided_slice %get3A_14 {offsets = [9], sizes = [1], strides = [1]} : vector<16xf32> to vector<1xf32>
    %squeeze3A_128 = vector.extract %slice3A_127[0] : f32 from vector<1xf32>
    %slice3A_129 = vector.extract_strided_slice %get3A_14 {offsets = [10], sizes = [1], strides = [1]} : vector<16xf32> to vector<1xf32>
    %squeeze3A_130 = vector.extract %slice3A_129[0] : f32 from vector<1xf32>
    %slice3A_131 = vector.extract_strided_slice %get3A_14 {offsets = [11], sizes = [1], strides = [1]} : vector<16xf32> to vector<1xf32>
    %squeeze3A_132 = vector.extract %slice3A_131[0] : f32 from vector<1xf32>
    %slice3A_133 = vector.extract_strided_slice %get3A_14 {offsets = [12], sizes = [1], strides = [1]} : vector<16xf32> to vector<1xf32>
    %squeeze3A_134 = vector.extract %slice3A_133[0] : f32 from vector<1xf32>
    %slice3A_135 = vector.extract_strided_slice %get3A_14 {offsets = [13], sizes = [1], strides = [1]} : vector<16xf32> to vector<1xf32>
    %squeeze3A_136 = vector.extract %slice3A_135[0] : f32 from vector<1xf32>
    %slice3A_137 = vector.extract_strided_slice %get3A_14 {offsets = [14], sizes = [1], strides = [1]} : vector<16xf32> to vector<1xf32>
    %squeeze3A_138 = vector.extract %slice3A_137[0] : f32 from vector<1xf32>
    %slice3A_139 = vector.extract_strided_slice %get3A_14 {offsets = [15], sizes = [1], strides = [1]} : vector<16xf32> to vector<1xf32>
    %squeeze3A_140 = vector.extract %slice3A_139[0] : f32 from vector<1xf32>
    %scan3A_141 = arith.constant 0 : i32
    %scan3A_142 = arith.constant 0 : i32
    %scan3A_143 = arith.constant 125 : i32
    %scan3A_144 = arith.addi %scan3A_142, %scan3A_143 : i32
    %scan3A_145 = arith.constant 1 : i32
    scf.for %scan3A_149 = %scan3A_142 to %scan3A_144 step %scan3A_145  : i32 {
      %mul3A_150 = arith.constant 10000 : i32
      %mul3A_151 = arith.muli %add3A, %mul3A_150 : i32
      %mul3A_152 = arith.constant 80 : i32
      %mul3A_153 = arith.muli %scan3A_149, %mul3A_152 : i32
      %add3A_154 = arith.addi %mul3A_151, %mul3A_153 : i32
      %multiple_of3A_155 = tpu.assume_multiple %add3A_154, 8 : i32
      "tpu.region"() ({
        %run_scoped3A = tpu.sem_alloc : memref<!tpu.dma_semaphore, #tpu.memory_space<semaphore_mem>>
        %dma_start3A_192 = tpu.memref_slice %arg2[%multiple_of3A_155] : memref<320000xi32, #tpu.memory_space<hbm>> -> memref<80xi32, #tpu.memory_space<hbm>>
        %dma_start3A_193 = tpu.memref_slice %arg2[%multiple_of3A_155] : memref<320000xi32, #tpu.memory_space<hbm>> -> memref<80xi32, #tpu.memory_space<hbm>>
        tpu.enqueue_dma source(%dma_start3A_193 : memref<80xi32, #tpu.memory_space<hbm>>) target(%arg9 : memref<80xi32, #tpu.memory_space<vmem>>) target_semaphore(%run_scoped3A : memref<!tpu.dma_semaphore, #tpu.memory_space<semaphore_mem>>)
        %dma_wait3A_194 = tpu.memref_slice %arg2[%multiple_of3A_155] : memref<320000xi32, #tpu.memory_space<hbm>> -> memref<80xi32, #tpu.memory_space<hbm>>
        %dma_wait3A_195 = tpu.memref_slice %arg2[%multiple_of3A_155] : memref<320000xi32, #tpu.memory_space<hbm>> -> memref<80xi32, #tpu.memory_space<hbm>>
        tpu.wait_dma2 semaphore(%run_scoped3A : memref<!tpu.dma_semaphore, #tpu.memory_space<semaphore_mem>>) src(%dma_wait3A_195 : memref<80xi32, #tpu.memory_space<hbm>>) dst(%arg9 : memref<80xi32, #tpu.memory_space<vmem>>)
        tpu.yield
      }) : () -> ()
      "tpu.region"() ({
        %run_scoped3A = tpu.sem_alloc : memref<!tpu.dma_semaphore, #tpu.memory_space<semaphore_mem>>
        %dma_start3A_192 = tpu.memref_slice %arg3[%multiple_of3A_155] : memref<320000xi32, #tpu.memory_space<hbm>> -> memref<80xi32, #tpu.memory_space<hbm>>
        %dma_start3A_193 = tpu.memref_slice %arg3[%multiple_of3A_155] : memref<320000xi32, #tpu.memory_space<hbm>> -> memref<80xi32, #tpu.memory_space<hbm>>
        tpu.enqueue_dma source(%dma_start3A_193 : memref<80xi32, #tpu.memory_space<hbm>>) target(%arg10 : memref<80xi32, #tpu.memory_space<vmem>>) target_semaphore(%run_scoped3A : memref<!tpu.dma_semaphore, #tpu.memory_space<semaphore_mem>>)
        %dma_wait3A_194 = tpu.memref_slice %arg3[%multiple_of3A_155] : memref<320000xi32, #tpu.memory_space<hbm>> -> memref<80xi32, #tpu.memory_space<hbm>>
        %dma_wait3A_195 = tpu.memref_slice %arg3[%multiple_of3A_155] : memref<320000xi32, #tpu.memory_space<hbm>> -> memref<80xi32, #tpu.memory_space<hbm>>
        tpu.wait_dma2 semaphore(%run_scoped3A : memref<!tpu.dma_semaphore, #tpu.memory_space<semaphore_mem>>) src(%dma_wait3A_195 : memref<80xi32, #tpu.memory_space<hbm>>) dst(%arg10 : memref<80xi32, #tpu.memory_space<vmem>>)
        tpu.yield
      }) : () -> ()
      %dma_start3A = arith.constant 0 : i32
      %dma_start3A_156 = arith.constant 0 : i32
      %dma_start3A_157 = tpu.memref_slice %arg11[%dma_start3A, %dma_start3A_156] : memref<80x128xf32, #tpu.memory_space<vmem>> -> memref<80x128xf32, #tpu.memory_space<vmem>>
      %dma_start3A_158 = arith.constant 0 : i32
      %dma_start3A_159 = tpu.memref_slice %arg9[%dma_start3A_158] : memref<80xi32, #tpu.memory_space<vmem>> -> memref<80xi32, #tpu.memory_space<vmem>>
      %dma_start3A_160 = arith.constant 0 : i32
      %dma_start3A_161 = arith.constant 0 : i32
      %dma_start3A_162 = tpu.memref_slice %arg4[%dma_start3A_160, %dma_start3A_161] : memref<10000x128xf32, #tpu.memory_space<hbm>> -> memref<10000x128xf32, #tpu.memory_space<hbm>>
      tpu.enqueue_indirect_dma source(%dma_start3A_162 : memref<10000x128xf32, #tpu.memory_space<hbm>>) target(%dma_start3A_157 : memref<80x128xf32, #tpu.memory_space<vmem>>) offsets(%dma_start3A_159 : memref<80xi32, #tpu.memory_space<vmem>>) semaphore(%arg18 : memref<!tpu.dma_semaphore, #tpu.memory_space<semaphore_mem>>)
      %dma_start3A_163 = arith.constant 0 : i32
      %dma_start3A_164 = arith.constant 0 : i32
      %dma_start3A_165 = tpu.memref_slice %arg12[%dma_start3A_163, %dma_start3A_164] : memref<80x128xf32, #tpu.memory_space<vmem>> -> memref<80x128xf32, #tpu.memory_space<vmem>>
      %dma_start3A_166 = arith.constant 0 : i32
      %dma_start3A_167 = tpu.memref_slice %arg10[%dma_start3A_166] : memref<80xi32, #tpu.memory_space<vmem>> -> memref<80xi32, #tpu.memory_space<vmem>>
      %dma_start3A_168 = arith.constant 0 : i32
      %dma_start3A_169 = arith.constant 0 : i32
      %dma_start3A_170 = tpu.memref_slice %arg4[%dma_start3A_168, %dma_start3A_169] : memref<10000x128xf32, #tpu.memory_space<hbm>> -> memref<10000x128xf32, #tpu.memory_space<hbm>>
      tpu.enqueue_indirect_dma source(%dma_start3A_170 : memref<10000x128xf32, #tpu.memory_space<hbm>>) target(%dma_start3A_165 : memref<80x128xf32, #tpu.memory_space<vmem>>) offsets(%dma_start3A_167 : memref<80xi32, #tpu.memory_space<vmem>>) semaphore(%arg18 : memref<!tpu.dma_semaphore, #tpu.memory_space<semaphore_mem>>)
      %dma_wait3A = arith.constant 0 : i32
      %dma_wait3A_171 = arith.constant 0 : i32
      %dma_wait3A_172 = tpu.memref_slice %arg11[%dma_wait3A, %dma_wait3A_171] : memref<80x128xf32, #tpu.memory_space<vmem>> -> memref<80x128xf32, #tpu.memory_space<vmem>>
      %dma_wait3A_173 = arith.constant 0 : i32
      %dma_wait3A_174 = tpu.memref_slice %arg9[%dma_wait3A_173] : memref<80xi32, #tpu.memory_space<vmem>> -> memref<80xi32, #tpu.memory_space<vmem>>
      %dma_wait3A_175 = arith.constant 0 : i32
      %dma_wait3A_176 = arith.constant 0 : i32
      %dma_wait3A_177 = tpu.memref_slice %arg4[%dma_wait3A_175, %dma_wait3A_176] : memref<10000x128xf32, #tpu.memory_space<hbm>> -> memref<10000x128xf32, #tpu.memory_space<hbm>>
      tpu.wait_indirect_dma semaphore(%arg18 : memref<!tpu.dma_semaphore, #tpu.memory_space<semaphore_mem>>) src(%dma_wait3A_177 : memref<10000x128xf32, #tpu.memory_space<hbm>>) dst(%dma_wait3A_172 : memref<80x128xf32, #tpu.memory_space<vmem>>)
      %dma_wait3A_178 = arith.constant 0 : i32
      %dma_wait3A_179 = arith.constant 0 : i32
      %dma_wait3A_180 = tpu.memref_slice %arg12[%dma_wait3A_178, %dma_wait3A_179] : memref<80x128xf32, #tpu.memory_space<vmem>> -> memref<80x128xf32, #tpu.memory_space<vmem>>
      %dma_wait3A_181 = arith.constant 0 : i32
      %dma_wait3A_182 = tpu.memref_slice %arg10[%dma_wait3A_181] : memref<80xi32, #tpu.memory_space<vmem>> -> memref<80xi32, #tpu.memory_space<vmem>>
      %dma_wait3A_183 = arith.constant 0 : i32
      %dma_wait3A_184 = arith.constant 0 : i32
      %dma_wait3A_185 = tpu.memref_slice %arg4[%dma_wait3A_183, %dma_wait3A_184] : memref<10000x128xf32, #tpu.memory_space<hbm>> -> memref<10000x128xf32, #tpu.memory_space<hbm>>
      tpu.wait_indirect_dma semaphore(%arg18 : memref<!tpu.dma_semaphore, #tpu.memory_space<semaphore_mem>>) src(%dma_wait3A_185 : memref<10000x128xf32, #tpu.memory_space<hbm>>) dst(%dma_wait3A_180 : memref<80x128xf32, #tpu.memory_space<vmem>>)
      %scan3A_186 = arith.constant 0 : i32
      %scan3A_187 = arith.constant 0 : i32
      %scan3A_188 = arith.constant 5 : i32
      %scan3A_189 = arith.addi %scan3A_187, %scan3A_188 : i32
      %scan3A_190 = arith.constant 1 : i32
      scf.for %scan3A_192 = %scan3A_187 to %scan3A_189 step %scan3A_190  : i32 {
        %mul3A_193 = arith.constant 16 : i32
        %mul3A_194 = arith.muli %scan3A_192, %mul3A_193 : i32
        %mul3A_195 = arith.constant 16 : i32
        %mul3A_196 = vector.broadcast %mul3A_195 : i32 to vector<16xi32>
        %mul3A_197 = arith.muli %iota3A, %mul3A_196 : vector<16xi32>
        %add3A_198 = arith.constant 0 : i32
        %add3A_199 = arith.addi %mul3A_194, %add3A_198 : i32
        %get3A_200 = arith.index_cast %add3A_199 : i32 to index
        %get3A_201 = arith.constant 0 : index
        %get3A_202 = tpu.vector_load %arg11[%get3A_200, %get3A_201] {strides = array<i32>} : memref<80x128xf32, #tpu.memory_space<vmem>>, vector<16xf32>,
        %get3A_203 = arith.index_cast %add3A_199 : i32 to index
        %get3A_204 = arith.constant 32 : index
        %get3A_205 = tpu.vector_load %arg12[%get3A_203, %get3A_204] {strides = array<i32>} : memref<80x128xf32, #tpu.memory_space<vmem>>, vector<16xf32>,
        %add3A_206 = arith.addf %get3A_202, %get3A_205 : vector<16xf32>
        %add3A_207 = arith.constant 0 : i32
        %add3A_208 = vector.broadcast %add3A_207 : i32 to vector<16xi32>
        %add3A_209 = arith.addi %mul3A_197, %add3A_208 : vector<16xi32>
        tpu.vector_store_idx %arg13[%add3A_209], %add3A_206 : memref<512xf32, #tpu.memory_space<vmem>>[vector<16xi32>], vector<16xf32>,
        %get3A_210 = arith.index_cast %add3A_199 : i32 to index
        %get3A_211 = arith.constant 16 : index
        %get3A_212 = tpu.vector_load %arg11[%get3A_210, %get3A_211] {strides = array<i32>} : memref<80x128xf32, #tpu.memory_space<vmem>>, vector<16xf32>,
        %get3A_213 = arith.index_cast %add3A_199 : i32 to index
        %get3A_214 = arith.constant 48 : index
        %get3A_215 = tpu.vector_load %arg12[%get3A_213, %get3A_214] {strides = array<i32>} : memref<80x128xf32, #tpu.memory_space<vmem>>, vector<16xf32>,
        %add3A_216 = arith.addf %get3A_212, %get3A_215 : vector<16xf32>
        %add3A_217 = arith.constant 256 : i32
        %add3A_218 = vector.broadcast %add3A_217 : i32 to vector<16xi32>
        %add3A_219 = arith.addi %mul3A_197, %add3A_218 : vector<16xi32>
        tpu.vector_store_idx %arg13[%add3A_219], %add3A_216 : memref<512xf32, #tpu.memory_space<vmem>>[vector<16xi32>], vector<16xf32>,
        %add3A_220 = arith.constant 1 : i32
        %add3A_221 = arith.addi %mul3A_194, %add3A_220 : i32
        %get3A_222 = arith.index_cast %add3A_221 : i32 to index
        %get3A_223 = arith.constant 0 : index
        %get3A_224 = tpu.vector_load %arg11[%get3A_222, %get3A_223] {strides = array<i32>} : memref<80x128xf32, #tpu.memory_space<vmem>>, vector<16xf32>,
        %get3A_225 = arith.index_cast %add3A_221 : i32 to index
        %get3A_226 = arith.constant 32 : index
        %get3A_227 = tpu.vector_load %arg12[%get3A_225, %get3A_226] {strides = array<i32>} : memref<80x128xf32, #tpu.memory_space<vmem>>, vector<16xf32>,
        %add3A_228 = arith.addf %get3A_224, %get3A_227 : vector<16xf32>
        %add3A_229 = arith.constant 1 : i32
        %add3A_230 = vector.broadcast %add3A_229 : i32 to vector<16xi32>
        %add3A_231 = arith.addi %mul3A_197, %add3A_230 : vector<16xi32>
        tpu.vector_store_idx %arg13[%add3A_231], %add3A_228 : memref<512xf32, #tpu.memory_space<vmem>>[vector<16xi32>], vector<16xf32>,
        %get3A_232 = arith.index_cast %add3A_221 : i32 to index
        %get3A_233 = arith.constant 16 : index
        %get3A_234 = tpu.vector_load %arg11[%get3A_232, %get3A_233] {strides = array<i32>} : memref<80x128xf32, #tpu.memory_space<vmem>>, vector<16xf32>,
        %get3A_235 = arith.index_cast %add3A_221 : i32 to index
        %get3A_236 = arith.constant 48 : index
        %get3A_237 = tpu.vector_load %arg12[%get3A_235, %get3A_236] {strides = array<i32>} : memref<80x128xf32, #tpu.memory_space<vmem>>, vector<16xf32>,
        %add3A_238 = arith.addf %get3A_234, %get3A_237 : vector<16xf32>
        %add3A_239 = arith.constant 257 : i32
        %add3A_240 = vector.broadcast %add3A_239 : i32 to vector<16xi32>
        %add3A_241 = arith.addi %mul3A_197, %add3A_240 : vector<16xi32>
        tpu.vector_store_idx %arg13[%add3A_241], %add3A_238 : memref<512xf32, #tpu.memory_space<vmem>>[vector<16xi32>], vector<16xf32>,
        %add3A_242 = arith.constant 2 : i32
        %add3A_243 = arith.addi %mul3A_194, %add3A_242 : i32
        %get3A_244 = arith.index_cast %add3A_243 : i32 to index
        %get3A_245 = arith.constant 0 : index
        %get3A_246 = tpu.vector_load %arg11[%get3A_244, %get3A_245] {strides = array<i32>} : memref<80x128xf32, #tpu.memory_space<vmem>>, vector<16xf32>,
        %get3A_247 = arith.index_cast %add3A_243 : i32 to index
        %get3A_248 = arith.constant 32 : index
        %get3A_249 = tpu.vector_load %arg12[%get3A_247, %get3A_248] {strides = array<i32>} : memref<80x128xf32, #tpu.memory_space<vmem>>, vector<16xf32>,
        %add3A_250 = arith.addf %get3A_246, %get3A_249 : vector<16xf32>
        %add3A_251 = arith.constant 2 : i32
        %add3A_252 = vector.broadcast %add3A_251 : i32 to vector<16xi32>
        %add3A_253 = arith.addi %mul3A_197, %add3A_252 : vector<16xi32>
        tpu.vector_store_idx %arg13[%add3A_253], %add3A_250 : memref<512xf32, #tpu.memory_space<vmem>>[vector<16xi32>], vector<16xf32>,
        %get3A_254 = arith.index_cast %add3A_243 : i32 to index
        %get3A_255 = arith.constant 16 : index
        %get3A_256 = tpu.vector_load %arg11[%get3A_254, %get3A_255] {strides = array<i32>} : memref<80x128xf32, #tpu.memory_space<vmem>>, vector<16xf32>,
        %get3A_257 = arith.index_cast %add3A_243 : i32 to index
        %get3A_258 = arith.constant 48 : index
        %get3A_259 = tpu.vector_load %arg12[%get3A_257, %get3A_258] {strides = array<i32>} : memref<80x128xf32, #tpu.memory_space<vmem>>, vector<16xf32>,
        %add3A_260 = arith.addf %get3A_256, %get3A_259 : vector<16xf32>
        %add3A_261 = arith.constant 258 : i32
        %add3A_262 = vector.broadcast %add3A_261 : i32 to vector<16xi32>
        %add3A_263 = arith.addi %mul3A_197, %add3A_262 : vector<16xi32>
        tpu.vector_store_idx %arg13[%add3A_263], %add3A_260 : memref<512xf32, #tpu.memory_space<vmem>>[vector<16xi32>], vector<16xf32>,
        %add3A_264 = arith.constant 3 : i32
        %add3A_265 = arith.addi %mul3A_194, %add3A_264 : i32
        %get3A_266 = arith.index_cast %add3A_265 : i32 to index
        %get3A_267 = arith.constant 0 : index
        %get3A_268 = tpu.vector_load %arg11[%get3A_266, %get3A_267] {strides = array<i32>} : memref<80x128xf32, #tpu.memory_space<vmem>>, vector<16xf32>,
        %get3A_269 = arith.index_cast %add3A_265 : i32 to index
        %get3A_270 = arith.constant 32 : index
        %get3A_271 = tpu.vector_load %arg12[%get3A_269, %get3A_270] {strides = array<i32>} : memref<80x128xf32, #tpu.memory_space<vmem>>, vector<16xf32>,
        %add3A_272 = arith.addf %get3A_268, %get3A_271 : vector<16xf32>
        %add3A_273 = arith.constant 3 : i32
        %add3A_274 = vector.broadcast %add3A_273 : i32 to vector<16xi32>
        %add3A_275 = arith.addi %mul3A_197, %add3A_274 : vector<16xi32>
        tpu.vector_store_idx %arg13[%add3A_275], %add3A_272 : memref<512xf32, #tpu.memory_space<vmem>>[vector<16xi32>], vector<16xf32>,
        %get3A_276 = arith.index_cast %add3A_265 : i32 to index
        %get3A_277 = arith.constant 16 : index
        %get3A_278 = tpu.vector_load %arg11[%get3A_276, %get3A_277] {strides = array<i32>} : memref<80x128xf32, #tpu.memory_space<vmem>>, vector<16xf32>,
        %get3A_279 = arith.index_cast %add3A_265 : i32 to index
        %get3A_280 = arith.constant 48 : index
        %get3A_281 = tpu.vector_load %arg12[%get3A_279, %get3A_280] {strides = array<i32>} : memref<80x128xf32, #tpu.memory_space<vmem>>, vector<16xf32>,
        %add3A_282 = arith.addf %get3A_278, %get3A_281 : vector<16xf32>
        %add3A_283 = arith.constant 259 : i32
        %add3A_284 = vector.broadcast %add3A_283 : i32 to vector<16xi32>
        %add3A_285 = arith.addi %mul3A_197, %add3A_284 : vector<16xi32>
        tpu.vector_store_idx %arg13[%add3A_285], %add3A_282 : memref<512xf32, #tpu.memory_space<vmem>>[vector<16xi32>], vector<16xf32>,
        %add3A_286 = arith.constant 4 : i32
        %add3A_287 = arith.addi %mul3A_194, %add3A_286 : i32
        %get3A_288 = arith.index_cast %add3A_287 : i32 to index
        %get3A_289 = arith.constant 0 : index
        %get3A_290 = tpu.vector_load %arg11[%get3A_288, %get3A_289] {strides = array<i32>} : memref<80x128xf32, #tpu.memory_space<vmem>>, vector<16xf32>,
        %get3A_291 = arith.index_cast %add3A_287 : i32 to index
        %get3A_292 = arith.constant 32 : index
        %get3A_293 = tpu.vector_load %arg12[%get3A_291, %get3A_292] {strides = array<i32>} : memref<80x128xf32, #tpu.memory_space<vmem>>, vector<16xf32>,
        %add3A_294 = arith.addf %get3A_290, %get3A_293 : vector<16xf32>
        %add3A_295 = arith.constant 4 : i32
        %add3A_296 = vector.broadcast %add3A_295 : i32 to vector<16xi32>
        %add3A_297 = arith.addi %mul3A_197, %add3A_296 : vector<16xi32>
        tpu.vector_store_idx %arg13[%add3A_297], %add3A_294 : memref<512xf32, #tpu.memory_space<vmem>>[vector<16xi32>], vector<16xf32>,
        %get3A_298 = arith.index_cast %add3A_287 : i32 to index
        %get3A_299 = arith.constant 16 : index
        %get3A_300 = tpu.vector_load %arg11[%get3A_298, %get3A_299] {strides = array<i32>} : memref<80x128xf32, #tpu.memory_space<vmem>>, vector<16xf32>,
        %get3A_301 = arith.index_cast %add3A_287 : i32 to index
        %get3A_302 = arith.constant 48 : index
        %get3A_303 = tpu.vector_load %arg12[%get3A_301, %get3A_302] {strides = array<i32>} : memref<80x128xf32, #tpu.memory_space<vmem>>, vector<16xf32>,
        %add3A_304 = arith.addf %get3A_300, %get3A_303 : vector<16xf32>
        %add3A_305 = arith.constant 260 : i32
        %add3A_306 = vector.broadcast %add3A_305 : i32 to vector<16xi32>
        %add3A_307 = arith.addi %mul3A_197, %add3A_306 : vector<16xi32>
        tpu.vector_store_idx %arg13[%add3A_307], %add3A_304 : memref<512xf32, #tpu.memory_space<vmem>>[vector<16xi32>], vector<16xf32>,
        %add3A_308 = arith.constant 5 : i32
        %add3A_309 = arith.addi %mul3A_194, %add3A_308 : i32
        %get3A_310 = arith.index_cast %add3A_309 : i32 to index
        %get3A_311 = arith.constant 0 : index
        %get3A_312 = tpu.vector_load %arg11[%get3A_310, %get3A_311] {strides = array<i32>} : memref<80x128xf32, #tpu.memory_space<vmem>>, vector<16xf32>,
        %get3A_313 = arith.index_cast %add3A_309 : i32 to index
        %get3A_314 = arith.constant 32 : index
        %get3A_315 = tpu.vector_load %arg12[%get3A_313, %get3A_314] {strides = array<i32>} : memref<80x128xf32, #tpu.memory_space<vmem>>, vector<16xf32>,
        %add3A_316 = arith.addf %get3A_312, %get3A_315 : vector<16xf32>
        %add3A_317 = arith.constant 5 : i32
        %add3A_318 = vector.broadcast %add3A_317 : i32 to vector<16xi32>
        %add3A_319 = arith.addi %mul3A_197, %add3A_318 : vector<16xi32>
        tpu.vector_store_idx %arg13[%add3A_319], %add3A_316 : memref<512xf32, #tpu.memory_space<vmem>>[vector<16xi32>], vector<16xf32>,
        %get3A_320 = arith.index_cast %add3A_309 : i32 to index
        %get3A_321 = arith.constant 16 : index
        %get3A_322 = tpu.vector_load %arg11[%get3A_320, %get3A_321] {strides = array<i32>} : memref<80x128xf32, #tpu.memory_space<vmem>>, vector<16xf32>,
        %get3A_323 = arith.index_cast %add3A_309 : i32 to index
        %get3A_324 = arith.constant 48 : index
        %get3A_325 = tpu.vector_load %arg12[%get3A_323, %get3A_324] {strides = array<i32>} : memref<80x128xf32, #tpu.memory_space<vmem>>, vector<16xf32>,
        %add3A_326 = arith.addf %get3A_322, %get3A_325 : vector<16xf32>
        %add3A_327 = arith.constant 261 : i32
        %add3A_328 = vector.broadcast %add3A_327 : i32 to vector<16xi32>
        %add3A_329 = arith.addi %mul3A_197, %add3A_328 : vector<16xi32>
        tpu.vector_store_idx %arg13[%add3A_329], %add3A_326 : memref<512xf32, #tpu.memory_space<vmem>>[vector<16xi32>], vector<16xf32>,
        %add3A_330 = arith.constant 6 : i32
        %add3A_331 = arith.addi %mul3A_194, %add3A_330 : i32
        %get3A_332 = arith.index_cast %add3A_331 : i32 to index
        %get3A_333 = arith.constant 0 : index
        %get3A_334 = tpu.vector_load %arg11[%get3A_332, %get3A_333] {strides = array<i32>} : memref<80x128xf32, #tpu.memory_space<vmem>>, vector<16xf32>,
        %get3A_335 = arith.index_cast %add3A_331 : i32 to index
        %get3A_336 = arith.constant 32 : index
        %get3A_337 = tpu.vector_load %arg12[%get3A_335, %get3A_336] {strides = array<i32>} : memref<80x128xf32, #tpu.memory_space<vmem>>, vector<16xf32>,
        %add3A_338 = arith.addf %get3A_334, %get3A_337 : vector<16xf32>
        %add3A_339 = arith.constant 6 : i32
        %add3A_340 = vector.broadcast %add3A_339 : i32 to vector<16xi32>
        %add3A_341 = arith.addi %mul3A_197, %add3A_340 : vector<16xi32>
        tpu.vector_store_idx %arg13[%add3A_341], %add3A_338 : memref<512xf32, #tpu.memory_space<vmem>>[vector<16xi32>], vector<16xf32>,
        %get3A_342 = arith.index_cast %add3A_331 : i32 to index
        %get3A_343 = arith.constant 16 : index
        %get3A_344 = tpu.vector_load %arg11[%get3A_342, %get3A_343] {strides = array<i32>} : memref<80x128xf32, #tpu.memory_space<vmem>>, vector<16xf32>,
        %get3A_345 = arith.index_cast %add3A_331 : i32 to index
        %get3A_346 = arith.constant 48 : index
        %get3A_347 = tpu.vector_load %arg12[%get3A_345, %get3A_346] {strides = array<i32>} : memref<80x128xf32, #tpu.memory_space<vmem>>, vector<16xf32>,
        %add3A_348 = arith.addf %get3A_344, %get3A_347 : vector<16xf32>
        %add3A_349 = arith.constant 262 : i32
        %add3A_350 = vector.broadcast %add3A_349 : i32 to vector<16xi32>
        %add3A_351 = arith.addi %mul3A_197, %add3A_350 : vector<16xi32>
        tpu.vector_store_idx %arg13[%add3A_351], %add3A_348 : memref<512xf32, #tpu.memory_space<vmem>>[vector<16xi32>], vector<16xf32>,
        %add3A_352 = arith.constant 7 : i32
        %add3A_353 = arith.addi %mul3A_194, %add3A_352 : i32
        %get3A_354 = arith.index_cast %add3A_353 : i32 to index
        %get3A_355 = arith.constant 0 : index
        %get3A_356 = tpu.vector_load %arg11[%get3A_354, %get3A_355] {strides = array<i32>} : memref<80x128xf32, #tpu.memory_space<vmem>>, vector<16xf32>,
        %get3A_357 = arith.index_cast %add3A_353 : i32 to index
        %get3A_358 = arith.constant 32 : index
        %get3A_359 = tpu.vector_load %arg12[%get3A_357, %get3A_358] {strides = array<i32>} : memref<80x128xf32, #tpu.memory_space<vmem>>, vector<16xf32>,
        %add3A_360 = arith.addf %get3A_356, %get3A_359 : vector<16xf32>
        %add3A_361 = arith.constant 7 : i32
        %add3A_362 = vector.broadcast %add3A_361 : i32 to vector<16xi32>
        %add3A_363 = arith.addi %mul3A_197, %add3A_362 : vector<16xi32>
        tpu.vector_store_idx %arg13[%add3A_363], %add3A_360 : memref<512xf32, #tpu.memory_space<vmem>>[vector<16xi32>], vector<16xf32>,
        %get3A_364 = arith.index_cast %add3A_353 : i32 to index
        %get3A_365 = arith.constant 16 : index
        %get3A_366 = tpu.vector_load %arg11[%get3A_364, %get3A_365] {strides = array<i32>} : memref<80x128xf32, #tpu.memory_space<vmem>>, vector<16xf32>,
        %get3A_367 = arith.index_cast %add3A_353 : i32 to index
        %get3A_368 = arith.constant 48 : index
        %get3A_369 = tpu.vector_load %arg12[%get3A_367, %get3A_368] {strides = array<i32>} : memref<80x128xf32, #tpu.memory_space<vmem>>, vector<16xf32>,
        %add3A_370 = arith.addf %get3A_366, %get3A_369 : vector<16xf32>
        %add3A_371 = arith.constant 263 : i32
        %add3A_372 = vector.broadcast %add3A_371 : i32 to vector<16xi32>
        %add3A_373 = arith.addi %mul3A_197, %add3A_372 : vector<16xi32>
        tpu.vector_store_idx %arg13[%add3A_373], %add3A_370 : memref<512xf32, #tpu.memory_space<vmem>>[vector<16xi32>], vector<16xf32>,
        %add3A_374 = arith.constant 8 : i32
        %add3A_375 = arith.addi %mul3A_194, %add3A_374 : i32
        %get3A_376 = arith.index_cast %add3A_375 : i32 to index
        %get3A_377 = arith.constant 0 : index
        %get3A_378 = tpu.vector_load %arg11[%get3A_376, %get3A_377] {strides = array<i32>} : memref<80x128xf32, #tpu.memory_space<vmem>>, vector<16xf32>,
        %get3A_379 = arith.index_cast %add3A_375 : i32 to index
        %get3A_380 = arith.constant 32 : index
        %get3A_381 = tpu.vector_load %arg12[%get3A_379, %get3A_380] {strides = array<i32>} : memref<80x128xf32, #tpu.memory_space<vmem>>, vector<16xf32>,
        %add3A_382 = arith.addf %get3A_378, %get3A_381 : vector<16xf32>
        %add3A_383 = arith.constant 8 : i32
        %add3A_384 = vector.broadcast %add3A_383 : i32 to vector<16xi32>
        %add3A_385 = arith.addi %mul3A_197, %add3A_384 : vector<16xi32>
        tpu.vector_store_idx %arg13[%add3A_385], %add3A_382 : memref<512xf32, #tpu.memory_space<vmem>>[vector<16xi32>], vector<16xf32>,
        %get3A_386 = arith.index_cast %add3A_375 : i32 to index
        %get3A_387 = arith.constant 16 : index
        %get3A_388 = tpu.vector_load %arg11[%get3A_386, %get3A_387] {strides = array<i32>} : memref<80x128xf32, #tpu.memory_space<vmem>>, vector<16xf32>,
        %get3A_389 = arith.index_cast %add3A_375 : i32 to index
        %get3A_390 = arith.constant 48 : index
        %get3A_391 = tpu.vector_load %arg12[%get3A_389, %get3A_390] {strides = array<i32>} : memref<80x128xf32, #tpu.memory_space<vmem>>, vector<16xf32>,
        %add3A_392 = arith.addf %get3A_388, %get3A_391 : vector<16xf32>
        %add3A_393 = arith.constant 264 : i32
        %add3A_394 = vector.broadcast %add3A_393 : i32 to vector<16xi32>
        %add3A_395 = arith.addi %mul3A_197, %add3A_394 : vector<16xi32>
        tpu.vector_store_idx %arg13[%add3A_395], %add3A_392 : memref<512xf32, #tpu.memory_space<vmem>>[vector<16xi32>], vector<16xf32>,
        %add3A_396 = arith.constant 9 : i32
        %add3A_397 = arith.addi %mul3A_194, %add3A_396 : i32
        %get3A_398 = arith.index_cast %add3A_397 : i32 to index
        %get3A_399 = arith.constant 0 : index
        %get3A_400 = tpu.vector_load %arg11[%get3A_398, %get3A_399] {strides = array<i32>} : memref<80x128xf32, #tpu.memory_space<vmem>>, vector<16xf32>,
        %get3A_401 = arith.index_cast %add3A_397 : i32 to index
        %get3A_402 = arith.constant 32 : index
        %get3A_403 = tpu.vector_load %arg12[%get3A_401, %get3A_402] {strides = array<i32>} : memref<80x128xf32, #tpu.memory_space<vmem>>, vector<16xf32>,
        %add3A_404 = arith.addf %get3A_400, %get3A_403 : vector<16xf32>
        %add3A_405 = arith.constant 9 : i32
        %add3A_406 = vector.broadcast %add3A_405 : i32 to vector<16xi32>
        %add3A_407 = arith.addi %mul3A_197, %add3A_406 : vector<16xi32>
        tpu.vector_store_idx %arg13[%add3A_407], %add3A_404 : memref<512xf32, #tpu.memory_space<vmem>>[vector<16xi32>], vector<16xf32>,
        %get3A_408 = arith.index_cast %add3A_397 : i32 to index
        %get3A_409 = arith.constant 16 : index
        %get3A_410 = tpu.vector_load %arg11[%get3A_408, %get3A_409] {strides = array<i32>} : memref<80x128xf32, #tpu.memory_space<vmem>>, vector<16xf32>,
        %get3A_411 = arith.index_cast %add3A_397 : i32 to index
        %get3A_412 = arith.constant 48 : index
        %get3A_413 = tpu.vector_load %arg12[%get3A_411, %get3A_412] {strides = array<i32>} : memref<80x128xf32, #tpu.memory_space<vmem>>, vector<16xf32>,
        %add3A_414 = arith.addf %get3A_410, %get3A_413 : vector<16xf32>
        %add3A_415 = arith.constant 265 : i32
        %add3A_416 = vector.broadcast %add3A_415 : i32 to vector<16xi32>
        %add3A_417 = arith.addi %mul3A_197, %add3A_416 : vector<16xi32>
        tpu.vector_store_idx %arg13[%add3A_417], %add3A_414 : memref<512xf32, #tpu.memory_space<vmem>>[vector<16xi32>], vector<16xf32>,
        %add3A_418 = arith.constant 10 : i32
        %add3A_419 = arith.addi %mul3A_194, %add3A_418 : i32
        %get3A_420 = arith.index_cast %add3A_419 : i32 to index
        %get3A_421 = arith.constant 0 : index
        %get3A_422 = tpu.vector_load %arg11[%get3A_420, %get3A_421] {strides = array<i32>} : memref<80x128xf32, #tpu.memory_space<vmem>>, vector<16xf32>,
        %get3A_423 = arith.index_cast %add3A_419 : i32 to index
        %get3A_424 = arith.constant 32 : index
        %get3A_425 = tpu.vector_load %arg12[%get3A_423, %get3A_424] {strides = array<i32>} : memref<80x128xf32, #tpu.memory_space<vmem>>, vector<16xf32>,
        %add3A_426 = arith.addf %get3A_422, %get3A_425 : vector<16xf32>
        %add3A_427 = arith.constant 10 : i32
        %add3A_428 = vector.broadcast %add3A_427 : i32 to vector<16xi32>
        %add3A_429 = arith.addi %mul3A_197, %add3A_428 : vector<16xi32>
        tpu.vector_store_idx %arg13[%add3A_429], %add3A_426 : memref<512xf32, #tpu.memory_space<vmem>>[vector<16xi32>], vector<16xf32>,
        %get3A_430 = arith.index_cast %add3A_419 : i32 to index
        %get3A_431 = arith.constant 16 : index
        %get3A_432 = tpu.vector_load %arg11[%get3A_430, %get3A_431] {strides = array<i32>} : memref<80x128xf32, #tpu.memory_space<vmem>>, vector<16xf32>,
        %get3A_433 = arith.index_cast %add3A_419 : i32 to index
        %get3A_434 = arith.constant 48 : index
        %get3A_435 = tpu.vector_load %arg12[%get3A_433, %get3A_434] {strides = array<i32>} : memref<80x128xf32, #tpu.memory_space<vmem>>, vector<16xf32>,
        %add3A_436 = arith.addf %get3A_432, %get3A_435 : vector<16xf32>
        %add3A_437 = arith.constant 266 : i32
        %add3A_438 = vector.broadcast %add3A_437 : i32 to vector<16xi32>
        %add3A_439 = arith.addi %mul3A_197, %add3A_438 : vector<16xi32>
        tpu.vector_store_idx %arg13[%add3A_439], %add3A_436 : memref<512xf32, #tpu.memory_space<vmem>>[vector<16xi32>], vector<16xf32>,
        %add3A_440 = arith.constant 11 : i32
        %add3A_441 = arith.addi %mul3A_194, %add3A_440 : i32
        %get3A_442 = arith.index_cast %add3A_441 : i32 to index
        %get3A_443 = arith.constant 0 : index
        %get3A_444 = tpu.vector_load %arg11[%get3A_442, %get3A_443] {strides = array<i32>} : memref<80x128xf32, #tpu.memory_space<vmem>>, vector<16xf32>,
        %get3A_445 = arith.index_cast %add3A_441 : i32 to index
        %get3A_446 = arith.constant 32 : index
        %get3A_447 = tpu.vector_load %arg12[%get3A_445, %get3A_446] {strides = array<i32>} : memref<80x128xf32, #tpu.memory_space<vmem>>, vector<16xf32>,
        %add3A_448 = arith.addf %get3A_444, %get3A_447 : vector<16xf32>
        %add3A_449 = arith.constant 11 : i32
        %add3A_450 = vector.broadcast %add3A_449 : i32 to vector<16xi32>
        %add3A_451 = arith.addi %mul3A_197, %add3A_450 : vector<16xi32>
        tpu.vector_store_idx %arg13[%add3A_451], %add3A_448 : memref<512xf32, #tpu.memory_space<vmem>>[vector<16xi32>], vector<16xf32>,
        %get3A_452 = arith.index_cast %add3A_441 : i32 to index
        %get3A_453 = arith.constant 16 : index
        %get3A_454 = tpu.vector_load %arg11[%get3A_452, %get3A_453] {strides = array<i32>} : memref<80x128xf32, #tpu.memory_space<vmem>>, vector<16xf32>,
        %get3A_455 = arith.index_cast %add3A_441 : i32 to index
        %get3A_456 = arith.constant 48 : index
        %get3A_457 = tpu.vector_load %arg12[%get3A_455, %get3A_456] {strides = array<i32>} : memref<80x128xf32, #tpu.memory_space<vmem>>, vector<16xf32>,
        %add3A_458 = arith.addf %get3A_454, %get3A_457 : vector<16xf32>
        %add3A_459 = arith.constant 267 : i32
        %add3A_460 = vector.broadcast %add3A_459 : i32 to vector<16xi32>
        %add3A_461 = arith.addi %mul3A_197, %add3A_460 : vector<16xi32>
        tpu.vector_store_idx %arg13[%add3A_461], %add3A_458 : memref<512xf32, #tpu.memory_space<vmem>>[vector<16xi32>], vector<16xf32>,
        %add3A_462 = arith.constant 12 : i32
        %add3A_463 = arith.addi %mul3A_194, %add3A_462 : i32
        %get3A_464 = arith.index_cast %add3A_463 : i32 to index
        %get3A_465 = arith.constant 0 : index
        %get3A_466 = tpu.vector_load %arg11[%get3A_464, %get3A_465] {strides = array<i32>} : memref<80x128xf32, #tpu.memory_space<vmem>>, vector<16xf32>,
        %get3A_467 = arith.index_cast %add3A_463 : i32 to index
        %get3A_468 = arith.constant 32 : index
        %get3A_469 = tpu.vector_load %arg12[%get3A_467, %get3A_468] {strides = array<i32>} : memref<80x128xf32, #tpu.memory_space<vmem>>, vector<16xf32>,
        %add3A_470 = arith.addf %get3A_466, %get3A_469 : vector<16xf32>
        %add3A_471 = arith.constant 12 : i32
        %add3A_472 = vector.broadcast %add3A_471 : i32 to vector<16xi32>
        %add3A_473 = arith.addi %mul3A_197, %add3A_472 : vector<16xi32>
        tpu.vector_store_idx %arg13[%add3A_473], %add3A_470 : memref<512xf32, #tpu.memory_space<vmem>>[vector<16xi32>], vector<16xf32>,
        %get3A_474 = arith.index_cast %add3A_463 : i32 to index
        %get3A_475 = arith.constant 16 : index
        %get3A_476 = tpu.vector_load %arg11[%get3A_474, %get3A_475] {strides = array<i32>} : memref<80x128xf32, #tpu.memory_space<vmem>>, vector<16xf32>,
        %get3A_477 = arith.index_cast %add3A_463 : i32 to index
        %get3A_478 = arith.constant 48 : index
        %get3A_479 = tpu.vector_load %arg12[%get3A_477, %get3A_478] {strides = array<i32>} : memref<80x128xf32, #tpu.memory_space<vmem>>, vector<16xf32>,
        %add3A_480 = arith.addf %get3A_476, %get3A_479 : vector<16xf32>
        %add3A_481 = arith.constant 268 : i32
        %add3A_482 = vector.broadcast %add3A_481 : i32 to vector<16xi32>
        %add3A_483 = arith.addi %mul3A_197, %add3A_482 : vector<16xi32>
        tpu.vector_store_idx %arg13[%add3A_483], %add3A_480 : memref<512xf32, #tpu.memory_space<vmem>>[vector<16xi32>], vector<16xf32>,
        %add3A_484 = arith.constant 13 : i32
        %add3A_485 = arith.addi %mul3A_194, %add3A_484 : i32
        %get3A_486 = arith.index_cast %add3A_485 : i32 to index
        %get3A_487 = arith.constant 0 : index
        %get3A_488 = tpu.vector_load %arg11[%get3A_486, %get3A_487] {strides = array<i32>} : memref<80x128xf32, #tpu.memory_space<vmem>>, vector<16xf32>,
        %get3A_489 = arith.index_cast %add3A_485 : i32 to index
        %get3A_490 = arith.constant 32 : index
        %get3A_491 = tpu.vector_load %arg12[%get3A_489, %get3A_490] {strides = array<i32>} : memref<80x128xf32, #tpu.memory_space<vmem>>, vector<16xf32>,
        %add3A_492 = arith.addf %get3A_488, %get3A_491 : vector<16xf32>
        %add3A_493 = arith.constant 13 : i32
        %add3A_494 = vector.broadcast %add3A_493 : i32 to vector<16xi32>
        %add3A_495 = arith.addi %mul3A_197, %add3A_494 : vector<16xi32>
        tpu.vector_store_idx %arg13[%add3A_495], %add3A_492 : memref<512xf32, #tpu.memory_space<vmem>>[vector<16xi32>], vector<16xf32>,
        %get3A_496 = arith.index_cast %add3A_485 : i32 to index
        %get3A_497 = arith.constant 16 : index
        %get3A_498 = tpu.vector_load %arg11[%get3A_496, %get3A_497] {strides = array<i32>} : memref<80x128xf32, #tpu.memory_space<vmem>>, vector<16xf32>,
        %get3A_499 = arith.index_cast %add3A_485 : i32 to index
        %get3A_500 = arith.constant 48 : index
        %get3A_501 = tpu.vector_load %arg12[%get3A_499, %get3A_500] {strides = array<i32>} : memref<80x128xf32, #tpu.memory_space<vmem>>, vector<16xf32>,
        %add3A_502 = arith.addf %get3A_498, %get3A_501 : vector<16xf32>
        %add3A_503 = arith.constant 269 : i32
        %add3A_504 = vector.broadcast %add3A_503 : i32 to vector<16xi32>
        %add3A_505 = arith.addi %mul3A_197, %add3A_504 : vector<16xi32>
        tpu.vector_store_idx %arg13[%add3A_505], %add3A_502 : memref<512xf32, #tpu.memory_space<vmem>>[vector<16xi32>], vector<16xf32>,
        %add3A_506 = arith.constant 14 : i32
        %add3A_507 = arith.addi %mul3A_194, %add3A_506 : i32
        %get3A_508 = arith.index_cast %add3A_507 : i32 to index
        %get3A_509 = arith.constant 0 : index
        %get3A_510 = tpu.vector_load %arg11[%get3A_508, %get3A_509] {strides = array<i32>} : memref<80x128xf32, #tpu.memory_space<vmem>>, vector<16xf32>,
        %get3A_511 = arith.index_cast %add3A_507 : i32 to index
        %get3A_512 = arith.constant 32 : index
        %get3A_513 = tpu.vector_load %arg12[%get3A_511, %get3A_512] {strides = array<i32>} : memref<80x128xf32, #tpu.memory_space<vmem>>, vector<16xf32>,
        %add3A_514 = arith.addf %get3A_510, %get3A_513 : vector<16xf32>
        %add3A_515 = arith.constant 14 : i32
        %add3A_516 = vector.broadcast %add3A_515 : i32 to vector<16xi32>
        %add3A_517 = arith.addi %mul3A_197, %add3A_516 : vector<16xi32>
        tpu.vector_store_idx %arg13[%add3A_517], %add3A_514 : memref<512xf32, #tpu.memory_space<vmem>>[vector<16xi32>], vector<16xf32>,
        %get3A_518 = arith.index_cast %add3A_507 : i32 to index
        %get3A_519 = arith.constant 16 : index
        %get3A_520 = tpu.vector_load %arg11[%get3A_518, %get3A_519] {strides = array<i32>} : memref<80x128xf32, #tpu.memory_space<vmem>>, vector<16xf32>,
        %get3A_521 = arith.index_cast %add3A_507 : i32 to index
        %get3A_522 = arith.constant 48 : index
        %get3A_523 = tpu.vector_load %arg12[%get3A_521, %get3A_522] {strides = array<i32>} : memref<80x128xf32, #tpu.memory_space<vmem>>, vector<16xf32>,
        %add3A_524 = arith.addf %get3A_520, %get3A_523 : vector<16xf32>
        %add3A_525 = arith.constant 270 : i32
        %add3A_526 = vector.broadcast %add3A_525 : i32 to vector<16xi32>
        %add3A_527 = arith.addi %mul3A_197, %add3A_526 : vector<16xi32>
        tpu.vector_store_idx %arg13[%add3A_527], %add3A_524 : memref<512xf32, #tpu.memory_space<vmem>>[vector<16xi32>], vector<16xf32>,
        %add3A_528 = arith.constant 15 : i32
        %add3A_529 = arith.addi %mul3A_194, %add3A_528 : i32
        %get3A_530 = arith.index_cast %add3A_529 : i32 to index
        %get3A_531 = arith.constant 0 : index
        %get3A_532 = tpu.vector_load %arg11[%get3A_530, %get3A_531] {strides = array<i32>} : memref<80x128xf32, #tpu.memory_space<vmem>>, vector<16xf32>,
        %get3A_533 = arith.index_cast %add3A_529 : i32 to index
        %get3A_534 = arith.constant 32 : index
        %get3A_535 = tpu.vector_load %arg12[%get3A_533, %get3A_534] {strides = array<i32>} : memref<80x128xf32, #tpu.memory_space<vmem>>, vector<16xf32>,
        %add3A_536 = arith.addf %get3A_532, %get3A_535 : vector<16xf32>
        %add3A_537 = arith.constant 15 : i32
        %add3A_538 = vector.broadcast %add3A_537 : i32 to vector<16xi32>
        %add3A_539 = arith.addi %mul3A_197, %add3A_538 : vector<16xi32>
        tpu.vector_store_idx %arg13[%add3A_539], %add3A_536 : memref<512xf32, #tpu.memory_space<vmem>>[vector<16xi32>], vector<16xf32>,
        %get3A_540 = arith.index_cast %add3A_529 : i32 to index
        %get3A_541 = arith.constant 16 : index
        %get3A_542 = tpu.vector_load %arg11[%get3A_540, %get3A_541] {strides = array<i32>} : memref<80x128xf32, #tpu.memory_space<vmem>>, vector<16xf32>,
        %get3A_543 = arith.index_cast %add3A_529 : i32 to index
        %get3A_544 = arith.constant 48 : index
        %get3A_545 = tpu.vector_load %arg12[%get3A_543, %get3A_544] {strides = array<i32>} : memref<80x128xf32, #tpu.memory_space<vmem>>, vector<16xf32>,
        %add3A_546 = arith.addf %get3A_542, %get3A_545 : vector<16xf32>
        %add3A_547 = arith.constant 271 : i32
        %add3A_548 = vector.broadcast %add3A_547 : i32 to vector<16xi32>
        %add3A_549 = arith.addi %mul3A_197, %add3A_548 : vector<16xi32>
        tpu.vector_store_idx %arg13[%add3A_549], %add3A_546 : memref<512xf32, #tpu.memory_space<vmem>>[vector<16xi32>], vector<16xf32>,
        %get3A_550 = arith.constant 0 : index
        %get3A_551 = tpu.vector_load %arg13[%get3A_550] {strides = array<i32>} : memref<512xf32, #tpu.memory_space<vmem>>, vector<16xf32>,
        %add3A_552 = vector.broadcast %squeeze3A : f32 to vector<16xf32>
        %add3A_553 = arith.addf %get3A_551, %add3A_552 : vector<16xf32>
        %max3A = arith.constant 0.000000e+00 : f32
        %max3A_554 = vector.broadcast %max3A : f32 to vector<16xf32>
        %max3A_555 = arith.maximumf %add3A_553, %max3A_554 : vector<16xf32>
        %bitcast3A = vector.bitcast %max3A_555 : vector<16xf32> to vector<16xi32>
        %add3A_556 = arith.constant 32767 : i32
        %add3A_557 = vector.broadcast %add3A_556 : i32 to vector<16xi32>
        %add3A_558 = arith.addi %bitcast3A, %add3A_557 : vector<16xi32>
        %shift_right_logical3A = arith.constant 16 : i32
        %shift_right_logical3A_559 = vector.broadcast %shift_right_logical3A : i32 to vector<16xi32>
        %shift_right_logical3A_560 = arith.shrui %bitcast3A, %shift_right_logical3A_559 : vector<16xi32>
        %and3A = arith.constant 1 : i32
        %and3A_561 = vector.broadcast %and3A : i32 to vector<16xi32>
        %and3A_562 = arith.andi %shift_right_logical3A_560, %and3A_561 : vector<16xi32>
        %add3A_563 = arith.addi %add3A_558, %and3A_562 : vector<16xi32>
        %and3A_564 = arith.constant -65536 : i32
        %and3A_565 = vector.broadcast %and3A_564 : i32 to vector<16xi32>
        %and3A_566 = arith.andi %add3A_563, %and3A_565 : vector<16xi32>
        %bitcast3A_567 = vector.bitcast %and3A_566 : vector<16xi32> to vector<16xf32>
        %mul3A_568 = vector.broadcast %squeeze3A_78 : f32 to vector<16xf32>
        %mul3A_569 = arith.mulf %bitcast3A_567, %mul3A_568 : vector<16xf32>
        %add3A_570 = arith.addf %get3A_6, %mul3A_569 : vector<16xf32>
        %get3A_571 = arith.constant 16 : index
        %get3A_572 = tpu.vector_load %arg13[%get3A_571] {strides = array<i32>} : memref<512xf32, #tpu.memory_space<vmem>>, vector<16xf32>,
        %add3A_573 = vector.broadcast %squeeze3A_16 : f32 to vector<16xf32>
        %add3A_574 = arith.addf %get3A_572, %add3A_573 : vector<16xf32>
        %max3A_575 = arith.constant 0.000000e+00 : f32
        %max3A_576 = vector.broadcast %max3A_575 : f32 to vector<16xf32>
        %max3A_577 = arith.maximumf %add3A_574, %max3A_576 : vector<16xf32>
        %bitcast3A_578 = vector.bitcast %max3A_577 : vector<16xf32> to vector<16xi32>
        %add3A_579 = arith.constant 32767 : i32
        %add3A_580 = vector.broadcast %add3A_579 : i32 to vector<16xi32>
        %add3A_581 = arith.addi %bitcast3A_578, %add3A_580 : vector<16xi32>
        %shift_right_logical3A_582 = arith.constant 16 : i32
        %shift_right_logical3A_583 = vector.broadcast %shift_right_logical3A_582 : i32 to vector<16xi32>
        %shift_right_logical3A_584 = arith.shrui %bitcast3A_578, %shift_right_logical3A_583 : vector<16xi32>
        %and3A_585 = arith.constant 1 : i32
        %and3A_586 = vector.broadcast %and3A_585 : i32 to vector<16xi32>
        %and3A_587 = arith.andi %shift_right_logical3A_584, %and3A_586 : vector<16xi32>
        %add3A_588 = arith.addi %add3A_581, %and3A_587 : vector<16xi32>
        %and3A_589 = arith.constant -65536 : i32
        %and3A_590 = vector.broadcast %and3A_589 : i32 to vector<16xi32>
        %and3A_591 = arith.andi %add3A_588, %and3A_590 : vector<16xi32>
        %bitcast3A_592 = vector.bitcast %and3A_591 : vector<16xi32> to vector<16xf32>
        %mul3A_593 = vector.broadcast %squeeze3A_80 : f32 to vector<16xf32>
        %mul3A_594 = arith.mulf %bitcast3A_592, %mul3A_593 : vector<16xf32>
        %add3A_595 = arith.addf %add3A_570, %mul3A_594 : vector<16xf32>
        %get3A_596 = arith.constant 32 : index
        %get3A_597 = tpu.vector_load %arg13[%get3A_596] {strides = array<i32>} : memref<512xf32, #tpu.memory_space<vmem>>, vector<16xf32>,
        %add3A_598 = vector.broadcast %squeeze3A_18 : f32 to vector<16xf32>
        %add3A_599 = arith.addf %get3A_597, %add3A_598 : vector<16xf32>
        %max3A_600 = arith.constant 0.000000e+00 : f32
        %max3A_601 = vector.broadcast %max3A_600 : f32 to vector<16xf32>
        %max3A_602 = arith.maximumf %add3A_599, %max3A_601 : vector<16xf32>
        %bitcast3A_603 = vector.bitcast %max3A_602 : vector<16xf32> to vector<16xi32>
        %add3A_604 = arith.constant 32767 : i32
        %add3A_605 = vector.broadcast %add3A_604 : i32 to vector<16xi32>
        %add3A_606 = arith.addi %bitcast3A_603, %add3A_605 : vector<16xi32>
        %shift_right_logical3A_607 = arith.constant 16 : i32
        %shift_right_logical3A_608 = vector.broadcast %shift_right_logical3A_607 : i32 to vector<16xi32>
        %shift_right_logical3A_609 = arith.shrui %bitcast3A_603, %shift_right_logical3A_608 : vector<16xi32>
        %and3A_610 = arith.constant 1 : i32
        %and3A_611 = vector.broadcast %and3A_610 : i32 to vector<16xi32>
        %and3A_612 = arith.andi %shift_right_logical3A_609, %and3A_611 : vector<16xi32>
        %add3A_613 = arith.addi %add3A_606, %and3A_612 : vector<16xi32>
        %and3A_614 = arith.constant -65536 : i32
        %and3A_615 = vector.broadcast %and3A_614 : i32 to vector<16xi32>
        %and3A_616 = arith.andi %add3A_613, %and3A_615 : vector<16xi32>
        %bitcast3A_617 = vector.bitcast %and3A_616 : vector<16xi32> to vector<16xf32>
        %mul3A_618 = vector.broadcast %squeeze3A_82 : f32 to vector<16xf32>
        %mul3A_619 = arith.mulf %bitcast3A_617, %mul3A_618 : vector<16xf32>
        %add3A_620 = arith.addf %add3A_595, %mul3A_619 : vector<16xf32>
        %get3A_621 = arith.constant 48 : index
        %get3A_622 = tpu.vector_load %arg13[%get3A_621] {strides = array<i32>} : memref<512xf32, #tpu.memory_space<vmem>>, vector<16xf32>,
        %add3A_623 = vector.broadcast %squeeze3A_20 : f32 to vector<16xf32>
        %add3A_624 = arith.addf %get3A_622, %add3A_623 : vector<16xf32>
        %max3A_625 = arith.constant 0.000000e+00 : f32
        %max3A_626 = vector.broadcast %max3A_625 : f32 to vector<16xf32>
        %max3A_627 = arith.maximumf %add3A_624, %max3A_626 : vector<16xf32>
        %bitcast3A_628 = vector.bitcast %max3A_627 : vector<16xf32> to vector<16xi32>
        %add3A_629 = arith.constant 32767 : i32
        %add3A_630 = vector.broadcast %add3A_629 : i32 to vector<16xi32>
        %add3A_631 = arith.addi %bitcast3A_628, %add3A_630 : vector<16xi32>
        %shift_right_logical3A_632 = arith.constant 16 : i32
        %shift_right_logical3A_633 = vector.broadcast %shift_right_logical3A_632 : i32 to vector<16xi32>
        %shift_right_logical3A_634 = arith.shrui %bitcast3A_628, %shift_right_logical3A_633 : vector<16xi32>
        %and3A_635 = arith.constant 1 : i32
        %and3A_636 = vector.broadcast %and3A_635 : i32 to vector<16xi32>
        %and3A_637 = arith.andi %shift_right_logical3A_634, %and3A_636 : vector<16xi32>
        %add3A_638 = arith.addi %add3A_631, %and3A_637 : vector<16xi32>
        %and3A_639 = arith.constant -65536 : i32
        %and3A_640 = vector.broadcast %and3A_639 : i32 to vector<16xi32>
        %and3A_641 = arith.andi %add3A_638, %and3A_640 : vector<16xi32>
        %bitcast3A_642 = vector.bitcast %and3A_641 : vector<16xi32> to vector<16xf32>
        %mul3A_643 = vector.broadcast %squeeze3A_84 : f32 to vector<16xf32>
        %mul3A_644 = arith.mulf %bitcast3A_642, %mul3A_643 : vector<16xf32>
        %add3A_645 = arith.addf %add3A_620, %mul3A_644 : vector<16xf32>
        %get3A_646 = arith.constant 64 : index
        %get3A_647 = tpu.vector_load %arg13[%get3A_646] {strides = array<i32>} : memref<512xf32, #tpu.memory_space<vmem>>, vector<16xf32>,
        %add3A_648 = vector.broadcast %squeeze3A_22 : f32 to vector<16xf32>
        %add3A_649 = arith.addf %get3A_647, %add3A_648 : vector<16xf32>
        %max3A_650 = arith.constant 0.000000e+00 : f32
        %max3A_651 = vector.broadcast %max3A_650 : f32 to vector<16xf32>
        %max3A_652 = arith.maximumf %add3A_649, %max3A_651 : vector<16xf32>
        %bitcast3A_653 = vector.bitcast %max3A_652 : vector<16xf32> to vector<16xi32>
        %add3A_654 = arith.constant 32767 : i32
        %add3A_655 = vector.broadcast %add3A_654 : i32 to vector<16xi32>
        %add3A_656 = arith.addi %bitcast3A_653, %add3A_655 : vector<16xi32>
        %shift_right_logical3A_657 = arith.constant 16 : i32
        %shift_right_logical3A_658 = vector.broadcast %shift_right_logical3A_657 : i32 to vector<16xi32>
        %shift_right_logical3A_659 = arith.shrui %bitcast3A_653, %shift_right_logical3A_658 : vector<16xi32>
        %and3A_660 = arith.constant 1 : i32
        %and3A_661 = vector.broadcast %and3A_660 : i32 to vector<16xi32>
        %and3A_662 = arith.andi %shift_right_logical3A_659, %and3A_661 : vector<16xi32>
        %add3A_663 = arith.addi %add3A_656, %and3A_662 : vector<16xi32>
        %and3A_664 = arith.constant -65536 : i32
        %and3A_665 = vector.broadcast %and3A_664 : i32 to vector<16xi32>
        %and3A_666 = arith.andi %add3A_663, %and3A_665 : vector<16xi32>
        %bitcast3A_667 = vector.bitcast %and3A_666 : vector<16xi32> to vector<16xf32>
        %mul3A_668 = vector.broadcast %squeeze3A_86 : f32 to vector<16xf32>
        %mul3A_669 = arith.mulf %bitcast3A_667, %mul3A_668 : vector<16xf32>
        %add3A_670 = arith.addf %add3A_645, %mul3A_669 : vector<16xf32>
        %get3A_671 = arith.constant 80 : index
        %get3A_672 = tpu.vector_load %arg13[%get3A_671] {strides = array<i32>} : memref<512xf32, #tpu.memory_space<vmem>>, vector<16xf32>,
        %add3A_673 = vector.broadcast %squeeze3A_24 : f32 to vector<16xf32>
        %add3A_674 = arith.addf %get3A_672, %add3A_673 : vector<16xf32>
        %max3A_675 = arith.constant 0.000000e+00 : f32
        %max3A_676 = vector.broadcast %max3A_675 : f32 to vector<16xf32>
        %max3A_677 = arith.maximumf %add3A_674, %max3A_676 : vector<16xf32>
        %bitcast3A_678 = vector.bitcast %max3A_677 : vector<16xf32> to vector<16xi32>
        %add3A_679 = arith.constant 32767 : i32
        %add3A_680 = vector.broadcast %add3A_679 : i32 to vector<16xi32>
        %add3A_681 = arith.addi %bitcast3A_678, %add3A_680 : vector<16xi32>
        %shift_right_logical3A_682 = arith.constant 16 : i32
        %shift_right_logical3A_683 = vector.broadcast %shift_right_logical3A_682 : i32 to vector<16xi32>
        %shift_right_logical3A_684 = arith.shrui %bitcast3A_678, %shift_right_logical3A_683 : vector<16xi32>
        %and3A_685 = arith.constant 1 : i32
        %and3A_686 = vector.broadcast %and3A_685 : i32 to vector<16xi32>
        %and3A_687 = arith.andi %shift_right_logical3A_684, %and3A_686 : vector<16xi32>
        %add3A_688 = arith.addi %add3A_681, %and3A_687 : vector<16xi32>
        %and3A_689 = arith.constant -65536 : i32
        %and3A_690 = vector.broadcast %and3A_689 : i32 to vector<16xi32>
        %and3A_691 = arith.andi %add3A_688, %and3A_690 : vector<16xi32>
        %bitcast3A_692 = vector.bitcast %and3A_691 : vector<16xi32> to vector<16xf32>
        %mul3A_693 = vector.broadcast %squeeze3A_88 : f32 to vector<16xf32>
        %mul3A_694 = arith.mulf %bitcast3A_692, %mul3A_693 : vector<16xf32>
        %add3A_695 = arith.addf %add3A_670, %mul3A_694 : vector<16xf32>
        %get3A_696 = arith.constant 96 : index
        %get3A_697 = tpu.vector_load %arg13[%get3A_696] {strides = array<i32>} : memref<512xf32, #tpu.memory_space<vmem>>, vector<16xf32>,
        %add3A_698 = vector.broadcast %squeeze3A_26 : f32 to vector<16xf32>
        %add3A_699 = arith.addf %get3A_697, %add3A_698 : vector<16xf32>
        %max3A_700 = arith.constant 0.000000e+00 : f32
        %max3A_701 = vector.broadcast %max3A_700 : f32 to vector<16xf32>
        %max3A_702 = arith.maximumf %add3A_699, %max3A_701 : vector<16xf32>
        %bitcast3A_703 = vector.bitcast %max3A_702 : vector<16xf32> to vector<16xi32>
        %add3A_704 = arith.constant 32767 : i32
        %add3A_705 = vector.broadcast %add3A_704 : i32 to vector<16xi32>
        %add3A_706 = arith.addi %bitcast3A_703, %add3A_705 : vector<16xi32>
        %shift_right_logical3A_707 = arith.constant 16 : i32
        %shift_right_logical3A_708 = vector.broadcast %shift_right_logical3A_707 : i32 to vector<16xi32>
        %shift_right_logical3A_709 = arith.shrui %bitcast3A_703, %shift_right_logical3A_708 : vector<16xi32>
        %and3A_710 = arith.constant 1 : i32
        %and3A_711 = vector.broadcast %and3A_710 : i32 to vector<16xi32>
        %and3A_712 = arith.andi %shift_right_logical3A_709, %and3A_711 : vector<16xi32>
        %add3A_713 = arith.addi %add3A_706, %and3A_712 : vector<16xi32>
        %and3A_714 = arith.constant -65536 : i32
        %and3A_715 = vector.broadcast %and3A_714 : i32 to vector<16xi32>
        %and3A_716 = arith.andi %add3A_713, %and3A_715 : vector<16xi32>
        %bitcast3A_717 = vector.bitcast %and3A_716 : vector<16xi32> to vector<16xf32>
        %mul3A_718 = vector.broadcast %squeeze3A_90 : f32 to vector<16xf32>
        %mul3A_719 = arith.mulf %bitcast3A_717, %mul3A_718 : vector<16xf32>
        %add3A_720 = arith.addf %add3A_695, %mul3A_719 : vector<16xf32>
        %get3A_721 = arith.constant 112 : index
        %get3A_722 = tpu.vector_load %arg13[%get3A_721] {strides = array<i32>} : memref<512xf32, #tpu.memory_space<vmem>>, vector<16xf32>,
        %add3A_723 = vector.broadcast %squeeze3A_28 : f32 to vector<16xf32>
        %add3A_724 = arith.addf %get3A_722, %add3A_723 : vector<16xf32>
        %max3A_725 = arith.constant 0.000000e+00 : f32
        %max3A_726 = vector.broadcast %max3A_725 : f32 to vector<16xf32>
        %max3A_727 = arith.maximumf %add3A_724, %max3A_726 : vector<16xf32>
        %bitcast3A_728 = vector.bitcast %max3A_727 : vector<16xf32> to vector<16xi32>
        %add3A_729 = arith.constant 32767 : i32
        %add3A_730 = vector.broadcast %add3A_729 : i32 to vector<16xi32>
        %add3A_731 = arith.addi %bitcast3A_728, %add3A_730 : vector<16xi32>
        %shift_right_logical3A_732 = arith.constant 16 : i32
        %shift_right_logical3A_733 = vector.broadcast %shift_right_logical3A_732 : i32 to vector<16xi32>
        %shift_right_logical3A_734 = arith.shrui %bitcast3A_728, %shift_right_logical3A_733 : vector<16xi32>
        %and3A_735 = arith.constant 1 : i32
        %and3A_736 = vector.broadcast %and3A_735 : i32 to vector<16xi32>
        %and3A_737 = arith.andi %shift_right_logical3A_734, %and3A_736 : vector<16xi32>
        %add3A_738 = arith.addi %add3A_731, %and3A_737 : vector<16xi32>
        %and3A_739 = arith.constant -65536 : i32
        %and3A_740 = vector.broadcast %and3A_739 : i32 to vector<16xi32>
        %and3A_741 = arith.andi %add3A_738, %and3A_740 : vector<16xi32>
        %bitcast3A_742 = vector.bitcast %and3A_741 : vector<16xi32> to vector<16xf32>
        %mul3A_743 = vector.broadcast %squeeze3A_92 : f32 to vector<16xf32>
        %mul3A_744 = arith.mulf %bitcast3A_742, %mul3A_743 : vector<16xf32>
        %add3A_745 = arith.addf %add3A_720, %mul3A_744 : vector<16xf32>
        %get3A_746 = arith.constant 128 : index
        %get3A_747 = tpu.vector_load %arg13[%get3A_746] {strides = array<i32>} : memref<512xf32, #tpu.memory_space<vmem>>, vector<16xf32>,
        %add3A_748 = vector.broadcast %squeeze3A_30 : f32 to vector<16xf32>
        %add3A_749 = arith.addf %get3A_747, %add3A_748 : vector<16xf32>
        %max3A_750 = arith.constant 0.000000e+00 : f32
        %max3A_751 = vector.broadcast %max3A_750 : f32 to vector<16xf32>
        %max3A_752 = arith.maximumf %add3A_749, %max3A_751 : vector<16xf32>
        %bitcast3A_753 = vector.bitcast %max3A_752 : vector<16xf32> to vector<16xi32>
        %add3A_754 = arith.constant 32767 : i32
        %add3A_755 = vector.broadcast %add3A_754 : i32 to vector<16xi32>
        %add3A_756 = arith.addi %bitcast3A_753, %add3A_755 : vector<16xi32>
        %shift_right_logical3A_757 = arith.constant 16 : i32
        %shift_right_logical3A_758 = vector.broadcast %shift_right_logical3A_757 : i32 to vector<16xi32>
        %shift_right_logical3A_759 = arith.shrui %bitcast3A_753, %shift_right_logical3A_758 : vector<16xi32>
        %and3A_760 = arith.constant 1 : i32
        %and3A_761 = vector.broadcast %and3A_760 : i32 to vector<16xi32>
        %and3A_762 = arith.andi %shift_right_logical3A_759, %and3A_761 : vector<16xi32>
        %add3A_763 = arith.addi %add3A_756, %and3A_762 : vector<16xi32>
        %and3A_764 = arith.constant -65536 : i32
        %and3A_765 = vector.broadcast %and3A_764 : i32 to vector<16xi32>
        %and3A_766 = arith.andi %add3A_763, %and3A_765 : vector<16xi32>
        %bitcast3A_767 = vector.bitcast %and3A_766 : vector<16xi32> to vector<16xf32>
        %mul3A_768 = vector.broadcast %squeeze3A_94 : f32 to vector<16xf32>
        %mul3A_769 = arith.mulf %bitcast3A_767, %mul3A_768 : vector<16xf32>
        %add3A_770 = arith.addf %add3A_745, %mul3A_769 : vector<16xf32>
        %get3A_771 = arith.constant 144 : index
        %get3A_772 = tpu.vector_load %arg13[%get3A_771] {strides = array<i32>} : memref<512xf32, #tpu.memory_space<vmem>>, vector<16xf32>,
        %add3A_773 = vector.broadcast %squeeze3A_32 : f32 to vector<16xf32>
        %add3A_774 = arith.addf %get3A_772, %add3A_773 : vector<16xf32>
        %max3A_775 = arith.constant 0.000000e+00 : f32
        %max3A_776 = vector.broadcast %max3A_775 : f32 to vector<16xf32>
        %max3A_777 = arith.maximumf %add3A_774, %max3A_776 : vector<16xf32>
        %bitcast3A_778 = vector.bitcast %max3A_777 : vector<16xf32> to vector<16xi32>
        %add3A_779 = arith.constant 32767 : i32
        %add3A_780 = vector.broadcast %add3A_779 : i32 to vector<16xi32>
        %add3A_781 = arith.addi %bitcast3A_778, %add3A_780 : vector<16xi32>
        %shift_right_logical3A_782 = arith.constant 16 : i32
        %shift_right_logical3A_783 = vector.broadcast %shift_right_logical3A_782 : i32 to vector<16xi32>
        %shift_right_logical3A_784 = arith.shrui %bitcast3A_778, %shift_right_logical3A_783 : vector<16xi32>
        %and3A_785 = arith.constant 1 : i32
        %and3A_786 = vector.broadcast %and3A_785 : i32 to vector<16xi32>
        %and3A_787 = arith.andi %shift_right_logical3A_784, %and3A_786 : vector<16xi32>
        %add3A_788 = arith.addi %add3A_781, %and3A_787 : vector<16xi32>
        %and3A_789 = arith.constant -65536 : i32
        %and3A_790 = vector.broadcast %and3A_789 : i32 to vector<16xi32>
        %and3A_791 = arith.andi %add3A_788, %and3A_790 : vector<16xi32>
        %bitcast3A_792 = vector.bitcast %and3A_791 : vector<16xi32> to vector<16xf32>
        %mul3A_793 = vector.broadcast %squeeze3A_96 : f32 to vector<16xf32>
        %mul3A_794 = arith.mulf %bitcast3A_792, %mul3A_793 : vector<16xf32>
        %add3A_795 = arith.addf %add3A_770, %mul3A_794 : vector<16xf32>
        %get3A_796 = arith.constant 160 : index
        %get3A_797 = tpu.vector_load %arg13[%get3A_796] {strides = array<i32>} : memref<512xf32, #tpu.memory_space<vmem>>, vector<16xf32>,
        %add3A_798 = vector.broadcast %squeeze3A_34 : f32 to vector<16xf32>
        %add3A_799 = arith.addf %get3A_797, %add3A_798 : vector<16xf32>
        %max3A_800 = arith.constant 0.000000e+00 : f32
        %max3A_801 = vector.broadcast %max3A_800 : f32 to vector<16xf32>
        %max3A_802 = arith.maximumf %add3A_799, %max3A_801 : vector<16xf32>
        %bitcast3A_803 = vector.bitcast %max3A_802 : vector<16xf32> to vector<16xi32>
        %add3A_804 = arith.constant 32767 : i32
        %add3A_805 = vector.broadcast %add3A_804 : i32 to vector<16xi32>
        %add3A_806 = arith.addi %bitcast3A_803, %add3A_805 : vector<16xi32>
        %shift_right_logical3A_807 = arith.constant 16 : i32
        %shift_right_logical3A_808 = vector.broadcast %shift_right_logical3A_807 : i32 to vector<16xi32>
        %shift_right_logical3A_809 = arith.shrui %bitcast3A_803, %shift_right_logical3A_808 : vector<16xi32>
        %and3A_810 = arith.constant 1 : i32
        %and3A_811 = vector.broadcast %and3A_810 : i32 to vector<16xi32>
        %and3A_812 = arith.andi %shift_right_logical3A_809, %and3A_811 : vector<16xi32>
        %add3A_813 = arith.addi %add3A_806, %and3A_812 : vector<16xi32>
        %and3A_814 = arith.constant -65536 : i32
        %and3A_815 = vector.broadcast %and3A_814 : i32 to vector<16xi32>
        %and3A_816 = arith.andi %add3A_813, %and3A_815 : vector<16xi32>
        %bitcast3A_817 = vector.bitcast %and3A_816 : vector<16xi32> to vector<16xf32>
        %mul3A_818 = vector.broadcast %squeeze3A_98 : f32 to vector<16xf32>
        %mul3A_819 = arith.mulf %bitcast3A_817, %mul3A_818 : vector<16xf32>
        %add3A_820 = arith.addf %add3A_795, %mul3A_819 : vector<16xf32>
        %get3A_821 = arith.constant 176 : index
        %get3A_822 = tpu.vector_load %arg13[%get3A_821] {strides = array<i32>} : memref<512xf32, #tpu.memory_space<vmem>>, vector<16xf32>,
        %add3A_823 = vector.broadcast %squeeze3A_36 : f32 to vector<16xf32>
        %add3A_824 = arith.addf %get3A_822, %add3A_823 : vector<16xf32>
        %max3A_825 = arith.constant 0.000000e+00 : f32
        %max3A_826 = vector.broadcast %max3A_825 : f32 to vector<16xf32>
        %max3A_827 = arith.maximumf %add3A_824, %max3A_826 : vector<16xf32>
        %bitcast3A_828 = vector.bitcast %max3A_827 : vector<16xf32> to vector<16xi32>
        %add3A_829 = arith.constant 32767 : i32
        %add3A_830 = vector.broadcast %add3A_829 : i32 to vector<16xi32>
        %add3A_831 = arith.addi %bitcast3A_828, %add3A_830 : vector<16xi32>
        %shift_right_logical3A_832 = arith.constant 16 : i32
        %shift_right_logical3A_833 = vector.broadcast %shift_right_logical3A_832 : i32 to vector<16xi32>
        %shift_right_logical3A_834 = arith.shrui %bitcast3A_828, %shift_right_logical3A_833 : vector<16xi32>
        %and3A_835 = arith.constant 1 : i32
        %and3A_836 = vector.broadcast %and3A_835 : i32 to vector<16xi32>
        %and3A_837 = arith.andi %shift_right_logical3A_834, %and3A_836 : vector<16xi32>
        %add3A_838 = arith.addi %add3A_831, %and3A_837 : vector<16xi32>
        %and3A_839 = arith.constant -65536 : i32
        %and3A_840 = vector.broadcast %and3A_839 : i32 to vector<16xi32>
        %and3A_841 = arith.andi %add3A_838, %and3A_840 : vector<16xi32>
        %bitcast3A_842 = vector.bitcast %and3A_841 : vector<16xi32> to vector<16xf32>
        %mul3A_843 = vector.broadcast %squeeze3A_100 : f32 to vector<16xf32>
        %mul3A_844 = arith.mulf %bitcast3A_842, %mul3A_843 : vector<16xf32>
        %add3A_845 = arith.addf %add3A_820, %mul3A_844 : vector<16xf32>
        %get3A_846 = arith.constant 192 : index
        %get3A_847 = tpu.vector_load %arg13[%get3A_846] {strides = array<i32>} : memref<512xf32, #tpu.memory_space<vmem>>, vector<16xf32>,
        %add3A_848 = vector.broadcast %squeeze3A_38 : f32 to vector<16xf32>
        %add3A_849 = arith.addf %get3A_847, %add3A_848 : vector<16xf32>
        %max3A_850 = arith.constant 0.000000e+00 : f32
        %max3A_851 = vector.broadcast %max3A_850 : f32 to vector<16xf32>
        %max3A_852 = arith.maximumf %add3A_849, %max3A_851 : vector<16xf32>
        %bitcast3A_853 = vector.bitcast %max3A_852 : vector<16xf32> to vector<16xi32>
        %add3A_854 = arith.constant 32767 : i32
        %add3A_855 = vector.broadcast %add3A_854 : i32 to vector<16xi32>
        %add3A_856 = arith.addi %bitcast3A_853, %add3A_855 : vector<16xi32>
        %shift_right_logical3A_857 = arith.constant 16 : i32
        %shift_right_logical3A_858 = vector.broadcast %shift_right_logical3A_857 : i32 to vector<16xi32>
        %shift_right_logical3A_859 = arith.shrui %bitcast3A_853, %shift_right_logical3A_858 : vector<16xi32>
        %and3A_860 = arith.constant 1 : i32
        %and3A_861 = vector.broadcast %and3A_860 : i32 to vector<16xi32>
        %and3A_862 = arith.andi %shift_right_logical3A_859, %and3A_861 : vector<16xi32>
        %add3A_863 = arith.addi %add3A_856, %and3A_862 : vector<16xi32>
        %and3A_864 = arith.constant -65536 : i32
        %and3A_865 = vector.broadcast %and3A_864 : i32 to vector<16xi32>
        %and3A_866 = arith.andi %add3A_863, %and3A_865 : vector<16xi32>
        %bitcast3A_867 = vector.bitcast %and3A_866 : vector<16xi32> to vector<16xf32>
        %mul3A_868 = vector.broadcast %squeeze3A_102 : f32 to vector<16xf32>
        %mul3A_869 = arith.mulf %bitcast3A_867, %mul3A_868 : vector<16xf32>
        %add3A_870 = arith.addf %add3A_845, %mul3A_869 : vector<16xf32>
        %get3A_871 = arith.constant 208 : index
        %get3A_872 = tpu.vector_load %arg13[%get3A_871] {strides = array<i32>} : memref<512xf32, #tpu.memory_space<vmem>>, vector<16xf32>,
        %add3A_873 = vector.broadcast %squeeze3A_40 : f32 to vector<16xf32>
        %add3A_874 = arith.addf %get3A_872, %add3A_873 : vector<16xf32>
        %max3A_875 = arith.constant 0.000000e+00 : f32
        %max3A_876 = vector.broadcast %max3A_875 : f32 to vector<16xf32>
        %max3A_877 = arith.maximumf %add3A_874, %max3A_876 : vector<16xf32>
        %bitcast3A_878 = vector.bitcast %max3A_877 : vector<16xf32> to vector<16xi32>
        %add3A_879 = arith.constant 32767 : i32
        %add3A_880 = vector.broadcast %add3A_879 : i32 to vector<16xi32>
        %add3A_881 = arith.addi %bitcast3A_878, %add3A_880 : vector<16xi32>
        %shift_right_logical3A_882 = arith.constant 16 : i32
        %shift_right_logical3A_883 = vector.broadcast %shift_right_logical3A_882 : i32 to vector<16xi32>
        %shift_right_logical3A_884 = arith.shrui %bitcast3A_878, %shift_right_logical3A_883 : vector<16xi32>
        %and3A_885 = arith.constant 1 : i32
        %and3A_886 = vector.broadcast %and3A_885 : i32 to vector<16xi32>
        %and3A_887 = arith.andi %shift_right_logical3A_884, %and3A_886 : vector<16xi32>
        %add3A_888 = arith.addi %add3A_881, %and3A_887 : vector<16xi32>
        %and3A_889 = arith.constant -65536 : i32
        %and3A_890 = vector.broadcast %and3A_889 : i32 to vector<16xi32>
        %and3A_891 = arith.andi %add3A_888, %and3A_890 : vector<16xi32>
        %bitcast3A_892 = vector.bitcast %and3A_891 : vector<16xi32> to vector<16xf32>
        %mul3A_893 = vector.broadcast %squeeze3A_104 : f32 to vector<16xf32>
        %mul3A_894 = arith.mulf %bitcast3A_892, %mul3A_893 : vector<16xf32>
        %add3A_895 = arith.addf %add3A_870, %mul3A_894 : vector<16xf32>
        %get3A_896 = arith.constant 224 : index
        %get3A_897 = tpu.vector_load %arg13[%get3A_896] {strides = array<i32>} : memref<512xf32, #tpu.memory_space<vmem>>, vector<16xf32>,
        %add3A_898 = vector.broadcast %squeeze3A_42 : f32 to vector<16xf32>
        %add3A_899 = arith.addf %get3A_897, %add3A_898 : vector<16xf32>
        %max3A_900 = arith.constant 0.000000e+00 : f32
        %max3A_901 = vector.broadcast %max3A_900 : f32 to vector<16xf32>
        %max3A_902 = arith.maximumf %add3A_899, %max3A_901 : vector<16xf32>
        %bitcast3A_903 = vector.bitcast %max3A_902 : vector<16xf32> to vector<16xi32>
        %add3A_904 = arith.constant 32767 : i32
        %add3A_905 = vector.broadcast %add3A_904 : i32 to vector<16xi32>
        %add3A_906 = arith.addi %bitcast3A_903, %add3A_905 : vector<16xi32>
        %shift_right_logical3A_907 = arith.constant 16 : i32
        %shift_right_logical3A_908 = vector.broadcast %shift_right_logical3A_907 : i32 to vector<16xi32>
        %shift_right_logical3A_909 = arith.shrui %bitcast3A_903, %shift_right_logical3A_908 : vector<16xi32>
        %and3A_910 = arith.constant 1 : i32
        %and3A_911 = vector.broadcast %and3A_910 : i32 to vector<16xi32>
        %and3A_912 = arith.andi %shift_right_logical3A_909, %and3A_911 : vector<16xi32>
        %add3A_913 = arith.addi %add3A_906, %and3A_912 : vector<16xi32>
        %and3A_914 = arith.constant -65536 : i32
        %and3A_915 = vector.broadcast %and3A_914 : i32 to vector<16xi32>
        %and3A_916 = arith.andi %add3A_913, %and3A_915 : vector<16xi32>
        %bitcast3A_917 = vector.bitcast %and3A_916 : vector<16xi32> to vector<16xf32>
        %mul3A_918 = vector.broadcast %squeeze3A_106 : f32 to vector<16xf32>
        %mul3A_919 = arith.mulf %bitcast3A_917, %mul3A_918 : vector<16xf32>
        %add3A_920 = arith.addf %add3A_895, %mul3A_919 : vector<16xf32>
        %get3A_921 = arith.constant 240 : index
        %get3A_922 = tpu.vector_load %arg13[%get3A_921] {strides = array<i32>} : memref<512xf32, #tpu.memory_space<vmem>>, vector<16xf32>,
        %add3A_923 = vector.broadcast %squeeze3A_44 : f32 to vector<16xf32>
        %add3A_924 = arith.addf %get3A_922, %add3A_923 : vector<16xf32>
        %max3A_925 = arith.constant 0.000000e+00 : f32
        %max3A_926 = vector.broadcast %max3A_925 : f32 to vector<16xf32>
        %max3A_927 = arith.maximumf %add3A_924, %max3A_926 : vector<16xf32>
        %bitcast3A_928 = vector.bitcast %max3A_927 : vector<16xf32> to vector<16xi32>
        %add3A_929 = arith.constant 32767 : i32
        %add3A_930 = vector.broadcast %add3A_929 : i32 to vector<16xi32>
        %add3A_931 = arith.addi %bitcast3A_928, %add3A_930 : vector<16xi32>
        %shift_right_logical3A_932 = arith.constant 16 : i32
        %shift_right_logical3A_933 = vector.broadcast %shift_right_logical3A_932 : i32 to vector<16xi32>
        %shift_right_logical3A_934 = arith.shrui %bitcast3A_928, %shift_right_logical3A_933 : vector<16xi32>
        %and3A_935 = arith.constant 1 : i32
        %and3A_936 = vector.broadcast %and3A_935 : i32 to vector<16xi32>
        %and3A_937 = arith.andi %shift_right_logical3A_934, %and3A_936 : vector<16xi32>
        %add3A_938 = arith.addi %add3A_931, %and3A_937 : vector<16xi32>
        %and3A_939 = arith.constant -65536 : i32
        %and3A_940 = vector.broadcast %and3A_939 : i32 to vector<16xi32>
        %and3A_941 = arith.andi %add3A_938, %and3A_940 : vector<16xi32>
        %bitcast3A_942 = vector.bitcast %and3A_941 : vector<16xi32> to vector<16xf32>
        %mul3A_943 = vector.broadcast %squeeze3A_108 : f32 to vector<16xf32>
        %mul3A_944 = arith.mulf %bitcast3A_942, %mul3A_943 : vector<16xf32>
        %add3A_945 = arith.addf %add3A_920, %mul3A_944 : vector<16xf32>
        %get3A_946 = arith.constant 256 : index
        %get3A_947 = tpu.vector_load %arg13[%get3A_946] {strides = array<i32>} : memref<512xf32, #tpu.memory_space<vmem>>, vector<16xf32>,
        %add3A_948 = vector.broadcast %squeeze3A_46 : f32 to vector<16xf32>
        %add3A_949 = arith.addf %get3A_947, %add3A_948 : vector<16xf32>
        %max3A_950 = arith.constant 0.000000e+00 : f32
        %max3A_951 = vector.broadcast %max3A_950 : f32 to vector<16xf32>
        %max3A_952 = arith.maximumf %add3A_949, %max3A_951 : vector<16xf32>
        %bitcast3A_953 = vector.bitcast %max3A_952 : vector<16xf32> to vector<16xi32>
        %add3A_954 = arith.constant 32767 : i32
        %add3A_955 = vector.broadcast %add3A_954 : i32 to vector<16xi32>
        %add3A_956 = arith.addi %bitcast3A_953, %add3A_955 : vector<16xi32>
        %shift_right_logical3A_957 = arith.constant 16 : i32
        %shift_right_logical3A_958 = vector.broadcast %shift_right_logical3A_957 : i32 to vector<16xi32>
        %shift_right_logical3A_959 = arith.shrui %bitcast3A_953, %shift_right_logical3A_958 : vector<16xi32>
        %and3A_960 = arith.constant 1 : i32
        %and3A_961 = vector.broadcast %and3A_960 : i32 to vector<16xi32>
        %and3A_962 = arith.andi %shift_right_logical3A_959, %and3A_961 : vector<16xi32>
        %add3A_963 = arith.addi %add3A_956, %and3A_962 : vector<16xi32>
        %and3A_964 = arith.constant -65536 : i32
        %and3A_965 = vector.broadcast %and3A_964 : i32 to vector<16xi32>
        %and3A_966 = arith.andi %add3A_963, %and3A_965 : vector<16xi32>
        %bitcast3A_967 = vector.bitcast %and3A_966 : vector<16xi32> to vector<16xf32>
        %mul3A_968 = vector.broadcast %squeeze3A_110 : f32 to vector<16xf32>
        %mul3A_969 = arith.mulf %bitcast3A_967, %mul3A_968 : vector<16xf32>
        %add3A_970 = arith.addf %add3A_945, %mul3A_969 : vector<16xf32>
        %get3A_971 = arith.constant 272 : index
        %get3A_972 = tpu.vector_load %arg13[%get3A_971] {strides = array<i32>} : memref<512xf32, #tpu.memory_space<vmem>>, vector<16xf32>,
        %add3A_973 = vector.broadcast %squeeze3A_48 : f32 to vector<16xf32>
        %add3A_974 = arith.addf %get3A_972, %add3A_973 : vector<16xf32>
        %max3A_975 = arith.constant 0.000000e+00 : f32
        %max3A_976 = vector.broadcast %max3A_975 : f32 to vector<16xf32>
        %max3A_977 = arith.maximumf %add3A_974, %max3A_976 : vector<16xf32>
        %bitcast3A_978 = vector.bitcast %max3A_977 : vector<16xf32> to vector<16xi32>
        %add3A_979 = arith.constant 32767 : i32
        %add3A_980 = vector.broadcast %add3A_979 : i32 to vector<16xi32>
        %add3A_981 = arith.addi %bitcast3A_978, %add3A_980 : vector<16xi32>
        %shift_right_logical3A_982 = arith.constant 16 : i32
        %shift_right_logical3A_983 = vector.broadcast %shift_right_logical3A_982 : i32 to vector<16xi32>
        %shift_right_logical3A_984 = arith.shrui %bitcast3A_978, %shift_right_logical3A_983 : vector<16xi32>
        %and3A_985 = arith.constant 1 : i32
        %and3A_986 = vector.broadcast %and3A_985 : i32 to vector<16xi32>
        %and3A_987 = arith.andi %shift_right_logical3A_984, %and3A_986 : vector<16xi32>
        %add3A_988 = arith.addi %add3A_981, %and3A_987 : vector<16xi32>
        %and3A_989 = arith.constant -65536 : i32
        %and3A_990 = vector.broadcast %and3A_989 : i32 to vector<16xi32>
        %and3A_991 = arith.andi %add3A_988, %and3A_990 : vector<16xi32>
        %bitcast3A_992 = vector.bitcast %and3A_991 : vector<16xi32> to vector<16xf32>
        %mul3A_993 = vector.broadcast %squeeze3A_112 : f32 to vector<16xf32>
        %mul3A_994 = arith.mulf %bitcast3A_992, %mul3A_993 : vector<16xf32>
        %add3A_995 = arith.addf %add3A_970, %mul3A_994 : vector<16xf32>
        %get3A_996 = arith.constant 288 : index
        %get3A_997 = tpu.vector_load %arg13[%get3A_996] {strides = array<i32>} : memref<512xf32, #tpu.memory_space<vmem>>, vector<16xf32>,
        %add3A_998 = vector.broadcast %squeeze3A_50 : f32 to vector<16xf32>
        %add3A_999 = arith.addf %get3A_997, %add3A_998 : vector<16xf32>
        %max3A_1000 = arith.constant 0.000000e+00 : f32
        %max3A_1001 = vector.broadcast %max3A_1000 : f32 to vector<16xf32>
        %max3A_1002 = arith.maximumf %add3A_999, %max3A_1001 : vector<16xf32>
        %bitcast3A_1003 = vector.bitcast %max3A_1002 : vector<16xf32> to vector<16xi32>
        %add3A_1004 = arith.constant 32767 : i32
        %add3A_1005 = vector.broadcast %add3A_1004 : i32 to vector<16xi32>
        %add3A_1006 = arith.addi %bitcast3A_1003, %add3A_1005 : vector<16xi32>
        %shift_right_logical3A_1007 = arith.constant 16 : i32
        %shift_right_logical3A_1008 = vector.broadcast %shift_right_logical3A_1007 : i32 to vector<16xi32>
        %shift_right_logical3A_1009 = arith.shrui %bitcast3A_1003, %shift_right_logical3A_1008 : vector<16xi32>
        %and3A_1010 = arith.constant 1 : i32
        %and3A_1011 = vector.broadcast %and3A_1010 : i32 to vector<16xi32>
        %and3A_1012 = arith.andi %shift_right_logical3A_1009, %and3A_1011 : vector<16xi32>
        %add3A_1013 = arith.addi %add3A_1006, %and3A_1012 : vector<16xi32>
        %and3A_1014 = arith.constant -65536 : i32
        %and3A_1015 = vector.broadcast %and3A_1014 : i32 to vector<16xi32>
        %and3A_1016 = arith.andi %add3A_1013, %and3A_1015 : vector<16xi32>
        %bitcast3A_1017 = vector.bitcast %and3A_1016 : vector<16xi32> to vector<16xf32>
        %mul3A_1018 = vector.broadcast %squeeze3A_114 : f32 to vector<16xf32>
        %mul3A_1019 = arith.mulf %bitcast3A_1017, %mul3A_1018 : vector<16xf32>
        %add3A_1020 = arith.addf %add3A_995, %mul3A_1019 : vector<16xf32>
        %get3A_1021 = arith.constant 304 : index
        %get3A_1022 = tpu.vector_load %arg13[%get3A_1021] {strides = array<i32>} : memref<512xf32, #tpu.memory_space<vmem>>, vector<16xf32>,
        %add3A_1023 = vector.broadcast %squeeze3A_52 : f32 to vector<16xf32>
        %add3A_1024 = arith.addf %get3A_1022, %add3A_1023 : vector<16xf32>
        %max3A_1025 = arith.constant 0.000000e+00 : f32
        %max3A_1026 = vector.broadcast %max3A_1025 : f32 to vector<16xf32>
        %max3A_1027 = arith.maximumf %add3A_1024, %max3A_1026 : vector<16xf32>
        %bitcast3A_1028 = vector.bitcast %max3A_1027 : vector<16xf32> to vector<16xi32>
        %add3A_1029 = arith.constant 32767 : i32
        %add3A_1030 = vector.broadcast %add3A_1029 : i32 to vector<16xi32>
        %add3A_1031 = arith.addi %bitcast3A_1028, %add3A_1030 : vector<16xi32>
        %shift_right_logical3A_1032 = arith.constant 16 : i32
        %shift_right_logical3A_1033 = vector.broadcast %shift_right_logical3A_1032 : i32 to vector<16xi32>
        %shift_right_logical3A_1034 = arith.shrui %bitcast3A_1028, %shift_right_logical3A_1033 : vector<16xi32>
        %and3A_1035 = arith.constant 1 : i32
        %and3A_1036 = vector.broadcast %and3A_1035 : i32 to vector<16xi32>
        %and3A_1037 = arith.andi %shift_right_logical3A_1034, %and3A_1036 : vector<16xi32>
        %add3A_1038 = arith.addi %add3A_1031, %and3A_1037 : vector<16xi32>
        %and3A_1039 = arith.constant -65536 : i32
        %and3A_1040 = vector.broadcast %and3A_1039 : i32 to vector<16xi32>
        %and3A_1041 = arith.andi %add3A_1038, %and3A_1040 : vector<16xi32>
        %bitcast3A_1042 = vector.bitcast %and3A_1041 : vector<16xi32> to vector<16xf32>
        %mul3A_1043 = vector.broadcast %squeeze3A_116 : f32 to vector<16xf32>
        %mul3A_1044 = arith.mulf %bitcast3A_1042, %mul3A_1043 : vector<16xf32>
        %add3A_1045 = arith.addf %add3A_1020, %mul3A_1044 : vector<16xf32>
        %get3A_1046 = arith.constant 320 : index
        %get3A_1047 = tpu.vector_load %arg13[%get3A_1046] {strides = array<i32>} : memref<512xf32, #tpu.memory_space<vmem>>, vector<16xf32>,
        %add3A_1048 = vector.broadcast %squeeze3A_54 : f32 to vector<16xf32>
        %add3A_1049 = arith.addf %get3A_1047, %add3A_1048 : vector<16xf32>
        %max3A_1050 = arith.constant 0.000000e+00 : f32
        %max3A_1051 = vector.broadcast %max3A_1050 : f32 to vector<16xf32>
        %max3A_1052 = arith.maximumf %add3A_1049, %max3A_1051 : vector<16xf32>
        %bitcast3A_1053 = vector.bitcast %max3A_1052 : vector<16xf32> to vector<16xi32>
        %add3A_1054 = arith.constant 32767 : i32
        %add3A_1055 = vector.broadcast %add3A_1054 : i32 to vector<16xi32>
        %add3A_1056 = arith.addi %bitcast3A_1053, %add3A_1055 : vector<16xi32>
        %shift_right_logical3A_1057 = arith.constant 16 : i32
        %shift_right_logical3A_1058 = vector.broadcast %shift_right_logical3A_1057 : i32 to vector<16xi32>
        %shift_right_logical3A_1059 = arith.shrui %bitcast3A_1053, %shift_right_logical3A_1058 : vector<16xi32>
        %and3A_1060 = arith.constant 1 : i32
        %and3A_1061 = vector.broadcast %and3A_1060 : i32 to vector<16xi32>
        %and3A_1062 = arith.andi %shift_right_logical3A_1059, %and3A_1061 : vector<16xi32>
        %add3A_1063 = arith.addi %add3A_1056, %and3A_1062 : vector<16xi32>
        %and3A_1064 = arith.constant -65536 : i32
        %and3A_1065 = vector.broadcast %and3A_1064 : i32 to vector<16xi32>
        %and3A_1066 = arith.andi %add3A_1063, %and3A_1065 : vector<16xi32>
        %bitcast3A_1067 = vector.bitcast %and3A_1066 : vector<16xi32> to vector<16xf32>
        %mul3A_1068 = vector.broadcast %squeeze3A_118 : f32 to vector<16xf32>
        %mul3A_1069 = arith.mulf %bitcast3A_1067, %mul3A_1068 : vector<16xf32>
        %add3A_1070 = arith.addf %add3A_1045, %mul3A_1069 : vector<16xf32>
        %get3A_1071 = arith.constant 336 : index
        %get3A_1072 = tpu.vector_load %arg13[%get3A_1071] {strides = array<i32>} : memref<512xf32, #tpu.memory_space<vmem>>, vector<16xf32>,
        %add3A_1073 = vector.broadcast %squeeze3A_56 : f32 to vector<16xf32>
        %add3A_1074 = arith.addf %get3A_1072, %add3A_1073 : vector<16xf32>
        %max3A_1075 = arith.constant 0.000000e+00 : f32
        %max3A_1076 = vector.broadcast %max3A_1075 : f32 to vector<16xf32>
        %max3A_1077 = arith.maximumf %add3A_1074, %max3A_1076 : vector<16xf32>
        %bitcast3A_1078 = vector.bitcast %max3A_1077 : vector<16xf32> to vector<16xi32>
        %add3A_1079 = arith.constant 32767 : i32
        %add3A_1080 = vector.broadcast %add3A_1079 : i32 to vector<16xi32>
        %add3A_1081 = arith.addi %bitcast3A_1078, %add3A_1080 : vector<16xi32>
        %shift_right_logical3A_1082 = arith.constant 16 : i32
        %shift_right_logical3A_1083 = vector.broadcast %shift_right_logical3A_1082 : i32 to vector<16xi32>
        %shift_right_logical3A_1084 = arith.shrui %bitcast3A_1078, %shift_right_logical3A_1083 : vector<16xi32>
        %and3A_1085 = arith.constant 1 : i32
        %and3A_1086 = vector.broadcast %and3A_1085 : i32 to vector<16xi32>
        %and3A_1087 = arith.andi %shift_right_logical3A_1084, %and3A_1086 : vector<16xi32>
        %add3A_1088 = arith.addi %add3A_1081, %and3A_1087 : vector<16xi32>
        %and3A_1089 = arith.constant -65536 : i32
        %and3A_1090 = vector.broadcast %and3A_1089 : i32 to vector<16xi32>
        %and3A_1091 = arith.andi %add3A_1088, %and3A_1090 : vector<16xi32>
        %bitcast3A_1092 = vector.bitcast %and3A_1091 : vector<16xi32> to vector<16xf32>
        %mul3A_1093 = vector.broadcast %squeeze3A_120 : f32 to vector<16xf32>
        %mul3A_1094 = arith.mulf %bitcast3A_1092, %mul3A_1093 : vector<16xf32>
        %add3A_1095 = arith.addf %add3A_1070, %mul3A_1094 : vector<16xf32>
        %get3A_1096 = arith.constant 352 : index
        %get3A_1097 = tpu.vector_load %arg13[%get3A_1096] {strides = array<i32>} : memref<512xf32, #tpu.memory_space<vmem>>, vector<16xf32>,
        %add3A_1098 = vector.broadcast %squeeze3A_58 : f32 to vector<16xf32>
        %add3A_1099 = arith.addf %get3A_1097, %add3A_1098 : vector<16xf32>
        %max3A_1100 = arith.constant 0.000000e+00 : f32
        %max3A_1101 = vector.broadcast %max3A_1100 : f32 to vector<16xf32>
        %max3A_1102 = arith.maximumf %add3A_1099, %max3A_1101 : vector<16xf32>
        %bitcast3A_1103 = vector.bitcast %max3A_1102 : vector<16xf32> to vector<16xi32>
        %add3A_1104 = arith.constant 32767 : i32
        %add3A_1105 = vector.broadcast %add3A_1104 : i32 to vector<16xi32>
        %add3A_1106 = arith.addi %bitcast3A_1103, %add3A_1105 : vector<16xi32>
        %shift_right_logical3A_1107 = arith.constant 16 : i32
        %shift_right_logical3A_1108 = vector.broadcast %shift_right_logical3A_1107 : i32 to vector<16xi32>
        %shift_right_logical3A_1109 = arith.shrui %bitcast3A_1103, %shift_right_logical3A_1108 : vector<16xi32>
        %and3A_1110 = arith.constant 1 : i32
        %and3A_1111 = vector.broadcast %and3A_1110 : i32 to vector<16xi32>
        %and3A_1112 = arith.andi %shift_right_logical3A_1109, %and3A_1111 : vector<16xi32>
        %add3A_1113 = arith.addi %add3A_1106, %and3A_1112 : vector<16xi32>
        %and3A_1114 = arith.constant -65536 : i32
        %and3A_1115 = vector.broadcast %and3A_1114 : i32 to vector<16xi32>
        %and3A_1116 = arith.andi %add3A_1113, %and3A_1115 : vector<16xi32>
        %bitcast3A_1117 = vector.bitcast %and3A_1116 : vector<16xi32> to vector<16xf32>
        %mul3A_1118 = vector.broadcast %squeeze3A_122 : f32 to vector<16xf32>
        %mul3A_1119 = arith.mulf %bitcast3A_1117, %mul3A_1118 : vector<16xf32>
        %add3A_1120 = arith.addf %add3A_1095, %mul3A_1119 : vector<16xf32>
        %get3A_1121 = arith.constant 368 : index
        %get3A_1122 = tpu.vector_load %arg13[%get3A_1121] {strides = array<i32>} : memref<512xf32, #tpu.memory_space<vmem>>, vector<16xf32>,
        %add3A_1123 = vector.broadcast %squeeze3A_60 : f32 to vector<16xf32>
        %add3A_1124 = arith.addf %get3A_1122, %add3A_1123 : vector<16xf32>
        %max3A_1125 = arith.constant 0.000000e+00 : f32
        %max3A_1126 = vector.broadcast %max3A_1125 : f32 to vector<16xf32>
        %max3A_1127 = arith.maximumf %add3A_1124, %max3A_1126 : vector<16xf32>
        %bitcast3A_1128 = vector.bitcast %max3A_1127 : vector<16xf32> to vector<16xi32>
        %add3A_1129 = arith.constant 32767 : i32
        %add3A_1130 = vector.broadcast %add3A_1129 : i32 to vector<16xi32>
        %add3A_1131 = arith.addi %bitcast3A_1128, %add3A_1130 : vector<16xi32>
        %shift_right_logical3A_1132 = arith.constant 16 : i32
        %shift_right_logical3A_1133 = vector.broadcast %shift_right_logical3A_1132 : i32 to vector<16xi32>
        %shift_right_logical3A_1134 = arith.shrui %bitcast3A_1128, %shift_right_logical3A_1133 : vector<16xi32>
        %and3A_1135 = arith.constant 1 : i32
        %and3A_1136 = vector.broadcast %and3A_1135 : i32 to vector<16xi32>
        %and3A_1137 = arith.andi %shift_right_logical3A_1134, %and3A_1136 : vector<16xi32>
        %add3A_1138 = arith.addi %add3A_1131, %and3A_1137 : vector<16xi32>
        %and3A_1139 = arith.constant -65536 : i32
        %and3A_1140 = vector.broadcast %and3A_1139 : i32 to vector<16xi32>
        %and3A_1141 = arith.andi %add3A_1138, %and3A_1140 : vector<16xi32>
        %bitcast3A_1142 = vector.bitcast %and3A_1141 : vector<16xi32> to vector<16xf32>
        %mul3A_1143 = vector.broadcast %squeeze3A_124 : f32 to vector<16xf32>
        %mul3A_1144 = arith.mulf %bitcast3A_1142, %mul3A_1143 : vector<16xf32>
        %add3A_1145 = arith.addf %add3A_1120, %mul3A_1144 : vector<16xf32>
        %get3A_1146 = arith.constant 384 : index
        %get3A_1147 = tpu.vector_load %arg13[%get3A_1146] {strides = array<i32>} : memref<512xf32, #tpu.memory_space<vmem>>, vector<16xf32>,
        %add3A_1148 = vector.broadcast %squeeze3A_62 : f32 to vector<16xf32>
        %add3A_1149 = arith.addf %get3A_1147, %add3A_1148 : vector<16xf32>
        %max3A_1150 = arith.constant 0.000000e+00 : f32
        %max3A_1151 = vector.broadcast %max3A_1150 : f32 to vector<16xf32>
        %max3A_1152 = arith.maximumf %add3A_1149, %max3A_1151 : vector<16xf32>
        %bitcast3A_1153 = vector.bitcast %max3A_1152 : vector<16xf32> to vector<16xi32>
        %add3A_1154 = arith.constant 32767 : i32
        %add3A_1155 = vector.broadcast %add3A_1154 : i32 to vector<16xi32>
        %add3A_1156 = arith.addi %bitcast3A_1153, %add3A_1155 : vector<16xi32>
        %shift_right_logical3A_1157 = arith.constant 16 : i32
        %shift_right_logical3A_1158 = vector.broadcast %shift_right_logical3A_1157 : i32 to vector<16xi32>
        %shift_right_logical3A_1159 = arith.shrui %bitcast3A_1153, %shift_right_logical3A_1158 : vector<16xi32>
        %and3A_1160 = arith.constant 1 : i32
        %and3A_1161 = vector.broadcast %and3A_1160 : i32 to vector<16xi32>
        %and3A_1162 = arith.andi %shift_right_logical3A_1159, %and3A_1161 : vector<16xi32>
        %add3A_1163 = arith.addi %add3A_1156, %and3A_1162 : vector<16xi32>
        %and3A_1164 = arith.constant -65536 : i32
        %and3A_1165 = vector.broadcast %and3A_1164 : i32 to vector<16xi32>
        %and3A_1166 = arith.andi %add3A_1163, %and3A_1165 : vector<16xi32>
        %bitcast3A_1167 = vector.bitcast %and3A_1166 : vector<16xi32> to vector<16xf32>
        %mul3A_1168 = vector.broadcast %squeeze3A_126 : f32 to vector<16xf32>
        %mul3A_1169 = arith.mulf %bitcast3A_1167, %mul3A_1168 : vector<16xf32>
        %add3A_1170 = arith.addf %add3A_1145, %mul3A_1169 : vector<16xf32>
        %get3A_1171 = arith.constant 400 : index
        %get3A_1172 = tpu.vector_load %arg13[%get3A_1171] {strides = array<i32>} : memref<512xf32, #tpu.memory_space<vmem>>, vector<16xf32>,
        %add3A_1173 = vector.broadcast %squeeze3A_64 : f32 to vector<16xf32>
        %add3A_1174 = arith.addf %get3A_1172, %add3A_1173 : vector<16xf32>
        %max3A_1175 = arith.constant 0.000000e+00 : f32
        %max3A_1176 = vector.broadcast %max3A_1175 : f32 to vector<16xf32>
        %max3A_1177 = arith.maximumf %add3A_1174, %max3A_1176 : vector<16xf32>
        %bitcast3A_1178 = vector.bitcast %max3A_1177 : vector<16xf32> to vector<16xi32>
        %add3A_1179 = arith.constant 32767 : i32
        %add3A_1180 = vector.broadcast %add3A_1179 : i32 to vector<16xi32>
        %add3A_1181 = arith.addi %bitcast3A_1178, %add3A_1180 : vector<16xi32>
        %shift_right_logical3A_1182 = arith.constant 16 : i32
        %shift_right_logical3A_1183 = vector.broadcast %shift_right_logical3A_1182 : i32 to vector<16xi32>
        %shift_right_logical3A_1184 = arith.shrui %bitcast3A_1178, %shift_right_logical3A_1183 : vector<16xi32>
        %and3A_1185 = arith.constant 1 : i32
        %and3A_1186 = vector.broadcast %and3A_1185 : i32 to vector<16xi32>
        %and3A_1187 = arith.andi %shift_right_logical3A_1184, %and3A_1186 : vector<16xi32>
        %add3A_1188 = arith.addi %add3A_1181, %and3A_1187 : vector<16xi32>
        %and3A_1189 = arith.constant -65536 : i32
        %and3A_1190 = vector.broadcast %and3A_1189 : i32 to vector<16xi32>
        %and3A_1191 = arith.andi %add3A_1188, %and3A_1190 : vector<16xi32>
        %bitcast3A_1192 = vector.bitcast %and3A_1191 : vector<16xi32> to vector<16xf32>
        %mul3A_1193 = vector.broadcast %squeeze3A_128 : f32 to vector<16xf32>
        %mul3A_1194 = arith.mulf %bitcast3A_1192, %mul3A_1193 : vector<16xf32>
        %add3A_1195 = arith.addf %add3A_1170, %mul3A_1194 : vector<16xf32>
        %get3A_1196 = arith.constant 416 : index
        %get3A_1197 = tpu.vector_load %arg13[%get3A_1196] {strides = array<i32>} : memref<512xf32, #tpu.memory_space<vmem>>, vector<16xf32>,
        %add3A_1198 = vector.broadcast %squeeze3A_66 : f32 to vector<16xf32>
        %add3A_1199 = arith.addf %get3A_1197, %add3A_1198 : vector<16xf32>
        %max3A_1200 = arith.constant 0.000000e+00 : f32
        %max3A_1201 = vector.broadcast %max3A_1200 : f32 to vector<16xf32>
        %max3A_1202 = arith.maximumf %add3A_1199, %max3A_1201 : vector<16xf32>
        %bitcast3A_1203 = vector.bitcast %max3A_1202 : vector<16xf32> to vector<16xi32>
        %add3A_1204 = arith.constant 32767 : i32
        %add3A_1205 = vector.broadcast %add3A_1204 : i32 to vector<16xi32>
        %add3A_1206 = arith.addi %bitcast3A_1203, %add3A_1205 : vector<16xi32>
        %shift_right_logical3A_1207 = arith.constant 16 : i32
        %shift_right_logical3A_1208 = vector.broadcast %shift_right_logical3A_1207 : i32 to vector<16xi32>
        %shift_right_logical3A_1209 = arith.shrui %bitcast3A_1203, %shift_right_logical3A_1208 : vector<16xi32>
        %and3A_1210 = arith.constant 1 : i32
        %and3A_1211 = vector.broadcast %and3A_1210 : i32 to vector<16xi32>
        %and3A_1212 = arith.andi %shift_right_logical3A_1209, %and3A_1211 : vector<16xi32>
        %add3A_1213 = arith.addi %add3A_1206, %and3A_1212 : vector<16xi32>
        %and3A_1214 = arith.constant -65536 : i32
        %and3A_1215 = vector.broadcast %and3A_1214 : i32 to vector<16xi32>
        %and3A_1216 = arith.andi %add3A_1213, %and3A_1215 : vector<16xi32>
        %bitcast3A_1217 = vector.bitcast %and3A_1216 : vector<16xi32> to vector<16xf32>
        %mul3A_1218 = vector.broadcast %squeeze3A_130 : f32 to vector<16xf32>
        %mul3A_1219 = arith.mulf %bitcast3A_1217, %mul3A_1218 : vector<16xf32>
        %add3A_1220 = arith.addf %add3A_1195, %mul3A_1219 : vector<16xf32>
        %get3A_1221 = arith.constant 432 : index
        %get3A_1222 = tpu.vector_load %arg13[%get3A_1221] {strides = array<i32>} : memref<512xf32, #tpu.memory_space<vmem>>, vector<16xf32>,
        %add3A_1223 = vector.broadcast %squeeze3A_68 : f32 to vector<16xf32>
        %add3A_1224 = arith.addf %get3A_1222, %add3A_1223 : vector<16xf32>
        %max3A_1225 = arith.constant 0.000000e+00 : f32
        %max3A_1226 = vector.broadcast %max3A_1225 : f32 to vector<16xf32>
        %max3A_1227 = arith.maximumf %add3A_1224, %max3A_1226 : vector<16xf32>
        %bitcast3A_1228 = vector.bitcast %max3A_1227 : vector<16xf32> to vector<16xi32>
        %add3A_1229 = arith.constant 32767 : i32
        %add3A_1230 = vector.broadcast %add3A_1229 : i32 to vector<16xi32>
        %add3A_1231 = arith.addi %bitcast3A_1228, %add3A_1230 : vector<16xi32>
        %shift_right_logical3A_1232 = arith.constant 16 : i32
        %shift_right_logical3A_1233 = vector.broadcast %shift_right_logical3A_1232 : i32 to vector<16xi32>
        %shift_right_logical3A_1234 = arith.shrui %bitcast3A_1228, %shift_right_logical3A_1233 : vector<16xi32>
        %and3A_1235 = arith.constant 1 : i32
        %and3A_1236 = vector.broadcast %and3A_1235 : i32 to vector<16xi32>
        %and3A_1237 = arith.andi %shift_right_logical3A_1234, %and3A_1236 : vector<16xi32>
        %add3A_1238 = arith.addi %add3A_1231, %and3A_1237 : vector<16xi32>
        %and3A_1239 = arith.constant -65536 : i32
        %and3A_1240 = vector.broadcast %and3A_1239 : i32 to vector<16xi32>
        %and3A_1241 = arith.andi %add3A_1238, %and3A_1240 : vector<16xi32>
        %bitcast3A_1242 = vector.bitcast %and3A_1241 : vector<16xi32> to vector<16xf32>
        %mul3A_1243 = vector.broadcast %squeeze3A_132 : f32 to vector<16xf32>
        %mul3A_1244 = arith.mulf %bitcast3A_1242, %mul3A_1243 : vector<16xf32>
        %add3A_1245 = arith.addf %add3A_1220, %mul3A_1244 : vector<16xf32>
        %get3A_1246 = arith.constant 448 : index
        %get3A_1247 = tpu.vector_load %arg13[%get3A_1246] {strides = array<i32>} : memref<512xf32, #tpu.memory_space<vmem>>, vector<16xf32>,
        %add3A_1248 = vector.broadcast %squeeze3A_70 : f32 to vector<16xf32>
        %add3A_1249 = arith.addf %get3A_1247, %add3A_1248 : vector<16xf32>
        %max3A_1250 = arith.constant 0.000000e+00 : f32
        %max3A_1251 = vector.broadcast %max3A_1250 : f32 to vector<16xf32>
        %max3A_1252 = arith.maximumf %add3A_1249, %max3A_1251 : vector<16xf32>
        %bitcast3A_1253 = vector.bitcast %max3A_1252 : vector<16xf32> to vector<16xi32>
        %add3A_1254 = arith.constant 32767 : i32
        %add3A_1255 = vector.broadcast %add3A_1254 : i32 to vector<16xi32>
        %add3A_1256 = arith.addi %bitcast3A_1253, %add3A_1255 : vector<16xi32>
        %shift_right_logical3A_1257 = arith.constant 16 : i32
        %shift_right_logical3A_1258 = vector.broadcast %shift_right_logical3A_1257 : i32 to vector<16xi32>
        %shift_right_logical3A_1259 = arith.shrui %bitcast3A_1253, %shift_right_logical3A_1258 : vector<16xi32>
        %and3A_1260 = arith.constant 1 : i32
        %and3A_1261 = vector.broadcast %and3A_1260 : i32 to vector<16xi32>
        %and3A_1262 = arith.andi %shift_right_logical3A_1259, %and3A_1261 : vector<16xi32>
        %add3A_1263 = arith.addi %add3A_1256, %and3A_1262 : vector<16xi32>
        %and3A_1264 = arith.constant -65536 : i32
        %and3A_1265 = vector.broadcast %and3A_1264 : i32 to vector<16xi32>
        %and3A_1266 = arith.andi %add3A_1263, %and3A_1265 : vector<16xi32>
        %bitcast3A_1267 = vector.bitcast %and3A_1266 : vector<16xi32> to vector<16xf32>
        %mul3A_1268 = vector.broadcast %squeeze3A_134 : f32 to vector<16xf32>
        %mul3A_1269 = arith.mulf %bitcast3A_1267, %mul3A_1268 : vector<16xf32>
        %add3A_1270 = arith.addf %add3A_1245, %mul3A_1269 : vector<16xf32>
        %get3A_1271 = arith.constant 464 : index
        %get3A_1272 = tpu.vector_load %arg13[%get3A_1271] {strides = array<i32>} : memref<512xf32, #tpu.memory_space<vmem>>, vector<16xf32>,
        %add3A_1273 = vector.broadcast %squeeze3A_72 : f32 to vector<16xf32>
        %add3A_1274 = arith.addf %get3A_1272, %add3A_1273 : vector<16xf32>
        %max3A_1275 = arith.constant 0.000000e+00 : f32
        %max3A_1276 = vector.broadcast %max3A_1275 : f32 to vector<16xf32>
        %max3A_1277 = arith.maximumf %add3A_1274, %max3A_1276 : vector<16xf32>
        %bitcast3A_1278 = vector.bitcast %max3A_1277 : vector<16xf32> to vector<16xi32>
        %add3A_1279 = arith.constant 32767 : i32
        %add3A_1280 = vector.broadcast %add3A_1279 : i32 to vector<16xi32>
        %add3A_1281 = arith.addi %bitcast3A_1278, %add3A_1280 : vector<16xi32>
        %shift_right_logical3A_1282 = arith.constant 16 : i32
        %shift_right_logical3A_1283 = vector.broadcast %shift_right_logical3A_1282 : i32 to vector<16xi32>
        %shift_right_logical3A_1284 = arith.shrui %bitcast3A_1278, %shift_right_logical3A_1283 : vector<16xi32>
        %and3A_1285 = arith.constant 1 : i32
        %and3A_1286 = vector.broadcast %and3A_1285 : i32 to vector<16xi32>
        %and3A_1287 = arith.andi %shift_right_logical3A_1284, %and3A_1286 : vector<16xi32>
        %add3A_1288 = arith.addi %add3A_1281, %and3A_1287 : vector<16xi32>
        %and3A_1289 = arith.constant -65536 : i32
        %and3A_1290 = vector.broadcast %and3A_1289 : i32 to vector<16xi32>
        %and3A_1291 = arith.andi %add3A_1288, %and3A_1290 : vector<16xi32>
        %bitcast3A_1292 = vector.bitcast %and3A_1291 : vector<16xi32> to vector<16xf32>
        %mul3A_1293 = vector.broadcast %squeeze3A_136 : f32 to vector<16xf32>
        %mul3A_1294 = arith.mulf %bitcast3A_1292, %mul3A_1293 : vector<16xf32>
        %add3A_1295 = arith.addf %add3A_1270, %mul3A_1294 : vector<16xf32>
        %get3A_1296 = arith.constant 480 : index
        %get3A_1297 = tpu.vector_load %arg13[%get3A_1296] {strides = array<i32>} : memref<512xf32, #tpu.memory_space<vmem>>, vector<16xf32>,
        %add3A_1298 = vector.broadcast %squeeze3A_74 : f32 to vector<16xf32>
        %add3A_1299 = arith.addf %get3A_1297, %add3A_1298 : vector<16xf32>
        %max3A_1300 = arith.constant 0.000000e+00 : f32
        %max3A_1301 = vector.broadcast %max3A_1300 : f32 to vector<16xf32>
        %max3A_1302 = arith.maximumf %add3A_1299, %max3A_1301 : vector<16xf32>
        %bitcast3A_1303 = vector.bitcast %max3A_1302 : vector<16xf32> to vector<16xi32>
        %add3A_1304 = arith.constant 32767 : i32
        %add3A_1305 = vector.broadcast %add3A_1304 : i32 to vector<16xi32>
        %add3A_1306 = arith.addi %bitcast3A_1303, %add3A_1305 : vector<16xi32>
        %shift_right_logical3A_1307 = arith.constant 16 : i32
        %shift_right_logical3A_1308 = vector.broadcast %shift_right_logical3A_1307 : i32 to vector<16xi32>
        %shift_right_logical3A_1309 = arith.shrui %bitcast3A_1303, %shift_right_logical3A_1308 : vector<16xi32>
        %and3A_1310 = arith.constant 1 : i32
        %and3A_1311 = vector.broadcast %and3A_1310 : i32 to vector<16xi32>
        %and3A_1312 = arith.andi %shift_right_logical3A_1309, %and3A_1311 : vector<16xi32>
        %add3A_1313 = arith.addi %add3A_1306, %and3A_1312 : vector<16xi32>
        %and3A_1314 = arith.constant -65536 : i32
        %and3A_1315 = vector.broadcast %and3A_1314 : i32 to vector<16xi32>
        %and3A_1316 = arith.andi %add3A_1313, %and3A_1315 : vector<16xi32>
        %bitcast3A_1317 = vector.bitcast %and3A_1316 : vector<16xi32> to vector<16xf32>
        %mul3A_1318 = vector.broadcast %squeeze3A_138 : f32 to vector<16xf32>
        %mul3A_1319 = arith.mulf %bitcast3A_1317, %mul3A_1318 : vector<16xf32>
        %add3A_1320 = arith.addf %add3A_1295, %mul3A_1319 : vector<16xf32>
        %get3A_1321 = arith.constant 496 : index
        %get3A_1322 = tpu.vector_load %arg13[%get3A_1321] {strides = array<i32>} : memref<512xf32, #tpu.memory_space<vmem>>, vector<16xf32>,
        %add3A_1323 = vector.broadcast %squeeze3A_76 : f32 to vector<16xf32>
        %add3A_1324 = arith.addf %get3A_1322, %add3A_1323 : vector<16xf32>
        %max3A_1325 = arith.constant 0.000000e+00 : f32
        %max3A_1326 = vector.broadcast %max3A_1325 : f32 to vector<16xf32>
        %max3A_1327 = arith.maximumf %add3A_1324, %max3A_1326 : vector<16xf32>
        %bitcast3A_1328 = vector.bitcast %max3A_1327 : vector<16xf32> to vector<16xi32>
        %add3A_1329 = arith.constant 32767 : i32
        %add3A_1330 = vector.broadcast %add3A_1329 : i32 to vector<16xi32>
        %add3A_1331 = arith.addi %bitcast3A_1328, %add3A_1330 : vector<16xi32>
        %shift_right_logical3A_1332 = arith.constant 16 : i32
        %shift_right_logical3A_1333 = vector.broadcast %shift_right_logical3A_1332 : i32 to vector<16xi32>
        %shift_right_logical3A_1334 = arith.shrui %bitcast3A_1328, %shift_right_logical3A_1333 : vector<16xi32>
        %and3A_1335 = arith.constant 1 : i32
        %and3A_1336 = vector.broadcast %and3A_1335 : i32 to vector<16xi32>
        %and3A_1337 = arith.andi %shift_right_logical3A_1334, %and3A_1336 : vector<16xi32>
        %add3A_1338 = arith.addi %add3A_1331, %and3A_1337 : vector<16xi32>
        %and3A_1339 = arith.constant -65536 : i32
        %and3A_1340 = vector.broadcast %and3A_1339 : i32 to vector<16xi32>
        %and3A_1341 = arith.andi %add3A_1338, %and3A_1340 : vector<16xi32>
        %bitcast3A_1342 = vector.bitcast %and3A_1341 : vector<16xi32> to vector<16xf32>
        %mul3A_1343 = vector.broadcast %squeeze3A_140 : f32 to vector<16xf32>
        %mul3A_1344 = arith.mulf %bitcast3A_1342, %mul3A_1343 : vector<16xf32>
        %add3A_1345 = arith.addf %add3A_1320, %mul3A_1344 : vector<16xf32>
        %neg3A = arith.constant 0.000000e+00 : f32
        %neg3A_1346 = vector.broadcast %neg3A : f32 to vector<16xf32>
        %neg3A_1347 = arith.subf %neg3A_1346, %add3A_1345 : vector<16xf32>
        %exp3A = math.exp %neg3A_1347 : vector<16xf32>
        %add3A_1348 = arith.constant 1.000000e+00 : f32
        %add3A_1349 = vector.broadcast %add3A_1348 : f32 to vector<16xf32>
        %add3A_1350 = arith.addf %add3A_1349, %exp3A : vector<16xf32>
        %div3A = arith.constant 1.000000e+00 : f32
        %div3A_1351 = vector.broadcast %div3A : f32 to vector<16xf32>
        %div3A_1352 = arith.divf %div3A_1351, %add3A_1350 : vector<16xf32>
        %swap3A = arith.index_cast %mul3A_194 : i32 to index
        %swap3A_1353 = tpu.vector_load %arg14[%swap3A] {strides = array<i32>} : memref<80xf32, #tpu.memory_space<vmem>>, vector<16xf32>,
        tpu.vector_store %arg14[%swap3A], %div3A_1352 {strides = array<i32>} : memref<80xf32, #tpu.memory_space<vmem>>, vector<16xf32>,
        %gt3A = arith.constant 0.000000e+00 : f32
        %gt3A_1354 = vector.broadcast %gt3A : f32 to vector<16xf32>
        %gt3A_1355 = arith.cmpf ogt, %add3A_1345, %gt3A_1354 : vector<16xf32>
        %get3A_1356 = arith.index_cast %mul3A_194 : i32 to index
        %get3A_1357 = tpu.vector_load %arg9[%get3A_1356] {strides = array<i32>} : memref<80xi32, #tpu.memory_space<vmem>>, vector<16xi32>,
        %get3A_1358 = arith.index_cast %mul3A_194 : i32 to index
        %get3A_1359 = tpu.vector_load %arg10[%get3A_1358] {strides = array<i32>} : memref<80xi32, #tpu.memory_space<vmem>>, vector<16xi32>,
        %mul3A_1360 = arith.constant 16 : i32
        %mul3A_1361 = vector.broadcast %mul3A_1360 : i32 to vector<16xi32>
        %mul3A_1362 = arith.muli %get3A_1357, %mul3A_1361 : vector<16xi32>
        %add3A_1363 = arith.addi %mul3A_1362, %iota3A : vector<16xi32>
        %jit3A = arith.constant 1073741824 : i32
        %broadcast_in_dim3A = vector.broadcast %jit3A : i32 to vector<16xi32>
        %select_n3A = arith.select %gt3A_1355, %add3A_1363, %broadcast_in_dim3A : vector<16xi1>, vector<16xi32>
        %sort3A = arith.constant dense<true> : vector<16xi1>
        %sort3A_1364, %sort3A_1365, %sort3A_1366 = tpu.sort %select_n3A, %select_n3A masked %sort3A : (vector<16xi32>, vector<16xi32>, vector<16xi1>) -> (vector<16xi1>, vector<16xi32>, vector<16xi32>)
        %shift_right_arithmetic3A = arith.constant 4 : i32
        %shift_right_arithmetic3A_1367 = vector.broadcast %shift_right_arithmetic3A : i32 to vector<16xi32>
        %shift_right_arithmetic3A_1368 = arith.shrsi %sort3A_1365, %shift_right_arithmetic3A_1367 : vector<16xi32>
        %and3A_1369 = arith.constant 15 : i32
        %and3A_1370 = vector.broadcast %and3A_1369 : i32 to vector<16xi32>
        %and3A_1371 = arith.andi %sort3A_1365, %and3A_1370 : vector<16xi32>
        %add3A_1372 = arith.constant 1 : i32
        %add3A_1373 = vector.broadcast %add3A_1372 : i32 to vector<16xi32>
        %add3A_1374 = arith.addi %iota3A, %add3A_1373 : vector<16xi32>
        %min3A = arith.constant 15 : i32
        %min3A_1375 = vector.broadcast %min3A : i32 to vector<16xi32>
        %min3A_1376 = arith.minsi %add3A_1374, %min3A_1375 : vector<16xi32>
        %lt3A = arith.constant 0 : i32
        %lt3A_1377 = vector.broadcast %lt3A : i32 to vector<16xi32>
        %lt3A_1378 = arith.cmpi slt, %min3A_1376, %lt3A_1377 : vector<16xi32>
        %add3A_1379 = arith.constant 16 : i32
        %add3A_1380 = vector.broadcast %add3A_1379 : i32 to vector<16xi32>
        %add3A_1381 = arith.addi %min3A_1376, %add3A_1380 : vector<16xi32>
        %select_n3A_1382 = arith.select %lt3A_1378, %add3A_1381, %min3A_1376 : vector<16xi1>, vector<16xi32>
        %broadcast_in_dim3A_1383 = vector.shape_cast %select_n3A_1382 : vector<16xi32> to vector<16x1xi32>
        %gather3A = vector.shape_cast %broadcast_in_dim3A_1383 : vector<16x1xi32> to vector<16xi32>
        %gather3A_1384 = tpu.dynamic_gather %sort3A_1365[%gather3A] in [0] : vector<16xi32>, vector<16xi32> -> vector<16xi32>
        %shift_right_arithmetic3A_1385 = arith.constant 4 : i32
        %shift_right_arithmetic3A_1386 = vector.broadcast %shift_right_arithmetic3A_1385 : i32 to vector<16xi32>
        %shift_right_arithmetic3A_1387 = arith.shrsi %gather3A_1384, %shift_right_arithmetic3A_1386 : vector<16xi32>
        %ne3A = arith.cmpi ne, %shift_right_arithmetic3A_1368, %shift_right_arithmetic3A_1387 : vector<16xi32>
        %eq3A = arith.constant 15 : i32
        %eq3A_1388 = vector.broadcast %eq3A : i32 to vector<16xi32>
        %eq3A_1389 = arith.cmpi eq, %iota3A, %eq3A_1388 : vector<16xi32>
        %or3A = arith.ori %ne3A, %eq3A_1389 : vector<16xi1>
        %lt3A_1390 = arith.constant 1073741824 : i32
        %lt3A_1391 = vector.broadcast %lt3A_1390 : i32 to vector<16xi32>
        %lt3A_1392 = arith.cmpi slt, %sort3A_1365, %lt3A_1391 : vector<16xi32>
        %and3A_1393 = arith.andi %or3A, %lt3A_1392 : vector<16xi1>
        %jit3A_1394 = arith.constant 0 : i32
        %broadcast_in_dim3A_1395 = vector.broadcast %jit3A_1394 : i32 to vector<16xi32>
        %select_n3A_1396 = arith.select %and3A_1393, %shift_right_arithmetic3A_1368, %broadcast_in_dim3A_1395 : vector<16xi1>, vector<16xi32>
        %add3A_1397 = arith.addi %multiple_of3A_155, %mul3A_194 : i32
        %add3A_1398 = vector.broadcast %add3A_1397 : i32 to vector<16xi32>
        %add3A_1399 = arith.addi %add3A_1398, %and3A_1371 : vector<16xi32>
        %add3A_1400 = arith.constant 0 : i32
        %add3A_1401 = vector.broadcast %add3A_1400 : i32 to vector<16xi32>
        %add3A_1402 = arith.addi %add3A_1399, %add3A_1401 : vector<16xi32>
        %gather3A_1403 = tpu.vector_load_idx %arg15[%select_n3A_1396] masked %and3A_1393 : memref<10240xi32, #tpu.memory_space<vmem>>[vector<16xi32>], vector<16xi32>, vector<16xi1>
        %gt3A_1404 = arith.cmpi sgt, %add3A_1402, %gather3A_1403 : vector<16xi32>
        %and3A_1405 = arith.andi %and3A_1393, %gt3A_1404 : vector<16xi1>
        tpu.vector_store_idx %arg15[%select_n3A_1396], %add3A_1402 masked %and3A_1405 : memref<10240xi32, #tpu.memory_space<vmem>>[vector<16xi32>], vector<16xi32>, vector<16xi1>
        %lt3A_1406 = arith.constant 0 : i32
        %lt3A_1407 = vector.broadcast %lt3A_1406 : i32 to vector<16xi32>
        %lt3A_1408 = arith.cmpi slt, %and3A_1371, %lt3A_1407 : vector<16xi32>
        %add3A_1409 = arith.constant 16 : i32
        %add3A_1410 = vector.broadcast %add3A_1409 : i32 to vector<16xi32>
        %add3A_1411 = arith.addi %and3A_1371, %add3A_1410 : vector<16xi32>
        %select_n3A_1412 = arith.select %lt3A_1408, %add3A_1411, %and3A_1371 : vector<16xi1>, vector<16xi32>
        %broadcast_in_dim3A_1413 = vector.shape_cast %select_n3A_1412 : vector<16xi32> to vector<16x1xi32>
        %gather3A_1414 = vector.shape_cast %broadcast_in_dim3A_1413 : vector<16x1xi32> to vector<16xi32>
        %gather3A_1415 = tpu.dynamic_gather %get3A_1359[%gather3A_1414] in [0] : vector<16xi32>, vector<16xi32> -> vector<16xi32>
        tpu.vector_store_idx %arg16[%select_n3A_1396], %gather3A_1415 masked %and3A_1405 : memref<10240xi32, #tpu.memory_space<vmem>>[vector<16xi32>], vector<16xi32>, vector<16xi1>
        %mul3A_1416 = arith.constant 16 : i32
        %mul3A_1417 = vector.broadcast %mul3A_1416 : i32 to vector<16xi32>
        %mul3A_1418 = arith.muli %get3A_1359, %mul3A_1417 : vector<16xi32>
        %add3A_1419 = arith.addi %mul3A_1418, %iota3A : vector<16xi32>
        %jit3A_1420 = arith.constant 1073741824 : i32
        %broadcast_in_dim3A_1421 = vector.broadcast %jit3A_1420 : i32 to vector<16xi32>
        %select_n3A_1422 = arith.select %gt3A_1355, %add3A_1419, %broadcast_in_dim3A_1421 : vector<16xi1>, vector<16xi32>
        %sort3A_1423 = arith.constant dense<true> : vector<16xi1>
        %sort3A_1424, %sort3A_1425, %sort3A_1426 = tpu.sort %select_n3A_1422, %select_n3A_1422 masked %sort3A_1423 : (vector<16xi32>, vector<16xi32>, vector<16xi1>) -> (vector<16xi1>, vector<16xi32>, vector<16xi32>)
        %shift_right_arithmetic3A_1427 = arith.constant 4 : i32
        %shift_right_arithmetic3A_1428 = vector.broadcast %shift_right_arithmetic3A_1427 : i32 to vector<16xi32>
        %shift_right_arithmetic3A_1429 = arith.shrsi %sort3A_1425, %shift_right_arithmetic3A_1428 : vector<16xi32>
        %and3A_1430 = arith.constant 15 : i32
        %and3A_1431 = vector.broadcast %and3A_1430 : i32 to vector<16xi32>
        %and3A_1432 = arith.andi %sort3A_1425, %and3A_1431 : vector<16xi32>
        %add3A_1433 = arith.constant 1 : i32
        %add3A_1434 = vector.broadcast %add3A_1433 : i32 to vector<16xi32>
        %add3A_1435 = arith.addi %iota3A, %add3A_1434 : vector<16xi32>
        %min3A_1436 = arith.constant 15 : i32
        %min3A_1437 = vector.broadcast %min3A_1436 : i32 to vector<16xi32>
        %min3A_1438 = arith.minsi %add3A_1435, %min3A_1437 : vector<16xi32>
        %lt3A_1439 = arith.constant 0 : i32
        %lt3A_1440 = vector.broadcast %lt3A_1439 : i32 to vector<16xi32>
        %lt3A_1441 = arith.cmpi slt, %min3A_1438, %lt3A_1440 : vector<16xi32>
        %add3A_1442 = arith.constant 16 : i32
        %add3A_1443 = vector.broadcast %add3A_1442 : i32 to vector<16xi32>
        %add3A_1444 = arith.addi %min3A_1438, %add3A_1443 : vector<16xi32>
        %select_n3A_1445 = arith.select %lt3A_1441, %add3A_1444, %min3A_1438 : vector<16xi1>, vector<16xi32>
        %broadcast_in_dim3A_1446 = vector.shape_cast %select_n3A_1445 : vector<16xi32> to vector<16x1xi32>
        %gather3A_1447 = vector.shape_cast %broadcast_in_dim3A_1446 : vector<16x1xi32> to vector<16xi32>
        %gather3A_1448 = tpu.dynamic_gather %sort3A_1425[%gather3A_1447] in [0] : vector<16xi32>, vector<16xi32> -> vector<16xi32>
        %shift_right_arithmetic3A_1449 = arith.constant 4 : i32
        %shift_right_arithmetic3A_1450 = vector.broadcast %shift_right_arithmetic3A_1449 : i32 to vector<16xi32>
        %shift_right_arithmetic3A_1451 = arith.shrsi %gather3A_1448, %shift_right_arithmetic3A_1450 : vector<16xi32>
        %ne3A_1452 = arith.cmpi ne, %shift_right_arithmetic3A_1429, %shift_right_arithmetic3A_1451 : vector<16xi32>
        %eq3A_1453 = arith.constant 15 : i32
        %eq3A_1454 = vector.broadcast %eq3A_1453 : i32 to vector<16xi32>
        %eq3A_1455 = arith.cmpi eq, %iota3A, %eq3A_1454 : vector<16xi32>
        %or3A_1456 = arith.ori %ne3A_1452, %eq3A_1455 : vector<16xi1>
        %lt3A_1457 = arith.constant 1073741824 : i32
        %lt3A_1458 = vector.broadcast %lt3A_1457 : i32 to vector<16xi32>
        %lt3A_1459 = arith.cmpi slt, %sort3A_1425, %lt3A_1458 : vector<16xi32>
        %and3A_1460 = arith.andi %or3A_1456, %lt3A_1459 : vector<16xi1>
        %jit3A_1461 = arith.constant 0 : i32
        %broadcast_in_dim3A_1462 = vector.broadcast %jit3A_1461 : i32 to vector<16xi32>
        %select_n3A_1463 = arith.select %and3A_1460, %shift_right_arithmetic3A_1429, %broadcast_in_dim3A_1462 : vector<16xi1>, vector<16xi32>
        %add3A_1464 = arith.addi %multiple_of3A_155, %mul3A_194 : i32
        %add3A_1465 = vector.broadcast %add3A_1464 : i32 to vector<16xi32>
        %add3A_1466 = arith.addi %add3A_1465, %and3A_1432 : vector<16xi32>
        %add3A_1467 = arith.constant 320000 : i32
        %add3A_1468 = vector.broadcast %add3A_1467 : i32 to vector<16xi32>
        %add3A_1469 = arith.addi %add3A_1466, %add3A_1468 : vector<16xi32>
        %gather3A_1470 = tpu.vector_load_idx %arg15[%select_n3A_1463] masked %and3A_1460 : memref<10240xi32, #tpu.memory_space<vmem>>[vector<16xi32>], vector<16xi32>, vector<16xi1>
        %gt3A_1471 = arith.cmpi sgt, %add3A_1469, %gather3A_1470 : vector<16xi32>
        %and3A_1472 = arith.andi %and3A_1460, %gt3A_1471 : vector<16xi1>
        tpu.vector_store_idx %arg15[%select_n3A_1463], %add3A_1469 masked %and3A_1472 : memref<10240xi32, #tpu.memory_space<vmem>>[vector<16xi32>], vector<16xi32>, vector<16xi1>
        %lt3A_1473 = arith.constant 0 : i32
        %lt3A_1474 = vector.broadcast %lt3A_1473 : i32 to vector<16xi32>
        %lt3A_1475 = arith.cmpi slt, %and3A_1432, %lt3A_1474 : vector<16xi32>
        %add3A_1476 = arith.constant 16 : i32
        %add3A_1477 = vector.broadcast %add3A_1476 : i32 to vector<16xi32>
        %add3A_1478 = arith.addi %and3A_1432, %add3A_1477 : vector<16xi32>
        %select_n3A_1479 = arith.select %lt3A_1475, %add3A_1478, %and3A_1432 : vector<16xi1>, vector<16xi32>
        %broadcast_in_dim3A_1480 = vector.shape_cast %select_n3A_1479 : vector<16xi32> to vector<16x1xi32>
        %gather3A_1481 = vector.shape_cast %broadcast_in_dim3A_1480 : vector<16x1xi32> to vector<16xi32>
        %gather3A_1482 = tpu.dynamic_gather %get3A_1357[%gather3A_1481] in [0] : vector<16xi32>, vector<16xi32> -> vector<16xi32>
        tpu.vector_store_idx %arg16[%select_n3A_1463], %gather3A_1482 masked %and3A_1472 : memref<10240xi32, #tpu.memory_space<vmem>>[vector<16xi32>], vector<16xi32>, vector<16xi1>
      }
      %scan3A_191 = arith.constant 5 : i32
      "tpu.region"() ({
        %run_scoped3A = tpu.sem_alloc : memref<!tpu.dma_semaphore, #tpu.memory_space<semaphore_mem>>
        %dma_start3A_192 = tpu.memref_slice %arg6[%multiple_of3A_155] : memref<320000xf32, #tpu.memory_space<hbm>> -> memref<80xf32, #tpu.memory_space<hbm>>
        %dma_start3A_193 = tpu.memref_slice %arg6[%multiple_of3A_155] : memref<320000xf32, #tpu.memory_space<hbm>> -> memref<80xf32, #tpu.memory_space<hbm>>
        tpu.enqueue_dma source(%arg14 : memref<80xf32, #tpu.memory_space<vmem>>) target(%dma_start3A_193 : memref<80xf32, #tpu.memory_space<hbm>>) target_semaphore(%run_scoped3A : memref<!tpu.dma_semaphore, #tpu.memory_space<semaphore_mem>>)
        %dma_wait3A_194 = tpu.memref_slice %arg6[%multiple_of3A_155] : memref<320000xf32, #tpu.memory_space<hbm>> -> memref<80xf32, #tpu.memory_space<hbm>>
        %dma_wait3A_195 = tpu.memref_slice %arg6[%multiple_of3A_155] : memref<320000xf32, #tpu.memory_space<hbm>> -> memref<80xf32, #tpu.memory_space<hbm>>
        tpu.wait_dma2 semaphore(%run_scoped3A : memref<!tpu.dma_semaphore, #tpu.memory_space<semaphore_mem>>) src(%arg14 : memref<80xf32, #tpu.memory_space<vmem>>) dst(%dma_wait3A_195 : memref<80xf32, #tpu.memory_space<hbm>>)
        tpu.yield
      }) : () -> ()
    }
    %scan3A_146 = arith.constant 125 : i32
    %mul3A_147 = arith.constant 10240 : i32
    %mul3A_148 = arith.muli %add3A, %mul3A_147 : i32
    %multiple_of3A = tpu.assume_multiple %mul3A_148, 8 : i32
    "tpu.region"() ({
      %run_scoped3A = tpu.sem_alloc : memref<!tpu.dma_semaphore, #tpu.memory_space<semaphore_mem>>
      %dma_start3A = tpu.memref_slice %arg7[%multiple_of3A] : memref<327680xi32, #tpu.memory_space<hbm>> -> memref<10240xi32, #tpu.memory_space<hbm>>
      %dma_start3A_149 = tpu.memref_slice %arg7[%multiple_of3A] : memref<327680xi32, #tpu.memory_space<hbm>> -> memref<10240xi32, #tpu.memory_space<hbm>>
      tpu.enqueue_dma source(%arg15 : memref<10240xi32, #tpu.memory_space<vmem>>) target(%dma_start3A_149 : memref<10240xi32, #tpu.memory_space<hbm>>) target_semaphore(%run_scoped3A : memref<!tpu.dma_semaphore, #tpu.memory_space<semaphore_mem>>)
      %dma_wait3A = tpu.memref_slice %arg7[%multiple_of3A] : memref<327680xi32, #tpu.memory_space<hbm>> -> memref<10240xi32, #tpu.memory_space<hbm>>
      %dma_wait3A_150 = tpu.memref_slice %arg7[%multiple_of3A] : memref<327680xi32, #tpu.memory_space<hbm>> -> memref<10240xi32, #tpu.memory_space<hbm>>
      tpu.wait_dma2 semaphore(%run_scoped3A : memref<!tpu.dma_semaphore, #tpu.memory_space<semaphore_mem>>) src(%arg15 : memref<10240xi32, #tpu.memory_space<vmem>>) dst(%dma_wait3A_150 : memref<10240xi32, #tpu.memory_space<hbm>>)
      tpu.yield
    }) : () -> ()
    "tpu.region"() ({
      %run_scoped3A = tpu.sem_alloc : memref<!tpu.dma_semaphore, #tpu.memory_space<semaphore_mem>>
      %dma_start3A = tpu.memref_slice %arg8[%multiple_of3A] : memref<327680xi32, #tpu.memory_space<hbm>> -> memref<10240xi32, #tpu.memory_space<hbm>>
      %dma_start3A_149 = tpu.memref_slice %arg8[%multiple_of3A] : memref<327680xi32, #tpu.memory_space<hbm>> -> memref<10240xi32, #tpu.memory_space<hbm>>
      tpu.enqueue_dma source(%arg16 : memref<10240xi32, #tpu.memory_space<vmem>>) target(%dma_start3A_149 : memref<10240xi32, #tpu.memory_space<hbm>>) target_semaphore(%run_scoped3A : memref<!tpu.dma_semaphore, #tpu.memory_space<semaphore_mem>>)
      %dma_wait3A = tpu.memref_slice %arg8[%multiple_of3A] : memref<327680xi32, #tpu.memory_space<hbm>> -> memref<10240xi32, #tpu.memory_space<hbm>>
      %dma_wait3A_150 = tpu.memref_slice %arg8[%multiple_of3A] : memref<327680xi32, #tpu.memory_space<hbm>> -> memref<10240xi32, #tpu.memory_space<hbm>>
      tpu.wait_dma2 semaphore(%run_scoped3A : memref<!tpu.dma_semaphore, #tpu.memory_space<semaphore_mem>>) src(%arg16 : memref<10240xi32, #tpu.memory_space<vmem>>) dst(%dma_wait3A_150 : memref<10240xi32, #tpu.memory_space<hbm>>)
      tpu.yield
    }) : () -> ()
    return
  }
}

module attributes {stable_mosaic.version = 14 : i64} {
  func.func @_tc_tables(%arg0: memref<10000x128xf32, #tpu.memory_space<vmem>>, %arg1: memref<128x128xf32, #tpu.memory_space<vmem>>, %arg2: memref<10000x128xf32, #tpu.memory_space<vmem>>) attributes {dimension_semantics = [], scalar_prefetch = 0 : i64, scratch_operands = 0 : i64, tpu.core_type = #tpu.core_type<tc>} {
    %get3A = arith.constant 0 : index
    %get3A_0 = arith.constant 0 : index
    %get3A_1 = vector.load %arg0[%get3A, %get3A_0] : memref<10000x128xf32, #tpu.memory_space<vmem>>, vector<10000x128xf32>
    %convert_element_type3A = arith.truncf %get3A_1 : vector<10000x128xf32> to vector<10000x128xbf16>
    %get3A_2 = arith.constant 0 : index
    %get3A_3 = arith.constant 0 : index
    %get3A_4 = vector.load %arg1[%get3A_2, %get3A_3] : memref<128x128xf32, #tpu.memory_space<vmem>>, vector<128x128xf32>
    %convert_element_type3A_5 = arith.truncf %get3A_4 : vector<128x128xf32> to vector<128x128xbf16>
    %dot_general3A = arith.constant dense<0.000000e+00> : vector<10000x128xf32>
    %dot_general3A_6 = tpu.matmul %convert_element_type3A, %convert_element_type3A_5, %dot_general3A {dimension_numbers = #tpu.dot_dimension_numbers<[1], [0], [0], [1], [0, 0, 1, 1], [], []>, transpose_lhs_hint = false} : vector<10000x128xbf16>, vector<128x128xbf16>, vector<10000x128xf32> -> vector<10000x128xf32>
    %swap3A = arith.constant 0 : index
    %swap3A_7 = arith.constant 0 : index
    %swap3A_8 = vector.load %arg2[%swap3A, %swap3A_7] : memref<10000x128xf32, #tpu.memory_space<vmem>>, vector<10000x128xf32>
    tpu.vector_store %arg2[%swap3A, %swap3A_7], %dot_general3A_6 {strides = array<i32>} : memref<10000x128xf32, #tpu.memory_space<vmem>>, vector<10000x128xf32>,
    return
  }
}

module attributes {stable_mosaic.version = 14 : i64} {
  func.func @_tc_finish(%arg0: memref<10000x128xf32, #tpu.memory_space<vmem>>, %arg1: memref<10000x32xf32, #tpu.memory_space<vmem>>, %arg2: memref<10000x1xi32, #tpu.memory_space<vmem>>, %arg3: memref<32x128xf32, #tpu.memory_space<vmem>>, %arg4: memref<1x128xf32, #tpu.memory_space<vmem>>, %arg5: memref<10000x128xf32, #tpu.memory_space<vmem>>) attributes {dimension_semantics = [], scalar_prefetch = 0 : i64, scratch_operands = 0 : i64, tpu.core_type = #tpu.core_type<tc>} {
    %get3A = arith.constant 0 : index
    %get3A_0 = arith.constant 0 : index
    %get3A_1 = vector.load %arg1[%get3A, %get3A_0] : memref<10000x32xf32, #tpu.memory_space<vmem>>, vector<10000x32xf32>
    %convert_element_type3A = arith.truncf %get3A_1 : vector<10000x32xf32> to vector<10000x32xbf16>
    %get3A_2 = arith.constant 0 : index
    %get3A_3 = arith.constant 0 : index
    %get3A_4 = vector.load %arg3[%get3A_2, %get3A_3] : memref<32x128xf32, #tpu.memory_space<vmem>>, vector<32x128xf32>
    %convert_element_type3A_5 = arith.truncf %get3A_4 : vector<32x128xf32> to vector<32x128xbf16>
    %dot_general3A = arith.constant dense<0.000000e+00> : vector<10000x128xf32>
    %dot_general3A_6 = tpu.matmul %convert_element_type3A, %convert_element_type3A_5, %dot_general3A {dimension_numbers = #tpu.dot_dimension_numbers<[1], [0], [0], [1], [0, 0, 1, 1], [], []>, transpose_lhs_hint = false} : vector<10000x32xbf16>, vector<32x128xbf16>, vector<10000x128xf32> -> vector<10000x128xf32>
    %get3A_7 = arith.constant 0 : index
    %get3A_8 = arith.constant 0 : index
    %get3A_9 = vector.load %arg4[%get3A_7, %get3A_8] : memref<1x128xf32, #tpu.memory_space<vmem>>, vector<1x128xf32>
    %add3A = vector.broadcast %get3A_9 : vector<1x128xf32> to vector<10000x128xf32>
    %add3A_10 = arith.addf %dot_general3A_6, %add3A : vector<10000x128xf32>
    %get3A_11 = arith.constant 0 : index
    %get3A_12 = arith.constant 0 : index
    %get3A_13 = vector.load %arg2[%get3A_11, %get3A_12] : memref<10000x1xi32, #tpu.memory_space<vmem>>, vector<10000x1xi32>
    %ge3A = arith.constant 0 : i32
    %ge3A_14 = vector.broadcast %ge3A : i32 to vector<10000x1xi32>
    %ge3A_15 = arith.cmpi sge, %get3A_13, %ge3A_14 : vector<10000x1xi32>
    %get3A_16 = arith.constant 0 : index
    %get3A_17 = arith.constant 0 : index
    %get3A_18 = vector.load %arg0[%get3A_16, %get3A_17] : memref<10000x128xf32, #tpu.memory_space<vmem>>, vector<10000x128xf32>
    %add3A_19 = arith.addf %get3A_18, %add3A_10 : vector<10000x128xf32>
    %mul3A = arith.constant 5.000000e-01 : f32
    %mul3A_20 = vector.broadcast %mul3A : f32 to vector<10000x128xf32>
    %mul3A_21 = arith.mulf %add3A_19, %mul3A_20 : vector<10000x128xf32>
    %broadcast_in_dim3A = vector.shape_cast %ge3A_15 : vector<10000x1xi1> to vector<10000x1xi1>
    %broadcast_in_dim3A_22 = vector.broadcast %broadcast_in_dim3A : vector<10000x1xi1> to vector<10000x128xi1>
    %select_n3A = arith.select %broadcast_in_dim3A_22, %mul3A_21, %get3A_18 : vector<10000x128xi1>, vector<10000x128xf32>
    %swap3A = arith.constant 0 : index
    %swap3A_23 = arith.constant 0 : index
    %swap3A_24 = vector.load %arg5[%swap3A, %swap3A_23] : memref<10000x128xf32, #tpu.memory_space<vmem>>, vector<10000x128xf32>
    tpu.vector_store %arg5[%swap3A, %swap3A_23], %select_n3A {strides = array<i32>} : memref<10000x128xf32, #tpu.memory_space<vmem>>, vector<10000x128xf32>,
    return
  }
}

</mosaic_0001>

<sc_bundles>
// kernel: kernel.6.cloned.1.call-start
scs
__scs_entry_jumppad:
0x0: {  	(pc) =	sbr.rel $0x88, $3  }
0x1: {  	(tag) =	ssettag $0x0;
	lr =	simm.s32 $0x1  }
0x2: {  	[smem:$0x3F97] =	sst lr;
	_ =	strace $0xD0000000  }
0x3: {  	_ = 	snop  }
0x4: {  	_ = 	snop  }
0x5: {  	_ = 	snop  }
0x6: {  	_ = 	snop  }
0x7: {  	_ = 	snop  }
__scs_overlays_trampoline_lowered:
0x8: {  	[smem:$0x3FA6] =	sst s0  }
0x9: {  	[smem:$0x3FA7] =	sst s1  }
0xa: {  	[smem:$0x3FA8] =	sst s2  }
0xb: {  	[smem:$0x3FA9] =	sst s3  }
0xc: {  	[smem:$0x3FAA] =	sst s4  }
0xd: {  	[smem:$0x3FAB] =	sst s5  }
0xe: {  	[smem:$0x3FAC] =	sst s6  }
0xf: {  	[smem:$0x3FAD] =	sst s7  }
0x10: {  	[smem:$0x3FAE] =	sst s8  }
0x11: {  	[smem:$0x3FAF] =	sst s9;
	s0 =	simm.s32 @!p0 $0x0  }
0x12: {  	s1 =	sld [smem:$0x3F95];
	s0 =	simm.s32 @p0 $0x1  }
0x13: {  	[smem:$0x3FB0] =	sst s0;
	s0 =	simm.s32 @!p1 $0x0  }
0x14: {  	s2 =	sld [smem:$0x3F94];
	s0 =	simm.s32 @p1 $0x1  }
0x15: {  	[smem:$0x3FB1] =	sst s0;
	s0 =	simm.s32 @!p2 $0x0  }
0x16: {  	s3 =	sld [smem:$0x3FDB];
	s0 =	simm.s32 @p2 $0x1  }
0x17: {  	s4 =	simm.s32 $0x1BF5;
	[smem:$0x3FB3] =	sst s0  }
0x18: {  	s0 =	sld [smem:$0x3F96];
	_ =	swait.ge [sflag:s4], $0x0  }
0x19: {  	s7 =	sld [smem:$0x3F97]  }
0x1a: {  	s8 =	sadd.s32 $0xFFFFE003, lr  }
0x1b: {  	s9 =	sadd.s32 $0xFFFFFEF7, lr;
	s5 =	simm.s32 $0xFFFFFFFF;
	p2 =	slt.u32 s8, $0xFFFFF086  }
0x1c: {  	p1 =	slt.u32 s9, $0xF7A;
	s5 =	simm.s32 @!p2 $0x0  }
0x1d: {  	s5 =	simm.s32 @p1 $0x1;
	p0 =	seq.s32 s7, s2  }
0x1e: {  	s7 =	smul.u32 @!p0 $0xF7A, s2;
	p2 =	seq.s32 @!p0 s5, $0x0  }
0x1f: {  	s9 =	smul.u32 $0xF7A, s1;
	s8 =	simm.s32 @!p0 $0x1BF5;
	p2 =	por !p2, p0  }
0x20: {  	[sflag:s8] =	ssyncset.s32 @!p0 $0xFFFFF086;
	s6 =	sadd.s32 @!p0 s3, s7;
	s7 =	simm.s32 @!p0 $0x108  }
0x21: {  	s3 =	sadd.s32 s3, s9;
	s6 =	sadd.s32 @!p0 $0x88, s6;
	s7 =	simm.s32 @p2 $0x1082  }
0x22: {  	[simem:s7], [sflag:s8] =	dma.local @!p0 [hbm:s6], $0xF7A  }
0x23: {  	s9 =	sor.u32 $0xD0000000, s2;
	s6 =	simm.s32 $0x108;
	_ =	swait.ge @!p0 [sflag:s8], $0x0  }
0x24: {  	s3 =	sadd.s32 $0x88, s3;
	s6 =	simm.s32 @!p1 $0x1082;
	[sflag:s4] =	ssyncset.s32 $0xFFFFF086  }
0x25: {  	[simem:s6], [sflag:s4] =	dma.local [hbm:s3], $0xF7A  }
0x26: {  	[smem:$0x3F97] =	sst s1;
	(tag) =	ssettag s2;
	_ =	strace s9  }
0x27: {  	s1 =	sld [smem:$0x3FA7]  }
0x28: {  	s2 =	sld [smem:$0x3FA8]  }
0x29: {  	s4 =	sld [smem:$0x3FAA]  }
0x2a: {  	p0 =	seq.s32 s5, $0x0;
	s5 =	sld [smem:$0x3FAB]  }
0x2b: {  	s6 =	sld [smem:$0x3FAC]  }
0x2c: {  	s7 =	sld [smem:$0x3FAD]  }
0x2d: {  	s3 =	simm.s32 $0x108;
	s8 =	sld [smem:$0x3FAE]  }
0x2e: {  	s3 =	simm.s32 @!p0 $0x1082;
	s9 =	sld [smem:$0x3FAF]  }
0x2f: {  	lr =	sadd.s32 s0, s3;
	s0 =	sld [smem:$0x3FA6]  }
0x30: {  	s3 =	sld [smem:$0x3FA9]  }
0x31: {  	[smem:$0x3FB2] =	sst s10  }
0x32: {  	s10 =	sld [smem:$0x3FB0];
	_ =	sdelay $0x3  }
0x33: {  	p0 =	seq.s32 s10, $0x1;
	s10 =	sld [smem:$0x3FB2];
	_ =	sdelay $0x3  }
0x34: {  	[smem:$0x3FB2] =	sst s10  }
0x35: {  	s10 =	sld [smem:$0x3FB1];
	_ =	sdelay $0x3  }
0x36: {  	p1 =	seq.s32 s10, $0x1;
	s10 =	sld [smem:$0x3FB2];
	_ =	sdelay $0x3  }
0x37: {  	[smem:$0x3FB2] =	sst s10  }
0x38: {  	s10 =	sld [smem:$0x3FB3]  }
0x39: {  	_ = 	snop;
	(pc) =	sbr.ind lr, $3  }
0x3a: {  	_ = 	snop  }
0x3b: {  	_ = 	snop  }
0x3c: {  	p2 =	seq.s32 s10, $0x1;
	s10 =	sld [smem:$0x3FB2]  }
0x3d: {  	_ =	shalt  }
0x3e: {  	_ =	shalt  }
0x3f: {  	_ =	shalt  }
0x40: {  	_ =	shalt  }
0x41: {  	_ =	shalt  }
0x42: {  	_ =	shalt  }
0x43: {  	_ =	shalt  }
0x44: {  	_ =	shalt  }
0x45: {  	_ =	shalt  }
0x46: {  	_ =	shalt  }
0x47: {  	_ =	shalt  }
0x48: {  	_ =	shalt  }
0x49: {  	_ =	shalt  }
0x4a: {  	_ =	shalt  }
0x4b: {  	_ =	shalt  }
0x4c: {  	_ =	shalt  }
0x4d: {  	_ =	shalt  }
0x4e: {  	_ =	shalt  }
0x4f: {  	_ =	shalt  }
0x50: {  	_ =	shalt  }
0x51: {  	_ =	shalt  }
0x52: {  	_ =	shalt  }
0x53: {  	_ =	shalt  }
0x54: {  	_ =	shalt  }
0x55: {  	_ =	shalt  }
0x56: {  	_ =	shalt  }
0x57: {  	_ =	shalt  }
0x58: {  	_ =	shalt  }
0x59: {  	_ =	shalt  }
0x5a: {  	_ =	shalt  }
0x5b: {  	_ =	shalt  }
0x5c: {  	_ =	shalt  }
0x5d: {  	_ =	shalt  }
0x5e: {  	_ =	shalt  }
0x5f: {  	_ =	shalt  }
0x60: {  	_ =	shalt  }
0x61: {  	_ =	shalt  }
0x62: {  	_ =	shalt  }
0x63: {  	_ =	shalt  }
0x64: {  	_ =	shalt  }
0x65: {  	_ =	shalt  }
0x66: {  	_ =	shalt  }
0x67: {  	_ =	shalt  }
0x68: {  	_ =	shalt  }
0x69: {  	_ =	shalt  }
0x6a: {  	_ =	shalt  }
0x6b: {  	_ =	shalt  }
0x6c: {  	_ =	shalt  }
0x6d: {  	_ =	shalt  }
0x6e: {  	_ =	shalt  }
0x6f: {  	_ =	shalt  }
0x70: {  	_ =	shalt  }
0x71: {  	_ =	shalt  }
0x72: {  	_ =	shalt  }
0x73: {  	_ =	shalt  }
0x74: {  	_ =	shalt  }
0x75: {  	_ =	shalt  }
0x76: {  	_ =	shalt  }
0x77: {  	_ =	shalt  }
0x78: {  	_ =	shalt  }
0x79: {  	_ =	shalt  }
0x7a: {  	_ =	shalt  }
0x7b: {  	_ =	shalt  }
0x7c: {  	_ =	shalt  }
0x7d: {  	_ =	shalt  }
0x7e: {  	_ =	shalt  }
0x7f: {  	_ =	shalt  }
0x80: {  	_ =	shalt  }
0x81: {  	_ =	shalt  }
0x82: {  	_ =	shalt  }
0x83: {  	_ =	shalt  }
0x84: {  	_ =	shalt  }
0x85: {  	_ =	shalt  }
0x86: {  	_ =	shalt  }
0x87: {  	_ =	shalt  }
.Lfunc_end0:
.L_simem_size_0:
called_computation_lowered:
.L_overlay_start_0:
0x88: {  	s2 =	sld [smem:$0x3FD9]  }
0x89: {  	s3 =	sld [smem:$0x3FFE];
	_ =	sdelay $0x1  }
0x8a: {  	s1 =	srdreg.scid  }
0x8b: {  	s0 =	sand.u32 $0x1, s1  }
0x8c: {  	s14 =	sshll.u32 s0, $0xA;
	s2 =	sadd.s32 s3, s2  }
0x8d: {  	s2 =	sadd.s32 s2, s14  }
0x8e: {  	[smem:$0x3FBE] =	sst s2  }
0x8f: {  	_ = 	snop  }
0x90: {  	s2 =	sld [smem:$0x3FD0];
	_ =	sdelay $0x2  }
0x91: {  	s15 =	simm.s32 $0xA;
	s4 =	simm.s32 $0x10  }
0x92: {  	[smem:s4], [sflag:s15] =	dma.local [hbm:s2], $0x1  }
0x93: {  	_ =	swait.eq [sflag:s15], $0x1  }
0x94: {  	[sflag:s15] =	ssyncset.done $0x0  }
0x95: {  	s16 =	sld [smem:$0x10];
	[sflag:s15] =	ssyncadd.s32 $0xFFFFFFFF  }
0x96: {  	s17 =	sld [smem:$0x11];
	(tm) =	ssettm $0x1  }
0x97: {  	s18 =	sld [smem:$0x3FFB];
	_ =	sdelay $0x3  }
0x98: {  	_ =	strace s18  }
0x99: {  	s4 =	sld [smem:$0x3FFC];
	_ =	sdelay $0x3  }
0x9a: {  	_ =	strace s4  }
0x9b: {  	s4 =	sld [smem:$0x3FFD];
	_ =	sdelay $0x3  }
0x9c: {  	_ =	strace s4  }
0x9d: {  	_ =	strace $0x8FFFFFFF  }
0x9e: {  	s19 =	sld [smem:$0x3FDB];
	_ =	sdelay $0x1  }
0x9f: {  	s5 =	simm.s32 $_scs_section_size  }
0xa0: {  	s6 =	simm.s32 $_size__tile_overlayer_lowered;
	s7 =	simm.s32 $_tile_overlayer_lowered  }
0xa1: {  	s22 =	simm.s32 $0x1BFF;
	s21 =	sshll.u32 s7, $0x1;
	s4 =	sadd.s32 s5, s19  }
0xa2: {  	s8 =	simm.s32 $0x0;
	s20 =	sshll.u32 s6, $0x1;
	s6 =	sadd.s32 s21, s4  }
0xa3: {  	[timem:s8], [sflag:s22] =	dma.local [hbm:s6], s20  }
0xa4: {  	_ =	swait.ge [sflag:s22], s20  }
0xa5: {  	s5 =	ssub.s32 $0x0, s20;
	[sflag:s22] =	ssyncset.done $0x0  }
0xa6: {  	[sflag:s22] =	ssyncadd.s32 s5;
	_ =	sdelay $0x1  }
0xa7: {  	s23 =	simm.s32 $0x1B8B  }
0xa8: {  	_ =	swait.ge [sflag:s23], $0x1  }
0xa9: {  	[sflag:s23] =	ssyncset.done $0x0  }
0xaa: {  	s25 =	simm.s32 $0x1B8E;
	s24 =	sld [smem:$0x3FFE];
	[sflag:s23] =	ssyncadd.s32 $0xFFFFFFFF  }
0xab: {  	s26 =	simm.s32 $execute0_lowered;
	[smem:$0x3FD2] =	sst s25  }
0xac: {  	s6 =	sshll.u32 s26, $0x1;
	_ =	strace $0x80000046;
	[dreg:$0x1] =	wrdreg $0xFFFFFFFF  }
0xad: {  	s28 =	simm.s32 $_size_execute0_lowered;
	s4 =	sadd.s32 s4, s6;
	[dreg:$0x0] =	wrdreg $0x0  }
0xae: {  	s6 =	sshll.u32 s28, $0x1;
	[dreg:$0x2] =	wrdreg s4  }
0xaf: {  	[dreg:$0x3] =	wrdreg s6  }
0xb0: {  	[dreg:$0x4] =	wrdreg $0xC0  }
0xb1: {  	_ =	task [dreg:s8], $0x5FFFF  }
0xb2: {  	[dreg:$0x1] =	wrdreg $0xFFFFFFFF  }
0xb3: {  	[dreg:$0x0] =	wrdreg $0x60  }
0xb4: {  	[dreg:$0x2] =	wrdreg s24  }
0xb5: {  	[dreg:$0x3] =	wrdreg s16  }
0xb6: {  	[dreg:$0x4] =	wrdreg s17  }
0xb7: {  	[dreg:$0x5] =	wrdreg $0x9  }
0xb8: {  	_ =	task.clear_ibuf [dreg:s8], $0x6FFFF;
	_ =	strace $0x90000046  }
0xb9: {  	s29 =	simm.s32 $0x9;
	_ =	strace $0x80000048  }
0xba: {  	_ =	swait.ge [sflag:s29], $0x1  }
0xbb: {  	[sflag:s29] =	ssyncadd.s32 $0xFFFFFFFF  }
0xbc: {  	_ =	strace $0x90000048  }
0xbd: {  	_ =	sfence  }
0xbe: {  	s30 =	sld [smem:$0x0];
	_ =	sdelay $0x2  }
0xbf: {  	s31 =	sshll.u32 s1, $0xD;
	s1 =	sshrl.u32 s1, $0x2  }
0xc0: {  	s3 =	sand.u32 $0x4000, s31;
	s1 =	sadd.s32 s1, s30  }
0xc1: {  	s0 =	sor.u32 s3, s0;
	s1 =	sshll.u32 s1, $0x11  }
0xc2: {  	s0 =	sor.u32 s1, s0  }
0xc3: {  	s0 =	sadd.s32 $0x8F2B, s0  }
0xc4: {  	[sflag:s0] =	ssyncadd.remote.s32 $0x1  }
0xc5: {  	_ =	sfence.sel $0xFFFF  }
0xc6: {  	[dreg:$0x0] =	wrdreg $0xFFFFFFFF;
	(pc) =	sbr.abs _section_cstart, $3  }
0xc7: {  	[dreg:$0x1] =	wrdreg $0xFFFFFFFF  }
0xc8: {  	_ =	task.clear_ibuf [dreg:s8], $0x2FFFF;
	_ =	strace $0x9FFFFFFF  }
0xc9: {  	(tm) =	ssettm $0x7FFFFFFF  }
tec
execute0_lowered:
.L_overlay_start_1:
0x0: {  	(tag) =	ssettag $0x1  }
0x1: {  	s0 =	rddreg [dreg:$0x0]  }
0x2: {  	s1 =	rddreg [dreg:$0x1]  }
0x3: {  	s3 =	rddreg [dreg:$0x2];
	s4 =	simm.s32 $0x0  }
0x4: {  	s2 =	srdreg.scid;
	s11 =	stileid.u32;
	s14 =	simm.s32 $0x2  }
0x5: {  	s15 =	simm.s32 $0x80;
	s16 =	simm.s32 $0x50;
	s17 =	simm.s32 $0x100  }
0x6: {  	v0 =	vimm.s32 $0xFFEDCBA9;
	s18 =	simm.s32 $0x2900;
	s19 =	simm.s32 $0x1;
	s20 =	simm.s32 $0x5100  }
0x7: {  	v1 =	vimm.s32 $0x87654321;
	s21 =	simm.s32 $0x5380;
	s22 =	simm.s32 $0x7B80;
	s23 =	simm.s32 $0x5300  }
0x8: {  	s24 =	simm.s32 $0x0;
	[smem:$0x7FF] =	sst s4;
	s2 =	sand.u32 $0x1, s2;
	v0 =	vunpack.c.l.s4.s8 v0;
	v1 =	vunpack.c.l.s4.s8 v1  }
0x9: {  	s5 =	sshll.u32 s11, $0x1;
	s6 =	sadd.s32 $0x1800, s0;
	s7 =	sadd.s32 $0x15400, s0  }
0xa: {  	s12 =	smul.u32 $0x4E20, s11;
	s8 =	sor.u32 s2, s5;
	s10 =	ssub.s32 $0x2, s2;
	v0 =	vunpack.c.0.s8.s32 v0;
	v1 =	vunpack.c.0.s8.s32 v1  }
0xb: {  	_ =	strace $0x80000047;
	s9 =	smul.u32 $0x500, s8;
	s30 =	sshrl.u32 s10, $0x1  }
0xc: {  	s5 =	sadd.s32 $0xB600, s0;
	s2 =	smul.u32 $0x2710, s2;
	s31 =	ssub.s32 s10, s30;
	v0 =	vcombine.low v1, v0  }
0xd: {  	v4 =	vimm.s32 $0x0;
	v2 =	vlaneseq.u32;
	s8 =	smul.u32 $0x2710, s8;
	s0 =	sadd.s32 s9, s0;
	s11 =	smax.u32 s31, $0x1  }
0xe: {  	vm0 =	vcmask $0x3F3C;
	v1 =	vimm.s32 $0xFFFFFFFF;
	s9 =	sadd.s32 $0x15600, s0;
	s10 =	sadd.s32 $0x1F600, s0;
	s0 =	sadd.s32 s2, s12;
	v3 =	vand.u32 $0xF, v0  }
.LBB2_1:
0xf: {  	s2 =	simm.s32 $0xA380  }
0x10: {  	[tilespmem:s2], [sflag:$0x2] =	stream.linear.gather [hbm4b:s7+s4], $0x80, $0x38;
	[tilespmem:$0xA400] =	vst v63  }
0x11: {  	_ =	swait.ge [sflag:s14], $0x80  }
0x12: {  	[sflag:s14] =	ssyncset.done $0x0  }
0x13: {  	s12 =	simm.s32 $0x0;
	s2 =	simm.s32 $0x40;
	[sflag:s14] =	ssyncadd.s32 $0xFFFFFF80  }
.LBB2_2:
0x14: {  	p0 =	sne.s32 s2, $0x9FC0;
	[tilespmem:s12+$0x5380] =	vst v1;
	s25 =	smov.u32 s2;
	s2 =	sadd.s32 $0x40, s2  }
.Ltmp0:
0x15: {  	[tilespmem:s12+$0x7B80] =	vst v4;
	(pc) =	sbr.rel @p0 .LBB2_2-.Ltmp0, $2  }
0x16: {  	_ =	sdelay $0x2  }
0x17: {  	s12 =	sshra.s32 s25, $0x2  }
0x18: {  	[tilespmem:s12+$0x5380] =	vst v1  }
0x19: {  	[tilespmem:s12+$0x7B80] =	vst v4  }
0x1a: {  	v1 =	vld [tilespmem:$0xA3A0];
	_ =	sdelay $0x3  }
0x1b: {  	v0 =	vld [tilespmem:$0xA380]  }
0x1c: {  	v4 =	vbroadcast v1, $0x3;
	_ =	sdelay $0x1  }
0x1d: {  	[tilespmem:$0x1FC80] =	vst v4;
	v4 =	vbroadcast v1, $0x4;
	_ =	sdelay $0x1  }
0x1e: {  	[tilespmem:$0x1FC90] =	vst v4;
	v4 =	vbroadcast v0, $0x5;
	_ =	sdelay $0x1  }
0x1f: {  	[tilespmem:$0x1FCA0] =	vst v4;
	v4 =	vbroadcast v1, $0x5;
	_ =	sdelay $0x1  }
0x20: {  	[tilespmem:$0x1FCB0] =	vst v4;
	v4 =	vbroadcast v0, $0x6;
	_ =	sdelay $0x1  }
0x21: {  	[tilespmem:$0x1FCC0] =	vst v4;
	v4 =	vbroadcast v1, $0x6;
	_ =	sdelay $0x1  }
0x22: {  	[tilespmem:$0x1FCD0] =	vst v4;
	v4 =	vbroadcast v0, $0x7;
	_ =	sdelay $0x1  }
0x23: {  	[tilespmem:$0x1FCE0] =	vst v4;
	v4 =	vbroadcast v1, $0x7;
	_ =	sdelay $0x1  }
0x24: {  	[tilespmem:$0x1FCF0] =	vst v4;
	v4 =	vbroadcast v0, $0x8;
	_ =	sdelay $0x1  }
0x25: {  	[tilespmem:$0x1FD00] =	vst v4;
	v4 =	vbroadcast v1, $0x8  }
0x26: {  	v15 =	vbroadcast v0, $0x0;
	v17 =	vbroadcast v0, $0x1  }
0x27: {  	v19 =	vbroadcast v0, $0x2;
	[tilespmem:$0x1FD10] =	vst v4;
	v4 =	vbroadcast v0, $0x9  }
0x28: {  	v21 =	vbroadcast v0, $0x3;
	v5 =	vbroadcast v0, $0xA  }
0x29: {  	v23 =	vbroadcast v0, $0x4;
	[tilespmem:$0x1FD20] =	vst v4;
	v4 =	vbroadcast v1, $0x9  }
0x2a: {  	v6 =	vbroadcast v0, $0xB;
	v58 =	vbroadcast v0, $0xC;
	[tilespmem:$0x1FD40] =	vst v5  }
0x2b: {  	v60 =	vbroadcast v0, $0xD;
	v5 =	vbroadcast v1, $0xA;
	[tilespmem:$0x1FD30] =	vst v4;
	v4 =	vld [tilespmem:$0xA390]  }
0x2c: {  	v62 =	vbroadcast v0, $0xE;
	v0 =	vbroadcast v0, $0xF  }
0x2d: {  	[tilespmem:$0x1FD50] =	vst v5;
	v5 =	vld [tilespmem:$0xA3B0]  }
0x2e: {  	[tilespmem:$0x1FDE0] =	vst v0;
	v0 =	vbroadcast v1, $0xF;
	_ =	sdelay $0x1  }
0x2f: {  	[tilespmem:$0x1FDF0] =	vst v0;
	v0 =	vbroadcast v4, $0x0;
	_ =	sdelay $0x1  }
0x30: {  	[tilespmem:$0x1FE00] =	vst v0;
	v0 =	vbroadcast v5, $0x0;
	_ =	sdelay $0x1  }
0x31: {  	[tilespmem:$0x1FE10] =	vst v0;
	v0 =	vbroadcast v4, $0x1;
	_ =	sdelay $0x1  }
0x32: {  	[tilespmem:$0x1FE20] =	vst v0;
	v0 =	vbroadcast v5, $0x1;
	_ =	sdelay $0x1  }
0x33: {  	[tilespmem:$0x1FE30] =	vst v0;
	v0 =	vbroadcast v4, $0x2;
	_ =	sdelay $0x1  }
0x34: {  	[tilespmem:$0x1FE40] =	vst v0;
	v0 =	vbroadcast v5, $0x2;
	_ =	sdelay $0x1  }
0x35: {  	[tilespmem:$0x1FE50] =	vst v0;
	v0 =	vbroadcast v4, $0x3;
	_ =	sdelay $0x1  }
0x36: {  	[tilespmem:$0x1FE60] =	vst v0;
	v0 =	vbroadcast v5, $0x3;
	_ =	sdelay $0x1  }
0x37: {  	[tilespmem:$0x1FE70] =	vst v0;
	v0 =	vbroadcast v4, $0x4;
	_ =	sdelay $0x1  }
0x38: {  	[tilespmem:$0x1FE80] =	vst v0;
	v0 =	vbroadcast v5, $0x4;
	_ =	sdelay $0x1  }
0x39: {  	[tilespmem:$0x1FE90] =	vst v0;
	v0 =	vbroadcast v4, $0x5;
	_ =	sdelay $0x1  }
0x3a: {  	[tilespmem:$0x1FEA0] =	vst v0;
	v0 =	vbroadcast v5, $0x5;
	_ =	sdelay $0x1  }
0x3b: {  	[tilespmem:$0x1FEB0] =	vst v0;
	v0 =	vbroadcast v4, $0x6;
	_ =	sdelay $0x1  }
0x3c: {  	[tilespmem:$0x1FEC0] =	vst v0;
	v0 =	vbroadcast v5, $0x6;
	_ =	sdelay $0x1  }
0x3d: {  	[tilespmem:$0x1FED0] =	vst v0;
	v0 =	vbroadcast v4, $0x7;
	_ =	sdelay $0x1  }
0x3e: {  	[tilespmem:$0x1FEE0] =	vst v0;
	v0 =	vbroadcast v5, $0x7;
	_ =	sdelay $0x1  }
0x3f: {  	[tilespmem:$0x1FEF0] =	vst v0;
	v0 =	vbroadcast v4, $0x8;
	_ =	sdelay $0x1  }
0x40: {  	[tilespmem:$0x1FF00] =	vst v0;
	v0 =	vbroadcast v5, $0x8;
	_ =	sdelay $0x1  }
0x41: {  	[tilespmem:$0x1FF10] =	vst v0;
	v0 =	vbroadcast v4, $0x9;
	_ =	sdelay $0x1  }
0x42: {  	[tilespmem:$0x1FF20] =	vst v0;
	v0 =	vbroadcast v5, $0x9;
	_ =	sdelay $0x1  }
0x43: {  	[tilespmem:$0x1FF30] =	vst v0;
	v0 =	vbroadcast v4, $0xA;
	_ =	sdelay $0x1  }
0x44: {  	[tilespmem:$0x1FF40] =	vst v0;
	v0 =	vbroadcast v5, $0xA;
	_ =	sdelay $0x1  }
0x45: {  	[tilespmem:$0x1FF50] =	vst v0;
	v0 =	vbroadcast v4, $0xB;
	_ =	sdelay $0x1  }
0x46: {  	[tilespmem:$0x1FF60] =	vst v0;
	v0 =	vbroadcast v5, $0xB;
	_ =	sdelay $0x1  }
0x47: {  	[tilespmem:$0x1FF70] =	vst v0;
	v0 =	vbroadcast v4, $0xC  }
0x48: {  	v57 =	vbroadcast v1, $0xB;
	[tilespmem:$0x1FD60] =	vst v6  }
0x49: {  	[tilespmem:$0x1FF80] =	vst v0;
	v0 =	vbroadcast v5, $0xC  }
0x4a: {  	[tilespmem:$0x1FD70] =	vst v57  }
0x4b: {  	[tilespmem:$0x1FF90] =	vst v0;
	v0 =	vbroadcast v4, $0xD  }
0x4c: {  	v59 =	vbroadcast v1, $0xC;
	[tilespmem:$0x1FD80] =	vst v58  }
0x4d: {  	[tilespmem:$0x1FFA0] =	vst v0;
	v0 =	vbroadcast v5, $0xD  }
0x4e: {  	[tilespmem:$0x1FD90] =	vst v59  }
0x4f: {  	[tilespmem:$0x1FFB0] =	vst v0;
	v0 =	vbroadcast v4, $0xE  }
0x50: {  	v61 =	vbroadcast v1, $0xD;
	[tilespmem:$0x1FDA0] =	vst v60  }
0x51: {  	[tilespmem:$0x1FFC0] =	vst v0;
	v0 =	vbroadcast v5, $0xE  }
0x52: {  	[tilespmem:$0x1FDB0] =	vst v61  }
0x53: {  	[tilespmem:$0x1FFD0] =	vst v0;
	v0 =	vbroadcast v4, $0xF  }
0x54: {  	v63 =	vbroadcast v1, $0xE;
	[tilespmem:$0x1FDC0] =	vst v62  }
0x55: {  	[tilespmem:$0x1FFE0] =	vst v0;
	v0 =	vbroadcast v5, $0xF  }
0x56: {  	v16 =	vbroadcast v1, $0x0;
	[tilespmem:$0x1FDD0] =	vst v63  }
0x57: {  	s25 =	simm.s32 $0x0;
	s12 =	smov.u32 s0;
	s28 =	simm.s32 $0x0;
	v33 =	vld [tilespmem:$0xA3C0];
	v18 =	vbroadcast v1, $0x1;
	v20 =	vbroadcast v1, $0x2;
	[tilespmem:$0x1FFF0] =	vst v0  }
.LBB2_4:
0x58: {  	s2 =	smul.u32 $0x50, s28;
	_ =	sdelay $0x1  }
0x59: {  	s2 =	sadd.s32 s8, s2  }
0x5a: {  	s29 =	sshrl.u32 s2, $0x3  }
0x5b: {  	s2 =	sadd.s32 s5, s29  }
0x5c: {  	[tilespmem:s25], [sflag:$0x2] =	stream.linear.gather [hbm4b:s2+s25], $0x50, $0x38;
	[tilespmem:$0xA400] =	vst v63  }
0x5d: {  	_ =	swait.ge [sflag:s14], $0x50  }
0x5e: {  	[sflag:s14] =	ssyncset.done $0x0  }
0x5f: {  	s26 =	sadd.s32 s6, s29;
	[sflag:s14] =	ssyncadd.s32 $0xFFFFFFB0  }
0x60: {  	[tilespmem:s15], [sflag:$0x2] =	stream.linear.gather [hbm4b:s26+s25], $0x50, $0x38;
	[tilespmem:$0xA400] =	vst v63  }
0x61: {  	_ =	swait.ge [sflag:s14], $0x50  }
0x62: {  	[sflag:s14] =	ssyncset.done $0x0  }
0x63: {  	[sflag:s14] =	ssyncadd.s32 $0xFFFFFFB0  }
0x64: {  	[tilespmem:s17], [sflag:$0x1] =	stream.indirect.gather [hbm4b:s1+s16], $0x80, s25, s16, $0xb8;
	[tilespmem:$0xA400] =	vst v63  }
0x65: {  	_ = 	snop  }
0x66: {  	[tilespmem:s18], [sflag:$0x1] =	stream.indirect.gather [hbm4b:s1+s16], $0x80, s15, s16, $0xb8;
	[tilespmem:$0xA400] =	vst v63  }
0x67: {  	_ =	swait.ge [sflag:s19], $0x2800  }
0x68: {  	[sflag:s19] =	ssyncset.done $0x0  }
0x69: {  	[sflag:s19] =	ssyncadd.s32 $0xFFFFD800  }
0x6a: {  	_ =	swait.ge [sflag:s19], $0x2800  }
0x6b: {  	v34 =	vld [tilespmem:$0x1FD30]  }
0x6c: {  	v35 =	vld [tilespmem:$0x1FD40]  }
0x6d: {  	v36 =	vld [tilespmem:$0x1FD50]  }
0x6e: {  	v37 =	vld [tilespmem:$0x1FD60]  }
0x6f: {  	v38 =	vld [tilespmem:$0x1FD70]  }
0x70: {  	v39 =	vld [tilespmem:$0x1FD80]  }
0x71: {  	v40 =	vld [tilespmem:$0x1FD90]  }
0x72: {  	v41 =	vld [tilespmem:$0x1FDA0]  }
0x73: {  	v42 =	vld [tilespmem:$0x1FDB0]  }
0x74: {  	v43 =	vld [tilespmem:$0x1FDC0]  }
0x75: {  	v44 =	vld [tilespmem:$0x1FDD0]  }
0x76: {  	v45 =	vld [tilespmem:$0x1FDE0]  }
0x77: {  	v46 =	vld [tilespmem:$0x1FDF0]  }
0x78: {  	v47 =	vld [tilespmem:$0x1FE00]  }
0x79: {  	v48 =	vld [tilespmem:$0x1FE10]  }
0x7a: {  	v49 =	vld [tilespmem:$0x1FE20]  }
0x7b: {  	v50 =	vld [tilespmem:$0x1FE30]  }
0x7c: {  	v51 =	vld [tilespmem:$0x1FE40]  }
0x7d: {  	v52 =	vld [tilespmem:$0x1FE50]  }
0x7e: {  	v53 =	vld [tilespmem:$0x1FE60]  }
0x7f: {  	v54 =	vld [tilespmem:$0x1FE70]  }
0x80: {  	v55 =	vld [tilespmem:$0x1FE80]  }
0x81: {  	v56 =	vld [tilespmem:$0x1FE90]  }
0x82: {  	v57 =	vld [tilespmem:$0x1FEA0]  }
0x83: {  	v58 =	vld [tilespmem:$0x1FEB0]  }
0x84: {  	v59 =	vld [tilespmem:$0x1FEC0]  }
0x85: {  	v60 =	vld [tilespmem:$0x1FED0]  }
0x86: {  	v61 =	vld [tilespmem:$0x1FEE0]  }
0x87: {  	v62 =	vld [tilespmem:$0x1FEF0]  }
0x88: {  	v63 =	vld [tilespmem:$0x1FF00]  }
0x89: {  	v0 =	vld [tilespmem:$0x1FF10]  }
0x8a: {  	v1 =	vld [tilespmem:$0x1FF20]  }
0x8b: {  	v4 =	vld [tilespmem:$0x1FF30]  }
0x8c: {  	v5 =	vld [tilespmem:$0x1FF40]  }
0x8d: {  	v6 =	vld [tilespmem:$0x1FF50]  }
0x8e: {  	v22 =	vld [tilespmem:$0x1FF60]  }
0x8f: {  	v24 =	vld [tilespmem:$0x1FF70]  }
0x90: {  	v25 =	vld [tilespmem:$0x1FF80]  }
0x91: {  	v26 =	vld [tilespmem:$0x1FF90]  }
0x92: {  	v27 =	vld [tilespmem:$0x1FFA0]  }
0x93: {  	v28 =	vld [tilespmem:$0x1FFB0]  }
0x94: {  	v29 =	vld [tilespmem:$0x1FFC0]  }
0x95: {  	v30 =	vld [tilespmem:$0x1FFD0]  }
0x96: {  	s30 =	simm.s32 $0x500;
	s31 =	simm.s32 $0x2D20;
	[sflag:s19] =	ssyncset.done $0x0;
	v31 =	vld [tilespmem:$0x1FFE0]  }
0x97: {  	s2 =	simm.s32 $0x0;
	s26 =	smov.u32 s12;
	v32 =	vld [tilespmem:$0x1FFF0];
	[sflag:s19] =	ssyncadd.s32 $0xFFFFD800  }
.LBB2_5:
0x98: {  	v8 =	vld [tilespmem:s30+$0xFFFFFC00]  }
0x99: {  	v9 =	vld [tilespmem:s31+$0xFFFFFC00]  }
0x9a: {  	v7 =	vmul.u32 $0x10, v2;
	_ =	sdelay $0x3  }
0x9b: {  	v8 =	vadd.f32 v9, v8;
	_ =	sdelay $0x1  }
0x9c: {  	[tilespmem:v7+s20+$0x0] =	vst.idx.msk $0xffff, v8  }
0x9d: {  	v8 =	vld [tilespmem:s30+$0xFFFFFC10]  }
0x9e: {  	v9 =	vld [tilespmem:s31+$0xFFFFFC10];
	_ =	sdelay $0x1  }
0x9f: {  	v10 =	vor.u32 $0x100, v7;
	_ =	sdelay $0x2  }
0xa0: {  	v8 =	vadd.f32 v9, v8;
	_ =	sdelay $0x1  }
0xa1: {  	[tilespmem:v10+s20+$0x0] =	vst.idx.msk $0xffff, v8  }
0xa2: {  	v8 =	vld [tilespmem:s30+$0xFFFFFC80]  }
0xa3: {  	v9 =	vld [tilespmem:s31+$0xFFFFFC80];
	_ =	sdelay $0x1  }
0xa4: {  	v10 =	vor.u32 $0x1, v7;
	_ =	sdelay $0x2  }
0xa5: {  	v8 =	vadd.f32 v9, v8;
	_ =	sdelay $0x1  }
0xa6: {  	[tilespmem:v10+s20+$0x0] =	vst.idx.msk $0xffff, v8  }
0xa7: {  	v8 =	vld [tilespmem:s30+$0xFFFFFC90]  }
0xa8: {  	v9 =	vld [tilespmem:s31+$0xFFFFFC90];
	_ =	sdelay $0x1  }
0xa9: {  	v10 =	vor.u32 $0x101, v7;
	_ =	sdelay $0x2  }
0xaa: {  	v8 =	vadd.f32 v9, v8;
	_ =	sdelay $0x1  }
0xab: {  	[tilespmem:v10+s20+$0x0] =	vst.idx.msk $0xffff, v8  }
0xac: {  	v8 =	vld [tilespmem:s30+$0xFFFFFD00]  }
0xad: {  	v9 =	vld [tilespmem:s31+$0xFFFFFD00];
	_ =	sdelay $0x1  }
0xae: {  	v10 =	vor.u32 $0x2, v7;
	_ =	sdelay $0x2  }
0xaf: {  	v8 =	vadd.f32 v9, v8;
	_ =	sdelay $0x1  }
0xb0: {  	[tilespmem:v10+s20+$0x0] =	vst.idx.msk $0xffff, v8  }
0xb1: {  	v8 =	vld [tilespmem:s30+$0xFFFFFD10]  }
0xb2: {  	v9 =	vld [tilespmem:s31+$0xFFFFFD10];
	_ =	sdelay $0x1  }
0xb3: {  	v10 =	vor.u32 $0x102, v7;
	_ =	sdelay $0x2  }
0xb4: {  	v8 =	vadd.f32 v9, v8;
	_ =	sdelay $0x1  }
0xb5: {  	[tilespmem:v10+s20+$0x0] =	vst.idx.msk $0xffff, v8  }
0xb6: {  	v8 =	vld [tilespmem:s30+$0xFFFFFD80]  }
0xb7: {  	v9 =	vld [tilespmem:s31+$0xFFFFFD80];
	_ =	sdelay $0x1  }
0xb8: {  	v10 =	vor.u32 $0x3, v7;
	_ =	sdelay $0x2  }
0xb9: {  	v8 =	vadd.f32 v9, v8;
	_ =	sdelay $0x1  }
0xba: {  	[tilespmem:v10+s20+$0x0] =	vst.idx.msk $0xffff, v8  }
0xbb: {  	v8 =	vld [tilespmem:s30+$0xFFFFFD90]  }
0xbc: {  	v9 =	vld [tilespmem:s31+$0xFFFFFD90];
	_ =	sdelay $0x1  }
0xbd: {  	v10 =	vor.u32 $0x103, v7;
	_ =	sdelay $0x2  }
0xbe: {  	v8 =	vadd.f32 v9, v8;
	_ =	sdelay $0x1  }
0xbf: {  	[tilespmem:v10+s20+$0x0] =	vst.idx.msk $0xffff, v8  }
0xc0: {  	v8 =	vld [tilespmem:s30+$0xFFFFFE00]  }
0xc1: {  	v9 =	vld [tilespmem:s31+$0xFFFFFE00];
	_ =	sdelay $0x1  }
0xc2: {  	v10 =	vor.u32 $0x4, v7;
	_ =	sdelay $0x2  }
0xc3: {  	v8 =	vadd.f32 v9, v8;
	_ =	sdelay $0x1  }
0xc4: {  	[tilespmem:v10+s20+$0x0] =	vst.idx.msk $0xffff, v8  }
0xc5: {  	v8 =	vld [tilespmem:s30+$0xFFFFFE10]  }
0xc6: {  	v9 =	vld [tilespmem:s31+$0xFFFFFE10];
	_ =	sdelay $0x1  }
0xc7: {  	v10 =	vor.u32 $0x104, v7;
	_ =	sdelay $0x2  }
0xc8: {  	v8 =	vadd.f32 v9, v8;
	_ =	sdelay $0x1  }
0xc9: {  	[tilespmem:v10+s20+$0x0] =	vst.idx.msk $0xffff, v8  }
0xca: {  	v8 =	vld [tilespmem:s30+$0xFFFFFE80]  }
0xcb: {  	v9 =	vld [tilespmem:s31+$0xFFFFFE80];
	_ =	sdelay $0x1  }
0xcc: {  	v10 =	vor.u32 $0x5, v7;
	_ =	sdelay $0x2  }
0xcd: {  	v8 =	vadd.f32 v9, v8;
	_ =	sdelay $0x1  }
0xce: {  	[tilespmem:v10+s20+$0x0] =	vst.idx.msk $0xffff, v8  }
0xcf: {  	v8 =	vld [tilespmem:s30+$0xFFFFFE90]  }
0xd0: {  	v9 =	vld [tilespmem:s31+$0xFFFFFE90];
	_ =	sdelay $0x1  }
0xd1: {  	v10 =	vor.u32 $0x105, v7;
	_ =	sdelay $0x2  }
0xd2: {  	v8 =	vadd.f32 v9, v8;
	_ =	sdelay $0x1  }
0xd3: {  	[tilespmem:v10+s20+$0x0] =	vst.idx.msk $0xffff, v8  }
0xd4: {  	v8 =	vld [tilespmem:s30+$0xFFFFFF00]  }
0xd5: {  	v9 =	vld [tilespmem:s31+$0xFFFFFF00];
	_ =	sdelay $0x1  }
0xd6: {  	v10 =	vor.u32 $0x6, v7;
	_ =	sdelay $0x2  }
0xd7: {  	v8 =	vadd.f32 v9, v8;
	_ =	sdelay $0x1  }
0xd8: {  	[tilespmem:v10+s20+$0x0] =	vst.idx.msk $0xffff, v8  }
0xd9: {  	v8 =	vld [tilespmem:s30+$0xFFFFFF10]  }
0xda: {  	v9 =	vld [tilespmem:s31+$0xFFFFFF10];
	_ =	sdelay $0x1  }
0xdb: {  	v10 =	vor.u32 $0x106, v7;
	_ =	sdelay $0x2  }
0xdc: {  	v8 =	vadd.f32 v9, v8;
	_ =	sdelay $0x1  }
0xdd: {  	[tilespmem:v10+s20+$0x0] =	vst.idx.msk $0xffff, v8  }
0xde: {  	v8 =	vld [tilespmem:s30+$0xFFFFFF80]  }
0xdf: {  	v9 =	vld [tilespmem:s31+$0xFFFFFF80];
	_ =	sdelay $0x1  }
0xe0: {  	v10 =	vor.u32 $0x7, v7;
	_ =	sdelay $0x2  }
0xe1: {  	v8 =	vadd.f32 v9, v8;
	_ =	sdelay $0x1  }
0xe2: {  	[tilespmem:v10+s20+$0x0] =	vst.idx.msk $0xffff, v8  }
0xe3: {  	v8 =	vld [tilespmem:s30+$0xFFFFFF90]  }
0xe4: {  	v9 =	vld [tilespmem:s31+$0xFFFFFF90];
	_ =	sdelay $0x1  }
0xe5: {  	v10 =	vor.u32 $0x107, v7;
	_ =	sdelay $0x2  }
0xe6: {  	v8 =	vadd.f32 v9, v8;
	_ =	sdelay $0x1  }
0xe7: {  	[tilespmem:v10+s20+$0x0] =	vst.idx.msk $0xffff, v8  }
0xe8: {  	v8 =	vld [tilespmem:s30+$0x0]  }
0xe9: {  	v9 =	vld [tilespmem:s31+$0x0];
	_ =	sdelay $0x1  }
0xea: {  	v10 =	vor.u32 $0x8, v7;
	_ =	sdelay $0x2  }
0xeb: {  	v8 =	vadd.f32 v9, v8;
	_ =	sdelay $0x1  }
0xec: {  	[tilespmem:v10+s20+$0x0] =	vst.idx.msk $0xffff, v8  }
0xed: {  	v8 =	vld [tilespmem:s30+$0x10]  }
0xee: {  	v9 =	vld [tilespmem:s31+$0x10];
	_ =	sdelay $0x1  }
0xef: {  	v10 =	vor.u32 $0x108, v7;
	_ =	sdelay $0x2  }
0xf0: {  	v8 =	vadd.f32 v9, v8;
	_ =	sdelay $0x1  }
0xf1: {  	[tilespmem:v10+s20+$0x0] =	vst.idx.msk $0xffff, v8  }
0xf2: {  	v8 =	vld [tilespmem:s30+$0x80]  }
0xf3: {  	v9 =	vld [tilespmem:s31+$0x80];
	_ =	sdelay $0x1  }
0xf4: {  	v10 =	vor.u32 $0x9, v7;
	_ =	sdelay $0x2  }
0xf5: {  	v8 =	vadd.f32 v9, v8;
	_ =	sdelay $0x1  }
0xf6: {  	[tilespmem:v10+s20+$0x0] =	vst.idx.msk $0xffff, v8  }
0xf7: {  	v8 =	vld [tilespmem:s30+$0x90]  }
0xf8: {  	v9 =	vld [tilespmem:s31+$0x90];
	_ =	sdelay $0x1  }
0xf9: {  	v10 =	vor.u32 $0x109, v7;
	_ =	sdelay $0x2  }
0xfa: {  	v8 =	vadd.f32 v9, v8;
	_ =	sdelay $0x1  }
0xfb: {  	[tilespmem:v10+s20+$0x0] =	vst.idx.msk $0xffff, v8  }
0xfc: {  	v8 =	vld [tilespmem:s30+$0x100]  }
0xfd: {  	v9 =	vld [tilespmem:s31+$0x100];
	_ =	sdelay $0x1  }
0xfe: {  	v10 =	vor.u32 $0xA, v7;
	_ =	sdelay $0x2  }
0xff: {  	v8 =	vadd.f32 v9, v8;
	_ =	sdelay $0x1  }
0x100: {  	[tilespmem:v10+s20+$0x0] =	vst.idx.msk $0xffff, v8  }
0x101: {  	v8 =	vld [tilespmem:s30+$0x110]  }
0x102: {  	v9 =	vld [tilespmem:s31+$0x110];
	_ =	sdelay $0x1  }
0x103: {  	v10 =	vor.u32 $0x10A, v7;
	_ =	sdelay $0x2  }
0x104: {  	v8 =	vadd.f32 v9, v8;
	_ =	sdelay $0x1  }
0x105: {  	[tilespmem:v10+s20+$0x0] =	vst.idx.msk $0xffff, v8  }
0x106: {  	v8 =	vld [tilespmem:s30+$0x180]  }
0x107: {  	v9 =	vld [tilespmem:s31+$0x180];
	_ =	sdelay $0x1  }
0x108: {  	v10 =	vor.u32 $0xB, v7;
	_ =	sdelay $0x2  }
0x109: {  	v8 =	vadd.f32 v9, v8;
	_ =	sdelay $0x1  }
0x10a: {  	[tilespmem:v10+s20+$0x0] =	vst.idx.msk $0xffff, v8  }
0x10b: {  	v8 =	vld [tilespmem:s30+$0x190]  }
0x10c: {  	v9 =	vld [tilespmem:s31+$0x190];
	_ =	sdelay $0x1  }
0x10d: {  	v10 =	vor.u32 $0x10B, v7;
	_ =	sdelay $0x2  }
0x10e: {  	v8 =	vadd.f32 v9, v8;
	_ =	sdelay $0x1  }
0x10f: {  	[tilespmem:v10+s20+$0x0] =	vst.idx.msk $0xffff, v8  }
0x110: {  	v8 =	vld [tilespmem:s30+$0x200]  }
0x111: {  	v9 =	vld [tilespmem:s31+$0x200];
	_ =	sdelay $0x1  }
0x112: {  	v10 =	vor.u32 $0xC, v7;
	_ =	sdelay $0x2  }
0x113: {  	v8 =	vadd.f32 v9, v8;
	_ =	sdelay $0x1  }
0x114: {  	[tilespmem:v10+s20+$0x0] =	vst.idx.msk $0xffff, v8  }
0x115: {  	v8 =	vld [tilespmem:s30+$0x210]  }
0x116: {  	v9 =	vld [tilespmem:s31+$0x210];
	_ =	sdelay $0x1  }
0x117: {  	v10 =	vor.u32 $0x10C, v7;
	_ =	sdelay $0x2  }
0x118: {  	v8 =	vadd.f32 v9, v8;
	_ =	sdelay $0x1  }
0x119: {  	[tilespmem:v10+s20+$0x0] =	vst.idx.msk $0xffff, v8  }
0x11a: {  	v8 =	vld [tilespmem:s30+$0x280]  }
0x11b: {  	v9 =	vld [tilespmem:s31+$0x280];
	_ =	sdelay $0x1  }
0x11c: {  	v10 =	vor.u32 $0xD, v7;
	_ =	sdelay $0x2  }
0x11d: {  	v8 =	vadd.f32 v9, v8;
	_ =	sdelay $0x1  }
0x11e: {  	[tilespmem:v10+s20+$0x0] =	vst.idx.msk $0xffff, v8  }
0x11f: {  	v8 =	vld [tilespmem:s30+$0x290]  }
0x120: {  	v9 =	vld [tilespmem:s31+$0x290];
	_ =	sdelay $0x1  }
0x121: {  	v10 =	vor.u32 $0x10D, v7;
	_ =	sdelay $0x2  }
0x122: {  	v8 =	vadd.f32 v9, v8;
	_ =	sdelay $0x1  }
0x123: {  	[tilespmem:v10+s20+$0x0] =	vst.idx.msk $0xffff, v8  }
0x124: {  	v8 =	vld [tilespmem:s30+$0x300]  }
0x125: {  	v9 =	vld [tilespmem:s31+$0x300];
	_ =	sdelay $0x1  }
0x126: {  	v10 =	vor.u32 $0xE, v7;
	_ =	sdelay $0x2  }
0x127: {  	v8 =	vadd.f32 v9, v8;
	_ =	sdelay $0x1  }
0x128: {  	[tilespmem:v10+s20+$0x0] =	vst.idx.msk $0xffff, v8  }
0x129: {  	v8 =	vld [tilespmem:s30+$0x310]  }
0x12a: {  	v9 =	vld [tilespmem:s31+$0x310];
	_ =	sdelay $0x1  }
0x12b: {  	v10 =	vor.u32 $0x10E, v7;
	_ =	sdelay $0x2  }
0x12c: {  	v8 =	vadd.f32 v9, v8;
	_ =	sdelay $0x1  }
0x12d: {  	[tilespmem:v10+s20+$0x0] =	vst.idx.msk $0xffff, v8  }
0x12e: {  	v8 =	vld [tilespmem:s30+$0x380]  }
0x12f: {  	v9 =	vld [tilespmem:s31+$0x380];
	_ =	sdelay $0x1  }
0x130: {  	v10 =	vor.u32 $0xF, v7;
	_ =	sdelay $0x2  }
0x131: {  	v8 =	vadd.f32 v9, v8;
	_ =	sdelay $0x1  }
0x132: {  	[tilespmem:v10+s20+$0x0] =	vst.idx.msk $0xffff, v8  }
0x133: {  	v8 =	vld [tilespmem:s30+$0x390]  }
0x134: {  	v9 =	vld [tilespmem:s31+$0x390];
	_ =	sdelay $0x1  }
0x135: {  	v7 =	vor.u32 $0x10F, v7;
	_ =	sdelay $0x2  }
0x136: {  	v8 =	vadd.f32 v9, v8;
	_ =	sdelay $0x1  }
0x137: {  	[tilespmem:v7+s20+$0x0] =	vst.idx.msk $0xffff, v8  }
0x138: {  	v7 =	vld [tilespmem:$0x5100];
	_ =	sdelay $0x1  }
0x139: {  	v8 =	vld [tilespmem:$0x5110];
	_ =	sdelay $0x2  }
0x13a: {  	v7 =	vadd.f32 v7, v15;
	_ =	sdelay $0x1  }
0x13b: {  	v9 =	vld [tilespmem:$0x5120];
	v8 =	vadd.f32 v8, v17;
	v7 =	vmax.f32 v7, $0.0e+00  }
0x13c: {  	v10 =	vshrl.u32 v7, $0x10  }
0x13d: {  	v11 =	vld [tilespmem:$0x5130];
	v8 =	vmax.f32 v8, $0.0e+00;
	v10 =	vand.u32 $0x1, v10  }
0x13e: {  	v7 =	vadd.s32 v10, v7;
	v10 =	vshrl.u32 v8, $0x10  }
0x13f: {  	v12 =	vld [tilespmem:$0x5140];
	v7 =	vadd.s32 $0x7FFF, v7;
	v10 =	vand.u32 $0x1, v10  }
0x140: {  	v9 =	vadd.f32 v9, v19;
	v7 =	vand.u32 $0xFFFF0000, v7;
	v8 =	vadd.s32 v10, v8  }
0x141: {  	v7 =	vmul.f32 v7, v16;
	v8 =	vadd.s32 $0x7FFF, v8  }
0x142: {  	v9 =	vmax.f32 v9, $0.0e+00;
	v10 =	vadd.f32 v11, v21;
	v8 =	vand.u32 $0xFFFF0000, v8  }
0x143: {  	v11 =	vshrl.u32 v9, $0x10;
	v7 =	vadd.f32 v7, v33;
	v8 =	vmul.f32 v8, v18  }
0x144: {  	v12 =	vadd.f32 v12, v23;
	v11 =	vand.u32 $0x1, v11;
	v10 =	vmax.f32 v10, $0.0e+00  }
0x145: {  	v7 =	vadd.f32 v8, v7;
	v8 =	vadd.s32 v11, v9;
	v9 =	vshrl.u32 v10, $0x10  }
0x146: {  	v11 =	vmax.f32 v12, $0.0e+00;
	v9 =	vand.u32 $0x1, v9  }
0x147: {  	v8 =	vadd.s32 $0x7FFF, v8;
	v9 =	vadd.s32 v9, v10;
	v10 =	vshrl.u32 v11, $0x10  }
0x148: {  	v13 =	vld [tilespmem:$0x5150];
	v8 =	vand.u32 $0xFFFF0000, v8;
	v10 =	vand.u32 $0x1, v10  }
0x149: {  	v8 =	vmul.f32 v8, v20;
	v10 =	vadd.s32 v10, v11;
	v11 =	vld [tilespmem:$0x1FCA0];
	_ =	sdelay $0x1  }
0x14a: {  	v7 =	vadd.f32 v8, v7;
	v8 =	vld [tilespmem:$0x1FC80];
	_ =	sdelay $0x2  }
0x14b: {  	v9 =	vadd.s32 $0x7FFF, v9;
	v11 =	vadd.f32 v13, v11  }
0x14c: {  	v12 =	vld [tilespmem:$0x5160];
	v9 =	vand.u32 $0xFFFF0000, v9  }
0x14d: {  	v8 =	vmul.f32 v9, v8;
	v9 =	vadd.s32 $0x7FFF, v10;
	v10 =	vmax.f32 v11, $0.0e+00;
	v11 =	vld [tilespmem:$0x1FCC0];
	_ =	sdelay $0x2  }
0x14e: {  	v14 =	vld [tilespmem:$0x5170]  }
0x14f: {  	v7 =	vadd.f32 v8, v7;
	v8 =	vld [tilespmem:$0x1FC90]  }
0x150: {  	v11 =	vadd.f32 v12, v11;
	v12 =	vld [tilespmem:$0x1FCE0];
	_ =	sdelay $0x3  }
0x151: {  	v9 =	vand.u32 $0xFFFF0000, v9  }
0x152: {  	v8 =	vmul.f32 v9, v8;
	v9 =	vshrl.u32 v10, $0x10;
	v12 =	vadd.f32 v14, v12;
	v14 =	vld [tilespmem:$0x1FCB0]  }
0x153: {  	v9 =	vand.u32 $0x1, v9;
	v11 =	vmax.f32 v11, $0.0e+00  }
0x154: {  	v7 =	vadd.f32 v8, v7;
	v8 =	vadd.s32 v9, v10;
	v9 =	vshrl.u32 v11, $0x10  }
0x155: {  	v8 =	vadd.s32 $0x7FFF, v8;
	v9 =	vand.u32 $0x1, v9;
	v10 =	vmax.f32 v12, $0.0e+00  }
0x156: {  	v8 =	vand.u32 $0xFFFF0000, v8;
	v9 =	vadd.s32 v9, v11;
	v11 =	vshrl.u32 v10, $0x10  }
0x157: {  	v13 =	vld [tilespmem:$0x5180];
	v11 =	vand.u32 $0x1, v11;
	v8 =	vmul.f32 v8, v14  }
0x158: {  	v10 =	vadd.s32 v11, v10;
	v11 =	vld [tilespmem:$0x1FD00]  }
0x159: {  	v7 =	vadd.f32 v8, v7;
	v8 =	vld [tilespmem:$0x1FCD0];
	_ =	sdelay $0x2  }
0x15a: {  	v9 =	vadd.s32 $0x7FFF, v9  }
0x15b: {  	v12 =	vld [tilespmem:$0x5190];
	v9 =	vand.u32 $0xFFFF0000, v9;
	v11 =	vadd.f32 v13, v11  }
0x15c: {  	v14 =	vld [tilespmem:$0x51A0];
	v8 =	vmul.f32 v9, v8  }
0x15d: {  	v9 =	vadd.s32 $0x7FFF, v10;
	v10 =	vmax.f32 v11, $0.0e+00;
	v11 =	vld [tilespmem:$0x1FD20]  }
0x15e: {  	v7 =	vadd.f32 v8, v7;
	v8 =	vld [tilespmem:$0x1FCF0];
	_ =	sdelay $0x3  }
0x15f: {  	v9 =	vand.u32 $0xFFFF0000, v9;
	v11 =	vadd.f32 v12, v11  }
0x160: {  	v12 =	vadd.f32 v14, v35;
	v14 =	vld [tilespmem:$0x1FD10];
	v8 =	vmul.f32 v9, v8;
	v9 =	vshrl.u32 v10, $0x10  }
0x161: {  	v13 =	vld [tilespmem:$0x51B0];
	v11 =	vmax.f32 v11, $0.0e+00;
	v9 =	vand.u32 $0x1, v9  }
0x162: {  	v7 =	vadd.f32 v8, v7;
	v8 =	vadd.s32 v9, v10;
	v9 =	vshrl.u32 v11, $0x10  }
0x163: {  	v10 =	vmax.f32 v12, $0.0e+00;
	v12 =	vld [tilespmem:$0x51C0];
	v8 =	vadd.s32 $0x7FFF, v8;
	v9 =	vand.u32 $0x1, v9  }
0x164: {  	v8 =	vand.u32 $0xFFFF0000, v8;
	v9 =	vadd.s32 v9, v11;
	v11 =	vshrl.u32 v10, $0x10  }
0x165: {  	v8 =	vmul.f32 v8, v14;
	v9 =	vadd.s32 $0x7FFF, v9;
	v11 =	vand.u32 $0x1, v11;
	v14 =	vld [tilespmem:$0x51D0]  }
0x166: {  	v9 =	vand.u32 $0xFFFF0000, v9;
	v10 =	vadd.s32 v11, v10;
	v11 =	vadd.f32 v13, v37  }
0x167: {  	v7 =	vadd.f32 v8, v7;
	v8 =	vmul.f32 v9, v34;
	v9 =	vadd.s32 $0x7FFF, v10  }
0x168: {  	v9 =	vand.u32 $0xFFFF0000, v9;
	v10 =	vmax.f32 v11, $0.0e+00;
	v11 =	vadd.f32 v12, v39  }
0x169: {  	v7 =	vadd.f32 v8, v7;
	v8 =	vmul.f32 v9, v36;
	v9 =	vshrl.u32 v10, $0x10  }
0x16a: {  	v13 =	vld [tilespmem:$0x51E0];
	v9 =	vand.u32 $0x1, v9;
	v11 =	vmax.f32 v11, $0.0e+00;
	v12 =	vadd.f32 v14, v41  }
0x16b: {  	v7 =	vadd.f32 v8, v7;
	v8 =	vadd.s32 v9, v10;
	v9 =	vshrl.u32 v11, $0x10  }
0x16c: {  	v8 =	vadd.s32 $0x7FFF, v8;
	v9 =	vand.u32 $0x1, v9;
	v10 =	vmax.f32 v12, $0.0e+00;
	v12 =	vld [tilespmem:$0x51F0]  }
0x16d: {  	v8 =	vand.u32 $0xFFFF0000, v8;
	v9 =	vadd.s32 v9, v11;
	v11 =	vshrl.u32 v10, $0x10  }
0x16e: {  	v14 =	vld [tilespmem:$0x5200];
	v8 =	vmul.f32 v8, v38;
	v9 =	vadd.s32 $0x7FFF, v9;
	v11 =	vand.u32 $0x1, v11  }
0x16f: {  	v9 =	vand.u32 $0xFFFF0000, v9;
	v10 =	vadd.s32 v11, v10;
	v11 =	vadd.f32 v13, v43  }
0x170: {  	v7 =	vadd.f32 v8, v7;
	v8 =	vmul.f32 v9, v40;
	v9 =	vadd.s32 $0x7FFF, v10  }
0x171: {  	v9 =	vand.u32 $0xFFFF0000, v9;
	v10 =	vmax.f32 v11, $0.0e+00;
	v11 =	vadd.f32 v12, v45  }
0x172: {  	v7 =	vadd.f32 v8, v7;
	v8 =	vmul.f32 v9, v42;
	v9 =	vshrl.u32 v10, $0x10  }
0x173: {  	v13 =	vld [tilespmem:$0x5210];
	v12 =	vadd.f32 v14, v47;
	v9 =	vand.u32 $0x1, v9;
	v11 =	vmax.f32 v11, $0.0e+00  }
0x174: {  	v7 =	vadd.f32 v8, v7;
	v8 =	vadd.s32 v9, v10;
	v9 =	vshrl.u32 v11, $0x10  }
0x175: {  	v10 =	vmax.f32 v12, $0.0e+00;
	v12 =	vld [tilespmem:$0x5220];
	v8 =	vadd.s32 $0x7FFF, v8;
	v9 =	vand.u32 $0x1, v9  }
0x176: {  	v8 =	vand.u32 $0xFFFF0000, v8;
	v9 =	vadd.s32 v9, v11;
	v11 =	vshrl.u32 v10, $0x10  }
0x177: {  	v14 =	vld [tilespmem:$0x5230];
	v8 =	vmul.f32 v8, v44;
	v9 =	vadd.s32 $0x7FFF, v9;
	v11 =	vand.u32 $0x1, v11  }
0x178: {  	v9 =	vand.u32 $0xFFFF0000, v9;
	v10 =	vadd.s32 v11, v10;
	v11 =	vadd.f32 v13, v49  }
0x179: {  	v7 =	vadd.f32 v8, v7;
	v8 =	vmul.f32 v9, v46;
	v9 =	vadd.s32 $0x7FFF, v10  }
0x17a: {  	v9 =	vand.u32 $0xFFFF0000, v9;
	v10 =	vmax.f32 v11, $0.0e+00;
	v11 =	vadd.f32 v12, v51  }
0x17b: {  	v7 =	vadd.f32 v8, v7;
	v8 =	vmul.f32 v9, v48;
	v9 =	vshrl.u32 v10, $0x10  }
0x17c: {  	v13 =	vld [tilespmem:$0x5240];
	v12 =	vadd.f32 v14, v53;
	v9 =	vand.u32 $0x1, v9;
	v11 =	vmax.f32 v11, $0.0e+00  }
0x17d: {  	v7 =	vadd.f32 v8, v7;
	v8 =	vadd.s32 v9, v10;
	v9 =	vshrl.u32 v11, $0x10  }
0x17e: {  	v10 =	vmax.f32 v12, $0.0e+00;
	v12 =	vld [tilespmem:$0x5250];
	v8 =	vadd.s32 $0x7FFF, v8;
	v9 =	vand.u32 $0x1, v9  }
0x17f: {  	v8 =	vand.u32 $0xFFFF0000, v8;
	v9 =	vadd.s32 v9, v11;
	v11 =	vshrl.u32 v10, $0x10  }
0x180: {  	v14 =	vld [tilespmem:$0x5260];
	v8 =	vmul.f32 v8, v50;
	v9 =	vadd.s32 $0x7FFF, v9;
	v11 =	vand.u32 $0x1, v11  }
0x181: {  	v9 =	vand.u32 $0xFFFF0000, v9;
	v10 =	vadd.s32 v11, v10;
	v11 =	vadd.f32 v13, v55  }
0x182: {  	v7 =	vadd.f32 v8, v7;
	v8 =	vmul.f32 v9, v52;
	v9 =	vadd.s32 $0x7FFF, v10  }
0x183: {  	v9 =	vand.u32 $0xFFFF0000, v9;
	v10 =	vmax.f32 v11, $0.0e+00;
	v11 =	vadd.f32 v12, v57  }
0x184: {  	v7 =	vadd.f32 v8, v7;
	v8 =	vmul.f32 v9, v54;
	v9 =	vshrl.u32 v10, $0x10  }
0x185: {  	v13 =	vld [tilespmem:$0x5270];
	v12 =	vadd.f32 v14, v59;
	v9 =	vand.u32 $0x1, v9;
	v11 =	vmax.f32 v11, $0.0e+00  }
0x186: {  	v7 =	vadd.f32 v8, v7;
	v8 =	vadd.s32 v9, v10;
	v9 =	vshrl.u32 v11, $0x10  }
0x187: {  	v10 =	vmax.f32 v12, $0.0e+00;
	v12 =	vld [tilespmem:$0x5280];
	v8 =	vadd.s32 $0x7FFF, v8;
	v9 =	vand.u32 $0x1, v9  }
0x188: {  	v8 =	vand.u32 $0xFFFF0000, v8;
	v9 =	vadd.s32 v9, v11;
	v11 =	vshrl.u32 v10, $0x10  }
0x189: {  	v14 =	vld [tilespmem:$0x5290];
	v8 =	vmul.f32 v8, v56;
	v9 =	vadd.s32 $0x7FFF, v9;
	v11 =	vand.u32 $0x1, v11  }
0x18a: {  	v9 =	vand.u32 $0xFFFF0000, v9;
	v10 =	vadd.s32 v11, v10;
	v11 =	vadd.f32 v13, v61  }
0x18b: {  	v7 =	vadd.f32 v8, v7;
	v8 =	vmul.f32 v9, v58;
	v9 =	vadd.s32 $0x7FFF, v10  }
0x18c: {  	v9 =	vand.u32 $0xFFFF0000, v9;
	v10 =	vmax.f32 v11, $0.0e+00;
	v11 =	vadd.f32 v12, v63  }
0x18d: {  	v7 =	vadd.f32 v8, v7;
	v8 =	vmul.f32 v9, v60;
	v9 =	vshrl.u32 v10, $0x10  }
0x18e: {  	v13 =	vld [tilespmem:$0x52A0];
	v12 =	vadd.f32 v14, v1;
	v9 =	vand.u32 $0x1, v9;
	v11 =	vmax.f32 v11, $0.0e+00  }
0x18f: {  	v7 =	vadd.f32 v8, v7;
	v8 =	vadd.s32 v9, v10;
	v9 =	vshrl.u32 v11, $0x10  }
0x190: {  	v10 =	vmax.f32 v12, $0.0e+00;
	v12 =	vld [tilespmem:$0x52B0];
	v8 =	vadd.s32 $0x7FFF, v8;
	v9 =	vand.u32 $0x1, v9  }
0x191: {  	v8 =	vand.u32 $0xFFFF0000, v8;
	v9 =	vadd.s32 v9, v11;
	v11 =	vshrl.u32 v10, $0x10  }
0x192: {  	v14 =	vld [tilespmem:$0x52C0];
	v8 =	vmul.f32 v8, v62;
	v9 =	vadd.s32 $0x7FFF, v9;
	v11 =	vand.u32 $0x1, v11  }
0x193: {  	v9 =	vand.u32 $0xFFFF0000, v9;
	v10 =	vadd.s32 v11, v10;
	v11 =	vadd.f32 v13, v5  }
0x194: {  	v7 =	vadd.f32 v8, v7;
	v8 =	vmul.f32 v9, v0;
	v9 =	vadd.s32 $0x7FFF, v10  }
0x195: {  	v9 =	vand.u32 $0xFFFF0000, v9;
	v10 =	vmax.f32 v11, $0.0e+00;
	v11 =	vadd.f32 v12, v22  }
0x196: {  	v7 =	vadd.f32 v8, v7;
	v8 =	vmul.f32 v9, v4;
	v9 =	vshrl.u32 v10, $0x10  }
0x197: {  	v13 =	vld [tilespmem:$0x52D0];
	v12 =	vadd.f32 v14, v25;
	v9 =	vand.u32 $0x1, v9;
	v11 =	vmax.f32 v11, $0.0e+00  }
0x198: {  	v7 =	vadd.f32 v8, v7;
	v8 =	vadd.s32 v9, v10;
	v9 =	vshrl.u32 v11, $0x10  }
0x199: {  	v10 =	vmax.f32 v12, $0.0e+00;
	v12 =	vld [tilespmem:$0x52E0];
	v8 =	vadd.s32 $0x7FFF, v8;
	v9 =	vand.u32 $0x1, v9  }
0x19a: {  	v8 =	vand.u32 $0xFFFF0000, v8;
	v9 =	vadd.s32 v9, v11;
	v11 =	vshrl.u32 v10, $0x10  }
0x19b: {  	v14 =	vld [tilespmem:$0x52F0];
	v8 =	vmul.f32 v8, v6;
	v9 =	vadd.s32 $0x7FFF, v9;
	v11 =	vand.u32 $0x1, v11  }
0x19c: {  	v9 =	vand.u32 $0xFFFF0000, v9;
	v10 =	vadd.s32 v11, v10;
	v11 =	vadd.f32 v13, v27  }
0x19d: {  	v7 =	vadd.f32 v8, v7;
	v8 =	vmul.f32 v9, v24;
	v9 =	vadd.s32 $0x7FFF, v10  }
0x19e: {  	v9 =	vand.u32 $0xFFFF0000, v9;
	v10 =	vmax.f32 v11, $0.0e+00;
	v11 =	vadd.f32 v12, v29  }
0x19f: {  	v7 =	vadd.f32 v8, v7;
	v8 =	vmul.f32 v9, v26;
	v9 =	vshrl.u32 v10, $0x10  }
0x1a0: {  	v12 =	vadd.f32 v14, v31;
	v9 =	vand.u32 $0x1, v9;
	v11 =	vmax.f32 v11, $0.0e+00  }
0x1a1: {  	v7 =	vadd.f32 v8, v7;
	v8 =	vadd.s32 v9, v10;
	v9 =	vshrl.u32 v11, $0x10  }
0x1a2: {  	v10 =	vmax.f32 v12, $0.0e+00;
	v8 =	vadd.s32 $0x7FFF, v8;
	v9 =	vand.u32 $0x1, v9  }
0x1a3: {  	v8 =	vand.u32 $0xFFFF0000, v8;
	v9 =	vadd.s32 v9, v11;
	v11 =	vshrl.u32 v10, $0x10  }
0x1a4: {  	v8 =	vmul.f32 v8, v28;
	v9 =	vadd.s32 $0x7FFF, v9;
	v11 =	vand.u32 $0x1, v11  }
0x1a5: {  	s13 =	sshra.s32 s2, $0x2;
	v9 =	vand.u32 $0xFFFF0000, v9;
	v10 =	vadd.s32 v11, v10  }
0x1a6: {  	v7 =	vadd.f32 v8, v7;
	v8 =	vmul.f32 v9, v30;
	v9 =	vadd.s32 $0x7FFF, v10;
	v10 =	vld [tilespmem:s13+$0x0]  }
0x1a7: {  	v9 =	vand.u32 $0xFFFF0000, v9  }
0x1a8: {  	v7 =	vadd.f32 v8, v7;
	v8 =	vmul.f32 v9, v32;
	_ =	sdelay $0x1  }
0x1a9: {  	v7 =	vadd.f32 v8, v7  }
0x1aa: {  	v8 =	vshll.u32 v10, $0x4  }
0x1ab: {  	vm1 =	vgt.f32 v7, $0.0e+00;
	v8 =	vor.u32 v2, v8  }
0x1ac: {  	v7 =	vsub.f32 $0.0e+00, v7;
	v8 =	vnsel vm1, $0x40000000, v8  }
0x1ad: {  	(xrf1) =	vsort.ascd.msk.u32 $0xffff, v8, v8  }
0x1ae: {  	v7 =	vmul.f32 $1.442695020e+00, v7;
	_ =	sdelay $0x1  }
0x1af: {  	(erf) = vpow2.f32 v7;
	_ =	sdelay $0x2  }
0x1b0: {  	v7 =	vld [tilespmem:s13+$0x80];
	_ =	sdelay $0x4  }
0x1b1: {  	v8 =	vshll.u32 v7, $0x4  }
0x1b2: {  	v8 =	vor.u32 v2, v8;
	v9 =	vpop (erf)  }
0x1b3: {  	v8 =	vnsel vm1, $0x40000000, v8;
	v9 =	vadd.f32 $1.000000000e+00, v9  }
0x1b4: {  	v11, _, _ =	vpop (xrf1);
	(xrf1) =	vsort.ascd.msk.u32 $0xffff, v8, v8  }
0x1b5: {  	(erf) = vrcp.f32 v9;
	v8 =	vperm.xlane v11, v3;
	_ =	sdelay $0x1  }
0x1b6: {  	v9 =	vshra.s32 v11, $0x4;
	v8 =	vshra.s32 v8, $0x4  }
0x1b7: {  	vm1 =	vne.s32 v9, v8  }
0x1b8: {  	vm2 =	vlt.s32 v11, $0x40000000;
	vm1 =	vmor vm1, vm0  }
0x1b9: {  	vm1 =	vmand vm2, vm1  }
0x1ba: {  	v8 =	vnsel vm1, $0x0, v9;
	_ =	sdelay $0x2  }
0x1bb: {  	v9 =	vpop (erf)  }
0x1bc: {  	[tilespmem:s13+$0x5300] =	vst v9  }
0x1bd: {  	v9 =	vld.idx.msk [tilespmem:v8+s21+$0x0], vm1;
	_ =	sdelay $0x1  }
0x1be: {  	v12, _, _ =	vpop (xrf1)  }
0x1bf: {  	v11 =	vand.u32 $0xF, v11;
	v13 =	vperm.xlane v12, v3  }
0x1c0: {  	v14 =	vor.u32 s26, v11  }
0x1c1: {  	vm2 =	vgt.s32 v14, v9;
	v9 =	vshra.s32 v12, $0x4;
	v13 =	vshra.s32 v13, $0x4  }
0x1c2: {  	vm3 =	vne.s32 v9, v13;
	vm1 =	vmand vm2, vm1  }
0x1c3: {  	vm2 =	vmor vm3, vm0;
	vm3 =	vlt.s32 v12, $0x40000000  }
0x1c4: {  	vm2 =	vmand vm3, vm2  }
0x1c5: {  	v9 =	vnsel vm2, $0x0, v9;
	_ =	sdelay $0x1  }
0x1c6: {  	v7 =	vperm.xlane v7, v11  }
0x1c7: {  	[tilespmem:v8+s21+$0x0] =	vst.idx.msk vm1, v14  }
0x1c8: {  	[tilespmem:v8+s22+$0x0] =	vst.idx.msk vm1, v7  }
0x1c9: {  	v7 =	vld.idx.msk [tilespmem:v9+s21+$0x0], vm2;
	_ =	sdelay $0x1  }
0x1ca: {  	v8 =	vand.u32 $0xF, v12  }
0x1cb: {  	v11 =	vor.u32 s26, v8  }
0x1cc: {  	v11 =	vadd.s32 $0x4E200, v11  }
0x1cd: {  	vm1 =	vgt.s32 v11, v7  }
0x1ce: {  	vm1 =	vmand vm2, vm1;
	_ =	sdelay $0x1  }
0x1cf: {  	p0 =	sne.s32 s2, $0x100  }
.Ltmp1:
0x1d0: {  	_ = 	snop;
	(pc) =	sbr.rel @p0 .LBB2_5-.Ltmp1, $4  }
0x1d1: {  	_ = 	snop  }
0x1d2: {  	v7 =	vperm.xlane v10, v8  }
0x1d3: {  	s2 =	sadd.s32 $0x40, s2;
	[tilespmem:v9+s21+$0x0] =	vst.idx.msk vm1, v11  }
0x1d4: {  	s30 =	sadd.s32 $0x800, s30;
	s31 =	sadd.s32 $0x800, s31;
	s26 =	sadd.s32 $0x10, s26;
	[tilespmem:v9+s22+$0x0] =	vst.idx.msk vm1, v7  }
0x1d5: {  	s28 =	sadd.s32 $0x1, s28  }
0x1d6: {  	p0 =	sne.s32 s28, $0x7D  }
.Ltmp2:
0x1d7: {  	s2 =	sadd.s32 s3, s29;
	(pc) =	sbr.rel @p0 .LBB2_4-.Ltmp2, $4  }
0x1d8: {  	[hbm4b:s2+s4] =	stream.linear.scatter [tilespmem:s23], [sflag:$0x2], $0x50, $0x38;
	[tilespmem:$0xA400] =	vst v63  }
0x1d9: {  	_ =	swait.ge [sflag:s14], $0x50  }
0x1da: {  	[sflag:s14] =	ssyncset.done $0x0  }
0x1db: {  	s12 =	sadd.s32 $0x50, s12;
	[sflag:s14] =	ssyncadd.s32 $0xFFFFFFB0  }
0x1dc: {  	[hbm4b:s9+s4] =	stream.linear.scatter [tilespmem:s21], [sflag:$0x2], $0x2800, $0x38;
	[tilespmem:$0xA400] =	vst v63  }
0x1dd: {  	s24 =	sadd.s32 $0x1, s24;
	_ =	swait.ge [sflag:s14], $0x2800  }
0x1de: {  	p0 =	sne.s32 s24, s11;
	[sflag:s14] =	ssyncset.done $0x0  }
.Ltmp3:
0x1df: {  	[sflag:s14] =	ssyncadd.s32 $0xFFFFD800;
	(pc) =	sbr.rel @p0 .LBB2_1-.Ltmp3, $4  }
0x1e0: {  	[hbm4b:s10+s4] =	stream.linear.scatter [tilespmem:s22], [sflag:$0x2], $0x2800, $0x38;
	[tilespmem:$0xA400] =	vst v63  }
0x1e1: {  	_ =	swait.ge [sflag:s14], $0x2800  }
0x1e2: {  	[sflag:s14] =	ssyncset.done $0x0  }
0x1e3: {  	v1 =	vimm.s32 $0xFFFFFFFF;
	v4 =	vimm.s32 $0x0;
	[sflag:s14] =	ssyncadd.s32 $0xFFFFD800  }
0x1e4: {  	_ =	sfence.sel $0x180000  }
0x1e5: {  	[bflag:$0x0] =	sbarrier.arrive $0xFFFF  }
0x1e6: {  	_ =	strace $0x90000047  }
0x1e7: {  	s0 =	stileid.u32;
	[bflag:$0x2] =	sbarrier.arrive $0xFFFF  }
0x1e8: {  	p0 =	sne.s32 s0, $0x0;
	s0 =	rddreg [dreg:$0x3]  }
0x1e9: {  	s0 =	sadd.s32 @!p0 $0x100000, s0  }
0x1ea: {  	[sflag:s0] =	ssyncadd.tile.s32 @!p0 $0x1;
	_ =	shalt  }
.Lfunc_end2:
_tile_overlayer_lowered:
.L_overlay_start_2:
0x1eb: {  	(tag) =	ssettag $0x2  }
0x1ec: {  	s0 =	rddreg [dreg:$0x0];
	s2 =	stileid.u32  }
0x1ed: {  	s1 =	rddreg [dreg:$0x1];
	p0 =	sne.s32 s2, $0x0  }
0x1ee: {  	s3 =	rddreg [dreg:$0x2];
	[bflag:$0x3] =	sbarrier.arrive $0xFFFF;
	s2 =	simm.s32 @!p0 $0x1C02  }
0x1ef: {  	[timem:s3], [sflag:s2] =	dma.local @!p0 [hbm:s0], s1  }
0x1f0: {  	s0 =	simm.s32 @!p0 $0x2  }
0x1f1: {  	_ =	swait.ge @!p0 [sflag:s0], s1  }
0x1f2: {  	s1 =	ssub.s32 @!p0 $0x0, s1;
	[sflag:s0] =	ssyncset.done @!p0 $0x0  }
0x1f3: {  	[sflag:s0] =	ssyncadd.s32 @!p0 s1  }
0x1f4: {  	[bflag:$0x3] =	sbarrier.arrive $0xFFFF  }
0x1f5: {  	_ =	shalt  }

// kernel: kernel.9.cloned.1.call-start
scs
__scs_entry_jumppad:
0x0: {  	(pc) =	sbr.rel $0x88, $3  }
0x1: {  	(tag) =	ssettag $0x0;
	lr =	simm.s32 $0x1  }
0x2: {  	[smem:$0x3F97] =	sst lr;
	_ =	strace $0xD0000000  }
0x3: {  	_ = 	snop  }
0x4: {  	_ = 	snop  }
0x5: {  	_ = 	snop  }
0x6: {  	_ = 	snop  }
0x7: {  	_ = 	snop  }
__scs_overlays_trampoline_lowered:
0x8: {  	[smem:$0x3FA6] =	sst s0  }
0x9: {  	[smem:$0x3FA7] =	sst s1  }
0xa: {  	[smem:$0x3FA8] =	sst s2  }
0xb: {  	[smem:$0x3FA9] =	sst s3  }
0xc: {  	[smem:$0x3FAA] =	sst s4  }
0xd: {  	[smem:$0x3FAB] =	sst s5  }
0xe: {  	[smem:$0x3FAC] =	sst s6  }
0xf: {  	[smem:$0x3FAD] =	sst s7  }
0x10: {  	[smem:$0x3FAE] =	sst s8  }
0x11: {  	[smem:$0x3FAF] =	sst s9;
	s0 =	simm.s32 @!p0 $0x0  }
0x12: {  	s1 =	sld [smem:$0x3F95];
	s0 =	simm.s32 @p0 $0x1  }
0x13: {  	[smem:$0x3FB0] =	sst s0;
	s0 =	simm.s32 @!p1 $0x0  }
0x14: {  	s2 =	sld [smem:$0x3F94];
	s0 =	simm.s32 @p1 $0x1  }
0x15: {  	[smem:$0x3FB1] =	sst s0;
	s0 =	simm.s32 @!p2 $0x0  }
0x16: {  	s3 =	sld [smem:$0x3FDB];
	s0 =	simm.s32 @p2 $0x1  }
0x17: {  	s4 =	simm.s32 $0x1BF5;
	[smem:$0x3FB3] =	sst s0  }
0x18: {  	s0 =	sld [smem:$0x3F96];
	_ =	swait.ge [sflag:s4], $0x0  }
0x19: {  	s7 =	sld [smem:$0x3F97]  }
0x1a: {  	s8 =	sadd.s32 $0xFFFFE003, lr  }
0x1b: {  	s9 =	sadd.s32 $0xFFFFFEF7, lr;
	s5 =	simm.s32 $0xFFFFFFFF;
	p2 =	slt.u32 s8, $0xFFFFF086  }
0x1c: {  	p1 =	slt.u32 s9, $0xF7A;
	s5 =	simm.s32 @!p2 $0x0  }
0x1d: {  	s5 =	simm.s32 @p1 $0x1;
	p0 =	seq.s32 s7, s2  }
0x1e: {  	s7 =	smul.u32 @!p0 $0xF7A, s2;
	p2 =	seq.s32 @!p0 s5, $0x0  }
0x1f: {  	s9 =	smul.u32 $0xF7A, s1;
	s8 =	simm.s32 @!p0 $0x1BF5;
	p2 =	por !p2, p0  }
0x20: {  	[sflag:s8] =	ssyncset.s32 @!p0 $0xFFFFF086;
	s6 =	sadd.s32 @!p0 s3, s7;
	s7 =	simm.s32 @!p0 $0x108  }
0x21: {  	s3 =	sadd.s32 s3, s9;
	s6 =	sadd.s32 @!p0 $0x88, s6;
	s7 =	simm.s32 @p2 $0x1082  }
0x22: {  	[simem:s7], [sflag:s8] =	dma.local @!p0 [hbm:s6], $0xF7A  }
0x23: {  	s9 =	sor.u32 $0xD0000000, s2;
	s6 =	simm.s32 $0x108;
	_ =	swait.ge @!p0 [sflag:s8], $0x0  }
0x24: {  	s3 =	sadd.s32 $0x88, s3;
	s6 =	simm.s32 @!p1 $0x1082;
	[sflag:s4] =	ssyncset.s32 $0xFFFFF086  }
0x25: {  	[simem:s6], [sflag:s4] =	dma.local [hbm:s3], $0xF7A  }
0x26: {  	[smem:$0x3F97] =	sst s1;
	(tag) =	ssettag s2;
	_ =	strace s9  }
0x27: {  	s1 =	sld [smem:$0x3FA7]  }
0x28: {  	s2 =	sld [smem:$0x3FA8]  }
0x29: {  	s4 =	sld [smem:$0x3FAA]  }
0x2a: {  	p0 =	seq.s32 s5, $0x0;
	s5 =	sld [smem:$0x3FAB]  }
0x2b: {  	s6 =	sld [smem:$0x3FAC]  }
0x2c: {  	s7 =	sld [smem:$0x3FAD]  }
0x2d: {  	s3 =	simm.s32 $0x108;
	s8 =	sld [smem:$0x3FAE]  }
0x2e: {  	s3 =	simm.s32 @!p0 $0x1082;
	s9 =	sld [smem:$0x3FAF]  }
0x2f: {  	lr =	sadd.s32 s0, s3;
	s0 =	sld [smem:$0x3FA6]  }
0x30: {  	s3 =	sld [smem:$0x3FA9]  }
0x31: {  	[smem:$0x3FB2] =	sst s10  }
0x32: {  	s10 =	sld [smem:$0x3FB0];
	_ =	sdelay $0x3  }
0x33: {  	p0 =	seq.s32 s10, $0x1;
	s10 =	sld [smem:$0x3FB2];
	_ =	sdelay $0x3  }
0x34: {  	[smem:$0x3FB2] =	sst s10  }
0x35: {  	s10 =	sld [smem:$0x3FB1];
	_ =	sdelay $0x3  }
0x36: {  	p1 =	seq.s32 s10, $0x1;
	s10 =	sld [smem:$0x3FB2];
	_ =	sdelay $0x3  }
0x37: {  	[smem:$0x3FB2] =	sst s10  }
0x38: {  	s10 =	sld [smem:$0x3FB3]  }
0x39: {  	_ = 	snop;
	(pc) =	sbr.ind lr, $3  }
0x3a: {  	_ = 	snop  }
0x3b: {  	_ = 	snop  }
0x3c: {  	p2 =	seq.s32 s10, $0x1;
	s10 =	sld [smem:$0x3FB2]  }
0x3d: {  	_ =	shalt  }
0x3e: {  	_ =	shalt  }
0x3f: {  	_ =	shalt  }
0x40: {  	_ =	shalt  }
0x41: {  	_ =	shalt  }
0x42: {  	_ =	shalt  }
0x43: {  	_ =	shalt  }
0x44: {  	_ =	shalt  }
0x45: {  	_ =	shalt  }
0x46: {  	_ =	shalt  }
0x47: {  	_ =	shalt  }
0x48: {  	_ =	shalt  }
0x49: {  	_ =	shalt  }
0x4a: {  	_ =	shalt  }
0x4b: {  	_ =	shalt  }
0x4c: {  	_ =	shalt  }
0x4d: {  	_ =	shalt  }
0x4e: {  	_ =	shalt  }
0x4f: {  	_ =	shalt  }
0x50: {  	_ =	shalt  }
0x51: {  	_ =	shalt  }
0x52: {  	_ =	shalt  }
0x53: {  	_ =	shalt  }
0x54: {  	_ =	shalt  }
0x55: {  	_ =	shalt  }
0x56: {  	_ =	shalt  }
0x57: {  	_ =	shalt  }
0x58: {  	_ =	shalt  }
0x59: {  	_ =	shalt  }
0x5a: {  	_ =	shalt  }
0x5b: {  	_ =	shalt  }
0x5c: {  	_ =	shalt  }
0x5d: {  	_ =	shalt  }
0x5e: {  	_ =	shalt  }
0x5f: {  	_ =	shalt  }
0x60: {  	_ =	shalt  }
0x61: {  	_ =	shalt  }
0x62: {  	_ =	shalt  }
0x63: {  	_ =	shalt  }
0x64: {  	_ =	shalt  }
0x65: {  	_ =	shalt  }
0x66: {  	_ =	shalt  }
0x67: {  	_ =	shalt  }
0x68: {  	_ =	shalt  }
0x69: {  	_ =	shalt  }
0x6a: {  	_ =	shalt  }
0x6b: {  	_ =	shalt  }
0x6c: {  	_ =	shalt  }
0x6d: {  	_ =	shalt  }
0x6e: {  	_ =	shalt  }
0x6f: {  	_ =	shalt  }
0x70: {  	_ =	shalt  }
0x71: {  	_ =	shalt  }
0x72: {  	_ =	shalt  }
0x73: {  	_ =	shalt  }
0x74: {  	_ =	shalt  }
0x75: {  	_ =	shalt  }
0x76: {  	_ =	shalt  }
0x77: {  	_ =	shalt  }
0x78: {  	_ =	shalt  }
0x79: {  	_ =	shalt  }
0x7a: {  	_ =	shalt  }
0x7b: {  	_ =	shalt  }
0x7c: {  	_ =	shalt  }
0x7d: {  	_ =	shalt  }
0x7e: {  	_ =	shalt  }
0x7f: {  	_ =	shalt  }
0x80: {  	_ =	shalt  }
0x81: {  	_ =	shalt  }
0x82: {  	_ =	shalt  }
0x83: {  	_ =	shalt  }
0x84: {  	_ =	shalt  }
0x85: {  	_ =	shalt  }
0x86: {  	_ =	shalt  }
0x87: {  	_ =	shalt  }
.Lfunc_end0:
.L_simem_size_0:
called_computation.1_lowered:
.L_overlay_start_0:
0x88: {  	s2 =	sld [smem:$0x3FD9]  }
0x89: {  	s3 =	sld [smem:$0x3FFE];
	_ =	sdelay $0x1  }
0x8a: {  	s1 =	srdreg.scid  }
0x8b: {  	s0 =	sand.u32 $0x1, s1  }
0x8c: {  	s14 =	sshll.u32 s0, $0xA;
	s2 =	sadd.s32 s3, s2  }
0x8d: {  	s2 =	sadd.s32 s2, s14  }
0x8e: {  	[smem:$0x3FBE] =	sst s2  }
0x8f: {  	_ = 	snop  }
0x90: {  	s2 =	sld [smem:$0x3FD0];
	_ =	sdelay $0x2  }
0x91: {  	s4 =	simm.s32 $0xA;
	s5 =	simm.s32 $0x10;
	s15 =	sld [smem:$0x3FC2]  }
0x92: {  	[smem:s5], [sflag:s4] =	dma.local [hbm:s2], $0x1  }
0x93: {  	_ =	swait.eq [sflag:s4], $0x1  }
0x94: {  	[sflag:s4] =	ssyncset.done $0x0  }
0x95: {  	[sflag:s4] =	ssyncadd.s32 $0xFFFFFFFF  }
0x96: {  	s16 =	sld [smem:$0x10];
	(tm) =	ssettm $0x1  }
0x97: {  	s17 =	sld [smem:$0x3FFB];
	_ =	sdelay $0x3  }
0x98: {  	_ =	strace s17  }
0x99: {  	s4 =	sld [smem:$0x3FFC];
	_ =	sdelay $0x3  }
0x9a: {  	_ =	strace s4  }
0x9b: {  	s4 =	sld [smem:$0x3FFD];
	_ =	sdelay $0x3  }
0x9c: {  	_ =	strace s4  }
0x9d: {  	_ =	strace $0x8FFFFFFF  }
0x9e: {  	s18 =	sld [smem:$0x3FDB];
	_ =	sdelay $0x1  }
0x9f: {  	s19 =	simm.s32 $_scs_section_size  }
0xa0: {  	s6 =	simm.s32 $_size__tile_overlayer_lowered;
	s7 =	simm.s32 $_tile_overlayer_lowered  }
0xa1: {  	s22 =	simm.s32 $0x1BFF;
	s21 =	sshll.u32 s7, $0x1;
	s4 =	sadd.s32 s19, s18  }
0xa2: {  	s8 =	simm.s32 $0x0;
	s20 =	sshll.u32 s6, $0x1;
	s6 =	sadd.s32 s21, s4  }
0xa3: {  	[timem:s8], [sflag:s22] =	dma.local [hbm:s6], s20  }
0xa4: {  	_ =	swait.ge [sflag:s22], s20  }
0xa5: {  	s5 =	ssub.s32 $0x0, s20;
	[sflag:s22] =	ssyncset.done $0x0  }
0xa6: {  	[sflag:s22] =	ssyncadd.s32 s5;
	_ =	sdelay $0x1  }
0xa7: {  	s23 =	simm.s32 $0x1B8B  }
0xa8: {  	_ =	swait.ge [sflag:s23], $0x1  }
0xa9: {  	[sflag:s23] =	ssyncset.done $0x0  }
0xaa: {  	s25 =	simm.s32 $0x1B8E;
	s24 =	sld [smem:$0x3FFE];
	[sflag:s23] =	ssyncadd.s32 $0xFFFFFFFF  }
0xab: {  	s26 =	simm.s32 $execute0_lowered;
	[smem:$0x3FD2] =	sst s25  }
0xac: {  	s6 =	sshll.u32 s26, $0x1;
	_ =	strace $0x80000049;
	[dreg:$0x1] =	wrdreg $0xFFFFFFFF  }
0xad: {  	s28 =	simm.s32 $_size_execute0_lowered;
	s4 =	sadd.s32 s4, s6;
	[dreg:$0x0] =	wrdreg $0x0  }
0xae: {  	s6 =	sshll.u32 s28, $0x1;
	[dreg:$0x2] =	wrdreg s4  }
0xaf: {  	[dreg:$0x3] =	wrdreg s6  }
0xb0: {  	[dreg:$0x4] =	wrdreg $0xC0  }
0xb1: {  	_ =	task [dreg:s8], $0x5FFFF  }
0xb2: {  	[dreg:$0x1] =	wrdreg $0xFFFFFFFF  }
0xb3: {  	[dreg:$0x0] =	wrdreg $0x60  }
0xb4: {  	[dreg:$0x2] =	wrdreg s24  }
0xb5: {  	[dreg:$0x3] =	wrdreg s16  }
0xb6: {  	[dreg:$0x4] =	wrdreg s15  }
0xb7: {  	[dreg:$0x5] =	wrdreg $0x9  }
0xb8: {  	_ =	task.clear_ibuf [dreg:s8], $0x6FFFF;
	_ =	strace $0x90000049  }
0xb9: {  	s29 =	simm.s32 $0x9;
	_ =	strace $0x8000004B  }
0xba: {  	_ =	swait.ge [sflag:s29], $0x1  }
0xbb: {  	[sflag:s29] =	ssyncadd.s32 $0xFFFFFFFF  }
0xbc: {  	_ =	strace $0x9000004B  }
0xbd: {  	_ =	sfence  }
0xbe: {  	s30 =	sld [smem:$0x0];
	_ =	sdelay $0x2  }
0xbf: {  	s31 =	sshll.u32 s1, $0xD;
	s1 =	sshrl.u32 s1, $0x2  }
0xc0: {  	s3 =	sand.u32 $0x4000, s31;
	s1 =	sadd.s32 s1, s30  }
0xc1: {  	s0 =	sor.u32 s3, s0;
	s1 =	sshll.u32 s1, $0x11  }
0xc2: {  	s0 =	sor.u32 s1, s0  }
0xc3: {  	s0 =	sadd.s32 $0x8F2B, s0  }
0xc4: {  	[sflag:s0] =	ssyncadd.remote.s32 $0x1  }
0xc5: {  	_ =	sfence.sel $0xFFFF  }
0xc6: {  	[dreg:$0x0] =	wrdreg $0xFFFFFFFF;
	(pc) =	sbr.abs _section_cstart, $3  }
0xc7: {  	[dreg:$0x1] =	wrdreg $0xFFFFFFFF  }
0xc8: {  	_ =	task.clear_ibuf [dreg:s8], $0x2FFFF;
	_ =	strace $0x9FFFFFFF  }
0xc9: {  	(tm) =	ssettm $0x7FFFFFFF  }
tec
execute0_lowered:
.L_overlay_start_1:
0x0: {  	(tag) =	ssettag $0x1  }
0x1: {  	s0 =	rddreg [dreg:$0x0]  }
0x2: {  	s2 =	rddreg [dreg:$0x1]  }
0x3: {  	s1 =	srdreg.scid;
	s9 =	stileid.u32;
	s4 =	simm.s32 $0x0  }
0x4: {  	s12 =	simm.s32 $0xF900;
	s13 =	simm.s32 $0x2;
	s14 =	simm.s32 $0x180  }
0x5: {  	s15 =	simm.s32 $0x50;
	s16 =	simm.s32 $0x600;
	s17 =	simm.s32 $0x900  }
0x6: {  	s18 =	simm.s32 $0x780;
	s19 =	simm.s32 $0x3100;
	s20 =	simm.s32 $0x1  }
0x7: {  	s21 =	simm.s32 $0x650;
	s22 =	simm.s32 $0x7D0;
	s23 =	simm.s32 $0x6A0  }
0x8: {  	s24 =	simm.s32 $0x820;
	s28 =	simm.s32 $0x5900;
	s29 =	simm.s32 $0x300  }
0x9: {  	s30 =	simm.s32 $0x0;
	s1 =	sand.u32 $0x1, s1;
	s3 =	sshll.u32 s9, $0x1  }
0xa: {  	[smem:$0x7FF] =	sst s4;
	s5 =	sadd.s32 $0x15600, s0;
	s11 =	smul.u32 $0x280, s9  }
0xb: {  	s3 =	sor.u32 s1, s3;
	s26 =	ssub.s32 $0x2, s1;
	s1 =	smul.u32 $0x140, s1  }
0xc: {  	s6 =	sadd.s32 $0x1F600, s0;
	s7 =	smul.u32 $0x140, s3;
	s10 =	sshrl.u32 s26, $0x1  }
0xd: {  	_ =	strace $0x8000004A;
	s8 =	smul.u32 $0x1400, s3;
	s10 =	ssub.s32 s26, s10  }
0xe: {  	s11 =	sadd.s32 s1, s11;
	s26 =	simm.s32 $0x870;
	s31 =	sshrl.u32 s7, $0x3  }
0xf: {  	s25 =	sadd.s32 s8, s0;
	s10 =	smax.u32 s10, $0x1;
	s0 =	sadd.s32 s31, s0  }
0x10: {  	v0 =	vimm.s32 $0xFFFFFFFF;
	v1 =	vimm.s32 $0x0;
	v2 =	vlaneseq.u32;
	s8 =	sadd.s32 $0x29600, s25;
	s25 =	simm.s32 $0x6F0;
	s9 =	sadd.s32 $0x1800, s0  }
.LBB2_1:
0x11: {  	s0 =	rddreg [dreg:$0x2]  }
0x12: {  	[tilespmem:s12], [sflag:$0x2] =	stream.linear.gather [hbm4b:s0+s4], $0x80, $0x38;
	[tilespmem:$0xF980] =	vst v63  }
0x13: {  	_ =	swait.ge [sflag:s13], $0x80  }
0x14: {  	[sflag:s13] =	ssyncset.done $0x0  }
0x15: {  	[sflag:s13] =	ssyncadd.s32 $0xFFFFFF80  }
0x16: {  	[tilespmem:$0x300] =	vst v0  }
0x17: {  	[tilespmem:$0x480] =	vst v1  }
0x18: {  	[tilespmem:$0x310] =	vst v0  }
0x19: {  	[tilespmem:$0x490] =	vst v1  }
0x1a: {  	[tilespmem:$0x320] =	vst v0  }
0x1b: {  	[tilespmem:$0x4A0] =	vst v1  }
0x1c: {  	[tilespmem:$0x330] =	vst v0  }
0x1d: {  	[tilespmem:$0x4B0] =	vst v1  }
0x1e: {  	[tilespmem:$0x340] =	vst v0  }
0x1f: {  	[tilespmem:$0x4C0] =	vst v1  }
0x20: {  	[tilespmem:$0x350] =	vst v0  }
0x21: {  	[tilespmem:$0x4D0] =	vst v1  }
0x22: {  	[tilespmem:$0x360] =	vst v0  }
0x23: {  	[tilespmem:$0x4E0] =	vst v1  }
0x24: {  	[tilespmem:$0x370] =	vst v0  }
0x25: {  	[tilespmem:$0x4F0] =	vst v1  }
0x26: {  	[tilespmem:$0x380] =	vst v0  }
0x27: {  	[tilespmem:$0x500] =	vst v1  }
0x28: {  	[tilespmem:$0x390] =	vst v0  }
0x29: {  	[tilespmem:$0x510] =	vst v1  }
0x2a: {  	[tilespmem:$0x3A0] =	vst v0  }
0x2b: {  	[tilespmem:$0x520] =	vst v1  }
0x2c: {  	[tilespmem:$0x3B0] =	vst v0  }
0x2d: {  	[tilespmem:$0x530] =	vst v1  }
0x2e: {  	[tilespmem:$0x3C0] =	vst v0  }
0x2f: {  	[tilespmem:$0x540] =	vst v1  }
0x30: {  	[tilespmem:$0x3D0] =	vst v0  }
0x31: {  	[tilespmem:$0x550] =	vst v1  }
0x32: {  	[tilespmem:$0x3E0] =	vst v0  }
0x33: {  	[tilespmem:$0x560] =	vst v1  }
0x34: {  	[tilespmem:$0x3F0] =	vst v0  }
0x35: {  	[tilespmem:$0x570] =	vst v1  }
0x36: {  	[tilespmem:$0x400] =	vst v0  }
0x37: {  	[tilespmem:$0x580] =	vst v1  }
0x38: {  	[tilespmem:$0x410] =	vst v0  }
0x39: {  	[tilespmem:$0x590] =	vst v1  }
0x3a: {  	[tilespmem:$0x420] =	vst v0  }
0x3b: {  	[tilespmem:$0x5A0] =	vst v1  }
0x3c: {  	[tilespmem:$0x430] =	vst v0  }
0x3d: {  	s31 =	simm.s32 $0x0;
	[tilespmem:$0x5B0] =	vst v1  }
.LBB2_2:
0x3e: {  	s0 =	smul.u32 $0x2800, s31;
	_ =	sdelay $0x1  }
0x3f: {  	s0 =	sadd.s32 s7, s0  }
0x40: {  	s0 =	sshrl.u32 s0, $0x3  }
0x41: {  	s3 =	simm.s32 $0x0;
	s1 =	sadd.s32 s5, s0  }
0x42: {  	[tilespmem:s3], [sflag:$0x2] =	stream.linear.gather [hbm4b:s1+s3], $0x140, $0x38;
	[tilespmem:$0xF980] =	vst v63  }
0x43: {  	_ =	swait.ge [sflag:s13], $0x140  }
0x44: {  	[sflag:s13] =	ssyncset.done $0x0  }
0x45: {  	s0 =	sadd.s32 s6, s0;
	[sflag:s13] =	ssyncadd.s32 $0xFFFFFEC0  }
0x46: {  	[tilespmem:s14], [sflag:$0x2] =	stream.linear.gather [hbm4b:s0+s3], $0x140, $0x38;
	[tilespmem:$0xF980] =	vst v63  }
0x47: {  	_ =	swait.ge [sflag:s13], $0x140  }
0x48: {  	[sflag:s13] =	ssyncset.done $0x0  }
0x49: {  	s0 =	simm.s32 $0x0;
	[sflag:s13] =	ssyncadd.s32 $0xFFFFFEC0  }
0x4a: {  	v4 =	vld [tilespmem:s0+$0x0]  }
0x4b: {  	v5 =	vld [tilespmem:s0+$0x300]  }
0x4c: {  	v6 =	vld [tilespmem:s0+$0x180]  }
0x4d: {  	v7 =	vld [tilespmem:s0+$0x480];
	_ =	sdelay $0x2  }
0x4e: {  	s1 =	simm.s32 $0x10;
	vm0 =	vgt.s32 v4, v5  }
0x4f: {  	v3 =	vld [tilespmem:s1+$0x180];
	v8 =	vsel vm0, v4, v5  }
0x50: {  	s3 =	simm.s32 $0x80;
	v4 =	vld [tilespmem:s1+$0x0];
	v5 =	vsel vm0, v6, v7;
	[tilespmem:s0+$0x300] =	vst v8  }
.LBB2_3:
0x51: {  	p0 =	sne.s32 s3, $0x4C0;
	v6 =	vld [tilespmem:s1+$0x300];
	[tilespmem:s0+$0x480] =	vst v5;
	s0 =	smov.u32 s1  }
0x52: {  	v5 =	vld [tilespmem:s0+$0x480];
	_ =	sdelay $0x1  }
.Ltmp0:
0x53: {  	(pc) =	sbr.rel @p0 .LBB2_3-.Ltmp0, $4  }
0x54: {  	_ = 	snop  }
0x55: {  	s1 =	sshra.s32 s3, $0x2;
	vm0 =	vgt.s32 v4, v6  }
0x56: {  	v6 =	vsel vm0, v4, v6;
	v5 =	vsel vm0, v3, v5;
	v3 =	vld [tilespmem:s1+$0x180]  }
0x57: {  	s3 =	sadd.s32 $0x40, s3;
	v4 =	vld [tilespmem:s1+$0x0];
	[tilespmem:s0+$0x300] =	vst v6  }
0x58: {  	v6 =	vld [tilespmem:s1+$0x300]  }
0x59: {  	[tilespmem:s0+$0x480] =	vst v5  }
0x5a: {  	s31 =	sadd.s32 $0x1, s31;
	v5 =	vld [tilespmem:s1+$0x480]  }
0x5b: {  	p0 =	sne.s32 s31, $0x20  }
.Ltmp1:
0x5c: {  	_ = 	snop;
	(pc) =	sbr.rel @p0 .LBB2_2-.Ltmp1, $4  }
0x5d: {  	vm0 =	vgt.s32 v4, v6  }
0x5e: {  	v4 =	vsel vm0, v4, v6  }
0x5f: {  	v3 =	vsel vm0, v3, v5;
	[tilespmem:s1+$0x300] =	vst v4  }
0x60: {  	[tilespmem:s1+$0x480] =	vst v3  }
0x61: {  	s0 =	simm.s32 $0x0  }
0x62: {  	v3 =	vld [tilespmem:s0+$0x300]  }
0x63: {  	v4 =	vld [tilespmem:s0+$0x480];
	_ =	sdelay $0x2  }
0x64: {  	s31 =	simm.s32 $0x40;
	s1 =	smov.u32 s11  }
.LBB2_6:
0x65: {  	s3 =	sshra.s32 s31, $0x2;
	p0 =	sne.s32 s31, $0x4C0;
	s31 =	sadd.s32 $0x40, s31;
	vm0 =	vgt.s32 v3, $0x4E1FF;
	v5 =	vor.u32 s1, v2  }
.Ltmp2:
0x66: {  	vm1 =	vgt.s32 v3, $0xFFFFFFFF;
	v3 =	vld [tilespmem:s3+$0x300];
	v6 =	vsel vm0, v4, v5;
	v5 =	vsel vm0, v5, v4;
	(pc) =	sbr.rel @p0 .LBB2_6-.Ltmp2, $4  }
0x67: {  	v4 =	vld [tilespmem:s3+$0x480];
	v6 =	vnsel vm1, $0x0, v6;
	v5 =	vnsel vm1, $0x0, v5  }
0x68: {  	[tilespmem:s0+$0x780] =	vst v5  }
0x69: {  	[tilespmem:s0+$0x600] =	vst v6;
	s0 =	smov.u32 s3  }
0x6a: {  	s1 =	sadd.s32 $0x10, s1  }
0x6b: {  	vm0 =	vgt.s32 v3, $0x4E1FF;
	v5 =	vor.u32 s1, v2  }
0x6c: {  	vm1 =	vgt.s32 v3, $0xFFFFFFFF;
	v3 =	vsel vm0, v5, v4  }
0x6d: {  	v4 =	vsel vm0, v4, v5;
	v3 =	vnsel vm1, $0x0, v3  }
0x6e: {  	v4 =	vnsel vm1, $0x0, v4;
	[tilespmem:s0+$0x780] =	vst v3  }
0x6f: {  	[tilespmem:s0+$0x600] =	vst v4  }
0x70: {  	[tilespmem:s17], [sflag:$0x1] =	stream.indirect.gather [hbm4b:s2+s15], $0x80, s16, s15, $0xb8;
	[tilespmem:$0xF980] =	vst v63  }
0x71: {  	_ = 	snop  }
0x72: {  	[tilespmem:s19], [sflag:$0x1] =	stream.indirect.gather [hbm4b:s2+s15], $0x80, s18, s15, $0xb8;
	[tilespmem:$0xF980] =	vst v63  }
0x73: {  	_ =	swait.ge [sflag:s20], $0x2800  }
0x74: {  	[sflag:s20] =	ssyncset.done $0x0  }
0x75: {  	[sflag:s20] =	ssyncadd.s32 $0xFFFFD800  }
0x76: {  	_ =	swait.ge [sflag:s20], $0x2800  }
0x77: {  	[sflag:s20] =	ssyncset.done $0x0  }
0x78: {  	s31 =	simm.s32 $0x0;
	[sflag:s20] =	ssyncadd.s32 $0xFFFFD800  }
0x79: {  	v3 =	vld [tilespmem:s31+$0x940]  }
0x7a: {  	v4 =	vld [tilespmem:s31+$0x3160];
	_ =	sdelay $0x1  }
0x7b: {  	v5 =	vld [tilespmem:$0xF900];
	_ =	sdelay $0x2  }
0x7c: {  	v3 =	vadd.f32 v4, v3;
	_ =	sdelay $0x1  }
0x7d: {  	v3 =	vadd.f32 v5, v3  }
0x7e: {  	v4 =	vld [tilespmem:s31+$0x950]  }
0x7f: {  	v5 =	vld [tilespmem:s31+$0x3170];
	v3 =	vmax.f32 v3, $0.0e+00  }
0x80: {  	[tilespmem:s31+$0x5900] =	vst v3  }
0x81: {  	v3 =	vld [tilespmem:$0xF910];
	_ =	sdelay $0x2  }
0x82: {  	v4 =	vadd.f32 v5, v4;
	_ =	sdelay $0x1  }
0x83: {  	s1 =	simm.s32 $0x80;
	v4 =	vadd.f32 v3, v4  }
0x84: {  	s0 =	simm.s32 $0x400;
	v3 =	vld [tilespmem:s1+$0x940]  }
.LBB2_8:
0x85: {  	p0 =	sne.s32 s0, $0x9E00;
	v5 =	vld [tilespmem:s1+$0x3160];
	v4 =	vmax.f32 v4, $0.0e+00  }
0x86: {  	[tilespmem:s31+$0x5910] =	vst v4;
	s31 =	smov.u32 s1  }
0x87: {  	v4 =	vld [tilespmem:$0xF900];
	_ =	sdelay $0x2  }
0x88: {  	v3 =	vadd.f32 v5, v3;
	_ =	sdelay $0x1  }
0x89: {  	v3 =	vadd.f32 v4, v3  }
0x8a: {  	v4 =	vld [tilespmem:s31+$0x950]  }
0x8b: {  	v3 =	vmax.f32 v3, $0.0e+00;
	v5 =	vld [tilespmem:s31+$0x3170]  }
0x8c: {  	[tilespmem:s31+$0x5900] =	vst v3  }
0x8d: {  	v3 =	vld [tilespmem:$0xF910];
	_ =	sdelay $0x1  }
.Ltmp3:
0x8e: {  	(pc) =	sbr.rel @p0 .LBB2_8-.Ltmp3, $3  }
0x8f: {  	v4 =	vadd.f32 v5, v4;
	_ =	sdelay $0x1  }
0x90: {  	s1 =	sshra.s32 s0, $0x2;
	v4 =	vadd.f32 v3, v4  }
0x91: {  	s0 =	sadd.s32 $0x200, s0;
	v3 =	vld [tilespmem:s1+$0x940]  }
0x92: {  	v5 =	vld [tilespmem:s1+$0x3160];
	v4 =	vmax.f32 v4, $0.0e+00  }
0x93: {  	[tilespmem:s31+$0x5910] =	vst v4  }
0x94: {  	v4 =	vld [tilespmem:$0xF900];
	_ =	sdelay $0x2  }
0x95: {  	v3 =	vadd.f32 v5, v3;
	_ =	sdelay $0x1  }
0x96: {  	v3 =	vadd.f32 v4, v3  }
0x97: {  	v5 =	vld [tilespmem:s1+$0x3170]  }
0x98: {  	v4 =	vld [tilespmem:s1+$0x950];
	v3 =	vmax.f32 v3, $0.0e+00  }
0x99: {  	[tilespmem:s1+$0x5900] =	vst v3  }
0x9a: {  	v3 =	vld [tilespmem:$0xF910];
	_ =	sdelay $0x2  }
0x9b: {  	v4 =	vadd.f32 v5, v4;
	_ =	sdelay $0x1  }
0x9c: {  	v3 =	vadd.f32 v3, v4;
	_ =	sdelay $0x1  }
0x9d: {  	v3 =	vmax.f32 v3, $0.0e+00  }
0x9e: {  	[tilespmem:s1+$0x5910] =	vst v3  }
0x9f: {  	[tilespmem:s17], [sflag:$0x1] =	stream.indirect.gather [hbm4b:s2+s15], $0x80, s21, s15, $0xb8;
	[tilespmem:$0xF980] =	vst v63  }
0xa0: {  	_ = 	snop  }
0xa1: {  	[tilespmem:s19], [sflag:$0x1] =	stream.indirect.gather [hbm4b:s2+s15], $0x80, s22, s15, $0xb8;
	[tilespmem:$0xF980] =	vst v63  }
0xa2: {  	_ =	swait.ge [sflag:s20], $0x2800  }
0xa3: {  	[sflag:s20] =	ssyncset.done $0x0  }
0xa4: {  	[sflag:s20] =	ssyncadd.s32 $0xFFFFD800  }
0xa5: {  	_ =	swait.ge [sflag:s20], $0x2800  }
0xa6: {  	[sflag:s20] =	ssyncset.done $0x0  }
0xa7: {  	s31 =	simm.s32 $0x0;
	[sflag:s20] =	ssyncadd.s32 $0xFFFFD800  }
0xa8: {  	v3 =	vld [tilespmem:s31+$0x940]  }
0xa9: {  	v4 =	vld [tilespmem:s31+$0x3160];
	_ =	sdelay $0x1  }
0xaa: {  	v5 =	vld [tilespmem:$0xF900];
	_ =	sdelay $0x2  }
0xab: {  	v3 =	vadd.f32 v4, v3;
	_ =	sdelay $0x1  }
0xac: {  	v3 =	vadd.f32 v5, v3  }
0xad: {  	v4 =	vld [tilespmem:s31+$0x950]  }
0xae: {  	v5 =	vld [tilespmem:s31+$0x3170];
	v3 =	vmax.f32 v3, $0.0e+00  }
0xaf: {  	[tilespmem:s31+$0x8100] =	vst v3  }
0xb0: {  	v3 =	vld [tilespmem:$0xF910];
	_ =	sdelay $0x2  }
0xb1: {  	v4 =	vadd.f32 v5, v4;
	_ =	sdelay $0x1  }
0xb2: {  	s1 =	simm.s32 $0x80;
	v4 =	vadd.f32 v3, v4  }
0xb3: {  	s0 =	simm.s32 $0x400;
	v3 =	vld [tilespmem:s1+$0x940]  }
.LBB2_10:
0xb4: {  	p0 =	sne.s32 s0, $0x9E00;
	v5 =	vld [tilespmem:s1+$0x3160];
	v4 =	vmax.f32 v4, $0.0e+00  }
0xb5: {  	[tilespmem:s31+$0x8110] =	vst v4;
	s31 =	smov.u32 s1  }
0xb6: {  	v4 =	vld [tilespmem:$0xF900];
	_ =	sdelay $0x2  }
0xb7: {  	v3 =	vadd.f32 v5, v3;
	_ =	sdelay $0x1  }
0xb8: {  	v3 =	vadd.f32 v4, v3  }
0xb9: {  	v4 =	vld [tilespmem:s31+$0x950]  }
0xba: {  	v3 =	vmax.f32 v3, $0.0e+00;
	v5 =	vld [tilespmem:s31+$0x3170]  }
0xbb: {  	[tilespmem:s31+$0x8100] =	vst v3  }
0xbc: {  	v3 =	vld [tilespmem:$0xF910];
	_ =	sdelay $0x1  }
.Ltmp4:
0xbd: {  	(pc) =	sbr.rel @p0 .LBB2_10-.Ltmp4, $3  }
0xbe: {  	v4 =	vadd.f32 v5, v4;
	_ =	sdelay $0x1  }
0xbf: {  	s1 =	sshra.s32 s0, $0x2;
	v4 =	vadd.f32 v3, v4  }
0xc0: {  	s0 =	sadd.s32 $0x200, s0;
	v3 =	vld [tilespmem:s1+$0x940]  }
0xc1: {  	v5 =	vld [tilespmem:s1+$0x3160];
	v4 =	vmax.f32 v4, $0.0e+00  }
0xc2: {  	[tilespmem:s31+$0x8110] =	vst v4  }
0xc3: {  	v4 =	vld [tilespmem:$0xF900];
	_ =	sdelay $0x2  }
0xc4: {  	v3 =	vadd.f32 v5, v3;
	_ =	sdelay $0x1  }
0xc5: {  	v3 =	vadd.f32 v4, v3  }
0xc6: {  	v5 =	vld [tilespmem:s1+$0x3170]  }
0xc7: {  	v4 =	vld [tilespmem:s1+$0x950];
	v3 =	vmax.f32 v3, $0.0e+00  }
0xc8: {  	[tilespmem:s1+$0x8100] =	vst v3  }
0xc9: {  	v3 =	vld [tilespmem:$0xF910];
	_ =	sdelay $0x2  }
0xca: {  	v4 =	vadd.f32 v5, v4;
	_ =	sdelay $0x1  }
0xcb: {  	v3 =	vadd.f32 v3, v4;
	_ =	sdelay $0x1  }
0xcc: {  	v3 =	vmax.f32 v3, $0.0e+00  }
0xcd: {  	[tilespmem:s1+$0x8110] =	vst v3  }
0xce: {  	[tilespmem:s17], [sflag:$0x1] =	stream.indirect.gather [hbm4b:s2+s15], $0x80, s23, s15, $0xb8;
	[tilespmem:$0xF980] =	vst v63  }
0xcf: {  	_ = 	snop  }
0xd0: {  	[tilespmem:s19], [sflag:$0x1] =	stream.indirect.gather [hbm4b:s2+s15], $0x80, s24, s15, $0xb8;
	[tilespmem:$0xF980] =	vst v63  }
0xd1: {  	_ =	swait.ge [sflag:s20], $0x2800  }
0xd2: {  	[sflag:s20] =	ssyncset.done $0x0  }
0xd3: {  	[sflag:s20] =	ssyncadd.s32 $0xFFFFD800  }
0xd4: {  	_ =	swait.ge [sflag:s20], $0x2800  }
0xd5: {  	[sflag:s20] =	ssyncset.done $0x0  }
0xd6: {  	s31 =	simm.s32 $0x0;
	[sflag:s20] =	ssyncadd.s32 $0xFFFFD800  }
0xd7: {  	v3 =	vld [tilespmem:s31+$0x940]  }
0xd8: {  	v4 =	vld [tilespmem:s31+$0x3160];
	_ =	sdelay $0x1  }
0xd9: {  	v5 =	vld [tilespmem:$0xF900];
	_ =	sdelay $0x2  }
0xda: {  	v3 =	vadd.f32 v4, v3;
	_ =	sdelay $0x1  }
0xdb: {  	v3 =	vadd.f32 v5, v3  }
0xdc: {  	v4 =	vld [tilespmem:s31+$0x950]  }
0xdd: {  	v5 =	vld [tilespmem:s31+$0x3170];
	v3 =	vmax.f32 v3, $0.0e+00  }
0xde: {  	[tilespmem:s31+$0xA900] =	vst v3  }
0xdf: {  	v3 =	vld [tilespmem:$0xF910];
	_ =	sdelay $0x2  }
0xe0: {  	v4 =	vadd.f32 v5, v4;
	_ =	sdelay $0x1  }
0xe1: {  	s1 =	simm.s32 $0x80;
	v4 =	vadd.f32 v3, v4  }
0xe2: {  	s0 =	simm.s32 $0x400;
	v3 =	vld [tilespmem:s1+$0x940]  }
.LBB2_12:
0xe3: {  	p0 =	sne.s32 s0, $0x9E00;
	v5 =	vld [tilespmem:s1+$0x3160];
	v4 =	vmax.f32 v4, $0.0e+00  }
0xe4: {  	[tilespmem:s31+$0xA910] =	vst v4;
	s31 =	smov.u32 s1  }
0xe5: {  	v4 =	vld [tilespmem:$0xF900];
	_ =	sdelay $0x2  }
0xe6: {  	v3 =	vadd.f32 v5, v3;
	_ =	sdelay $0x1  }
0xe7: {  	v3 =	vadd.f32 v4, v3  }
0xe8: {  	v4 =	vld [tilespmem:s31+$0x950]  }
0xe9: {  	v3 =	vmax.f32 v3, $0.0e+00;
	v5 =	vld [tilespmem:s31+$0x3170]  }
0xea: {  	[tilespmem:s31+$0xA900] =	vst v3  }
0xeb: {  	v3 =	vld [tilespmem:$0xF910];
	_ =	sdelay $0x1  }
.Ltmp5:
0xec: {  	(pc) =	sbr.rel @p0 .LBB2_12-.Ltmp5, $3  }
0xed: {  	v4 =	vadd.f32 v5, v4;
	_ =	sdelay $0x1  }
0xee: {  	s1 =	sshra.s32 s0, $0x2;
	v4 =	vadd.f32 v3, v4  }
0xef: {  	s0 =	sadd.s32 $0x200, s0;
	v3 =	vld [tilespmem:s1+$0x940]  }
0xf0: {  	v5 =	vld [tilespmem:s1+$0x3160];
	v4 =	vmax.f32 v4, $0.0e+00  }
0xf1: {  	[tilespmem:s31+$0xA910] =	vst v4  }
0xf2: {  	v4 =	vld [tilespmem:$0xF900];
	_ =	sdelay $0x2  }
0xf3: {  	v3 =	vadd.f32 v5, v3;
	_ =	sdelay $0x1  }
0xf4: {  	v3 =	vadd.f32 v4, v3  }
0xf5: {  	v5 =	vld [tilespmem:s1+$0x3170]  }
0xf6: {  	v4 =	vld [tilespmem:s1+$0x950];
	v3 =	vmax.f32 v3, $0.0e+00  }
0xf7: {  	[tilespmem:s1+$0xA900] =	vst v3  }
0xf8: {  	v3 =	vld [tilespmem:$0xF910];
	_ =	sdelay $0x2  }
0xf9: {  	v4 =	vadd.f32 v5, v4;
	_ =	sdelay $0x1  }
0xfa: {  	v3 =	vadd.f32 v3, v4;
	_ =	sdelay $0x1  }
0xfb: {  	v3 =	vmax.f32 v3, $0.0e+00  }
0xfc: {  	[tilespmem:s1+$0xA910] =	vst v3  }
0xfd: {  	[tilespmem:s17], [sflag:$0x1] =	stream.indirect.gather [hbm4b:s2+s15], $0x80, s25, s15, $0xb8;
	[tilespmem:$0xF980] =	vst v63  }
0xfe: {  	_ = 	snop  }
0xff: {  	[tilespmem:s19], [sflag:$0x1] =	stream.indirect.gather [hbm4b:s2+s15], $0x80, s26, s15, $0xb8;
	[tilespmem:$0xF980] =	vst v63  }
0x100: {  	_ =	swait.ge [sflag:s20], $0x2800  }
0x101: {  	[sflag:s20] =	ssyncset.done $0x0  }
0x102: {  	[sflag:s20] =	ssyncadd.s32 $0xFFFFD800  }
0x103: {  	_ =	swait.ge [sflag:s20], $0x2800  }
0x104: {  	[sflag:s20] =	ssyncset.done $0x0  }
0x105: {  	s31 =	simm.s32 $0x0;
	[sflag:s20] =	ssyncadd.s32 $0xFFFFD800  }
0x106: {  	v3 =	vld [tilespmem:s31+$0x940]  }
0x107: {  	v4 =	vld [tilespmem:s31+$0x3160];
	_ =	sdelay $0x1  }
0x108: {  	v5 =	vld [tilespmem:$0xF900];
	_ =	sdelay $0x2  }
0x109: {  	v3 =	vadd.f32 v4, v3;
	_ =	sdelay $0x1  }
0x10a: {  	v3 =	vadd.f32 v5, v3  }
0x10b: {  	v4 =	vld [tilespmem:s31+$0x950]  }
0x10c: {  	v5 =	vld [tilespmem:s31+$0x3170];
	v3 =	vmax.f32 v3, $0.0e+00  }
0x10d: {  	[tilespmem:s31+$0xD100] =	vst v3  }
0x10e: {  	v3 =	vld [tilespmem:$0xF910];
	_ =	sdelay $0x2  }
0x10f: {  	v4 =	vadd.f32 v5, v4;
	_ =	sdelay $0x1  }
0x110: {  	s1 =	simm.s32 $0x80;
	v4 =	vadd.f32 v3, v4  }
0x111: {  	s0 =	simm.s32 $0x400;
	v3 =	vld [tilespmem:s1+$0x940]  }
.LBB2_14:
0x112: {  	p0 =	sne.s32 s0, $0x9E00;
	v5 =	vld [tilespmem:s1+$0x3160];
	v4 =	vmax.f32 v4, $0.0e+00  }
0x113: {  	[tilespmem:s31+$0xD110] =	vst v4;
	s31 =	smov.u32 s1  }
0x114: {  	v4 =	vld [tilespmem:$0xF900];
	_ =	sdelay $0x2  }
0x115: {  	v3 =	vadd.f32 v5, v3;
	_ =	sdelay $0x1  }
0x116: {  	v3 =	vadd.f32 v4, v3  }
0x117: {  	v4 =	vld [tilespmem:s31+$0x950]  }
0x118: {  	v3 =	vmax.f32 v3, $0.0e+00;
	v5 =	vld [tilespmem:s31+$0x3170]  }
0x119: {  	[tilespmem:s31+$0xD100] =	vst v3  }
0x11a: {  	v3 =	vld [tilespmem:$0xF910];
	_ =	sdelay $0x1  }
.Ltmp6:
0x11b: {  	(pc) =	sbr.rel @p0 .LBB2_14-.Ltmp6, $3  }
0x11c: {  	v4 =	vadd.f32 v5, v4;
	_ =	sdelay $0x1  }
0x11d: {  	s1 =	sshra.s32 s0, $0x2;
	v4 =	vadd.f32 v3, v4  }
0x11e: {  	s0 =	sadd.s32 $0x200, s0;
	v3 =	vld [tilespmem:s1+$0x940]  }
0x11f: {  	v5 =	vld [tilespmem:s1+$0x3160];
	v4 =	vmax.f32 v4, $0.0e+00  }
0x120: {  	[tilespmem:s31+$0xD110] =	vst v4  }
0x121: {  	v4 =	vld [tilespmem:$0xF900];
	_ =	sdelay $0x2  }
0x122: {  	v3 =	vadd.f32 v5, v3;
	_ =	sdelay $0x1  }
0x123: {  	v3 =	vadd.f32 v4, v3  }
0x124: {  	v62 =	vld [tilespmem:s1+$0x950]  }
0x125: {  	v63 =	vld [tilespmem:s1+$0x3170];
	v3 =	vmax.f32 v3, $0.0e+00  }
0x126: {  	[tilespmem:s1+$0xD100] =	vst v3  }
0x127: {  	v3 =	vld [tilespmem:$0xF910];
	_ =	sdelay $0x2  }
0x128: {  	v4 =	vadd.f32 v63, v62;
	_ =	sdelay $0x1  }
0x129: {  	v3 =	vadd.f32 v3, v4;
	_ =	sdelay $0x1  }
0x12a: {  	v3 =	vmax.f32 v3, $0.0e+00  }
0x12b: {  	[tilespmem:s1+$0xD110] =	vst v3  }
0x12c: {  	[hbm4b:s8+s4] =	stream.linear.scatter [tilespmem:s28], [sflag:$0x2], $0xA000, $0x38;
	[tilespmem:$0xF980] =	vst v63  }
0x12d: {  	s30 =	sadd.s32 $0x1, s30;
	_ =	swait.ge [sflag:s13], $0xA000  }
0x12e: {  	p0 =	sne.s32 s30, s10;
	[sflag:s13] =	ssyncset.done $0x0  }
.Ltmp7:
0x12f: {  	[sflag:s13] =	ssyncadd.s32 $0xFFFF6000;
	(pc) =	sbr.rel @p0 .LBB2_1-.Ltmp7, $4  }
0x130: {  	[hbm4b:s9+s4] =	stream.linear.scatter [tilespmem:s29], [sflag:$0x2], $0x140, $0x38;
	[tilespmem:$0xF980] =	vst v63  }
0x131: {  	_ =	swait.ge [sflag:s13], $0x140  }
0x132: {  	[sflag:s13] =	ssyncset.done $0x0  }
0x133: {  	[sflag:s13] =	ssyncadd.s32 $0xFFFFFEC0  }
0x134: {  	_ =	sfence.sel $0x180000  }
0x135: {  	[bflag:$0x0] =	sbarrier.arrive $0xFFFF  }
0x136: {  	_ =	strace $0x9000004A  }
0x137: {  	s0 =	stileid.u32;
	[bflag:$0x2] =	sbarrier.arrive $0xFFFF  }
0x138: {  	p0 =	sne.s32 s0, $0x0;
	s0 =	rddreg [dreg:$0x3]  }
0x139: {  	s0 =	sadd.s32 @!p0 $0x100000, s0  }
0x13a: {  	[sflag:s0] =	ssyncadd.tile.s32 @!p0 $0x1;
	_ =	shalt  }
.Lfunc_end2:
_tile_overlayer_lowered:
.L_overlay_start_2:
0x13b: {  	(tag) =	ssettag $0x2  }
0x13c: {  	s0 =	rddreg [dreg:$0x0];
	s2 =	stileid.u32  }
0x13d: {  	s1 =	rddreg [dreg:$0x1];
	p0 =	sne.s32 s2, $0x0  }
0x13e: {  	s3 =	rddreg [dreg:$0x2];
	[bflag:$0x3] =	sbarrier.arrive $0xFFFF;
	s2 =	simm.s32 @!p0 $0x1C02  }
0x13f: {  	[timem:s3], [sflag:s2] =	dma.local @!p0 [hbm:s0], s1  }
0x140: {  	s0 =	simm.s32 @!p0 $0x2  }
0x141: {  	_ =	swait.ge @!p0 [sflag:s0], s1  }
0x142: {  	s1 =	ssub.s32 @!p0 $0x0, s1;
	[sflag:s0] =	ssyncset.done @!p0 $0x0  }
0x143: {  	[sflag:s0] =	ssyncadd.s32 @!p0 s1  }
0x144: {  	[bflag:$0x3] =	sbarrier.arrive $0xFFFF  }
0x145: {  	_ =	shalt  }

</sc_bundles>
